<compile_context>
chip_gen: v7x
topology: tpu7x:2x2x1
jax: 0.10.2.dev20260603
libtpu: 0.0.44.dev20260713+nightly
codegen_flags: <defaults>
</compile_context>

<pallas_src>
import functools

import jax
import jax.numpy as jnp
from jax import lax
from jax.experimental import pallas as pl
from jax.experimental.pallas import tpu as pltpu
from jax.experimental.pallas import tpu_sc as plsc

NSC = 2
NTILE = 16
NW = NSC * NTILE
LANES = 16
ACCW = 144
BATCH = 80


def _sc_body(n_ent, channel, batch, nbatch,
             entity_hbm, comb_hbm, weight_hbm, out_hbm,
             comb_v, weight_v, rows_v, staged_v, tail_i, head_i, acc_sh, sem):
    cid = lax.axis_index("c")
    sid = lax.axis_index("s")
    w = cid * NTILE + sid

    rows_per_tile = n_ent // NTILE
    nch = channel // LANES
    naccw = ACCW // LANES
    ngrp = batch // LANES

    zvec = jnp.zeros((LANES,), jnp.float32)

    def _zrow(b, _):
        for c in range(naccw):
            staged_v[b, pl.ds(c * LANES, LANES)] = zvec
        return 0

    lax.fori_loop(0, batch, _zrow, 0)

    nfull = rows_per_tile // batch
    rem = rows_per_tile - nfull * batch
    for z in range(nfull):
        pltpu.sync_copy(staged_v,
                        acc_sh.at[pl.ds(sid * rows_per_tile + z * batch, batch)])
    pltpu.sync_copy(staged_v.at[pl.ds(0, rem)],
                    acc_sh.at[pl.ds(sid * rows_per_tile + nfull * batch, rem)])

    pltpu.sync_copy(comb_hbm.at[w], comb_v)
    pltpu.sync_copy(weight_hbm, weight_v)

    onevec = jnp.where(lax.iota(jnp.int32, LANES) == 0,
                       jnp.float32(1.0), jnp.float32(0.0))

    def _ones(b, _):
        staged_v[b, pl.ds(channel, LANES)] = onevec
        return 0

    lax.fori_loop(0, batch, _ones, 0)

    plsc.subcore_barrier()

    mask14 = jnp.int32(0x3FFF)

    def _batch(j, _):
        def _unpack(g, carry):
            cvec = comb_v[j, pl.ds(g * LANES, LANES)]
            tail_i[pl.ds(g * LANES, LANES)] = (
                lax.shift_right_logical(cvec, 14) & mask14)
            head_i[pl.ds(g * LANES, LANES)] = cvec & mask14
            return carry

        lax.fori_loop(0, ngrp, _unpack, 0)

        pltpu.async_copy(entity_hbm.at[tail_i], rows_v, sem).wait()

        def _group(g, carry):
            cvec = comb_v[j, pl.ds(g * LANES, LANES)]
            rvec = (lax.shift_right_logical(cvec, 28) & 3) * channel
            for l in range(LANES):
                roff = rvec[l]
                b = g * LANES + l
                for c in range(nch):
                    x = rows_v[b, pl.ds(c * LANES, LANES)]
                    wv = weight_v[pl.ds(roff + c * LANES, LANES)]
                    staged_v[b, pl.ds(c * LANES, LANES)] = x * wv
            return carry

        lax.fori_loop(0, ngrp, _group, 0)

        pltpu.sync_copy(staged_v, acc_sh.at[head_i], add=True)
        return 0

    lax.fori_loop(0, nbatch, _batch, 0)

    plsc.subcore_barrier()

    pltpu.sync_copy(acc_sh.at[pl.ds(sid * rows_per_tile, rows_per_tile)],
                    out_hbm.at[cid, pl.ds(sid * rows_per_tile, rows_per_tile)])


def _entity_finalize_body(p_ref, out_ref):
    s = p_ref[0] + p_ref[1]
    cnt = jnp.maximum(s[:, 128:129], 1.0)
    out_ref[...] = s[:, :128] / cnt


def _user_body(im_ref, ent_ref, ue_ref, le_ref, w_ref, da_ref, out_ref):
    acc = jnp.dot(im_ref[...], ent_ref[...], preferred_element_type=jnp.float32)
    score_ = lax.dot_general(ue_ref[...], le_ref[...],
                             (((1,), (1,)), ((), ())),
                             preferred_element_type=jnp.float32)
    score = jax.nn.softmax(score_, axis=1)
    dw = jnp.dot(jax.nn.softmax(da_ref[...], axis=-1), w_ref[...],
                 preferred_element_type=jnp.float32)
    coef = jnp.dot(score, dw, preferred_element_type=jnp.float32)
    out_ref[...] = acc * (1.0 + coef)


def kernel(entity_emb, user_emb, latent_emb, edge_index, edge_type,
           interact_mat, weight, disen_weight_att):
    n_ent, channel = entity_emb.shape
    n_users = user_emb.shape[0]
    n_rel = weight.shape[0]
    n_edges = edge_index.shape[1]

    e_per_tile = n_edges // NW
    nbatch = e_per_tile // BATCH

    head = edge_index[0].astype(jnp.int32)
    tail = edge_index[1].astype(jnp.int32)
    rel = (edge_type.astype(jnp.int32) - 1) % n_rel
    comb = (head | (tail << 14) | (rel << 28)).reshape(NW, nbatch, BATCH)
    weight_flat = weight.reshape(-1)
    comb, weight_flat = lax.optimization_barrier((comb, weight_flat))

    mesh = plsc.VectorSubcoreMesh(core_axis_name="c", subcore_axis_name="s")
    sc_call = pl.kernel(
        functools.partial(_sc_body, n_ent, channel, BATCH, nbatch),
        out_type=jax.ShapeDtypeStruct((NSC, n_ent, ACCW), jnp.float32),
        mesh=mesh,
        compiler_params=pltpu.CompilerParams(use_tc_tiling_on_sc=False),
        scratch_types=[
            pltpu.VMEM((nbatch, BATCH), jnp.int32),
            pltpu.VMEM((n_rel * channel,), jnp.float32),
            pltpu.VMEM((BATCH, channel), jnp.float32),
            pltpu.VMEM((BATCH, ACCW), jnp.float32),
            pltpu.VMEM((BATCH,), jnp.int32),
            pltpu.VMEM((BATCH,), jnp.int32),
            pltpu.VMEM_SHARED((n_ent, ACCW), jnp.float32),
            pltpu.SemaphoreType.DMA,
        ],
    )
    partials = sc_call(entity_emb, comb, weight_flat)

    entity_agg = pl.pallas_call(
        _entity_finalize_body,
        out_shape=jax.ShapeDtypeStruct((n_ent, channel), jnp.float32),
    )(partials)

    bm = 256
    user_agg = pl.pallas_call(
        _user_body,
        grid=(n_users // bm,),
        in_specs=[
            pl.BlockSpec((bm, n_ent), lambda i: (i, 0)),
            pl.BlockSpec((n_ent, channel), lambda i: (0, 0)),
            pl.BlockSpec((bm, channel), lambda i: (i, 0)),
            pl.BlockSpec(latent_emb.shape, lambda i: (0, 0)),
            pl.BlockSpec(weight.shape, lambda i: (0, 0)),
            pl.BlockSpec(disen_weight_att.shape, lambda i: (0, 0)),
        ],
        out_specs=pl.BlockSpec((bm, channel), lambda i: (i, 0)),
        out_shape=jax.ShapeDtypeStruct((n_users, channel), jnp.float32),
    )(interact_mat, entity_emb, user_emb, latent_emb, weight,
      disen_weight_att)

    return (entity_agg, user_agg)

# --- scband reference (transcript-rebuilt; emitter-appended) ---
"""Pipeline reference for scband-recommender-13048110645352 (READ-ONLY COPY).

The authoritative reference and input builder live on the scoring server;
editing this copy changes nothing except your own understanding.
"""

import jax, jax.numpy as jnp
import numpy as np

N_ENTITIES = 10000
N_USERS = 4096
CHANNEL = 128
N_FACTORS = 4
N_REL_M1 = 4
N_EDGES = 320000


def setup_inputs(seed: int = 0) -> dict:
    key = jax.random.key(seed)
    ks = jax.random.split(key, 8)
    entity_emb = jax.random.normal(ks[0], (N_ENTITIES, CHANNEL), dtype=jnp.float32)
    user_emb = jax.random.normal(ks[1], (N_USERS, CHANNEL), dtype=jnp.float32)
    latent_emb = jax.random.normal(ks[2], (N_FACTORS, CHANNEL), dtype=jnp.float32)
    edge_index = jax.random.randint(ks[3], (2, N_EDGES), 0, N_ENTITIES, dtype=jnp.int32)
    edge_type = jax.random.randint(ks[4], (N_EDGES,), 0, N_REL_M1, dtype=jnp.int32)
    interact_mat = jax.random.uniform(ks[5], (N_USERS, N_ENTITIES), dtype=jnp.float32)
    weight = jax.random.normal(ks[6], (N_REL_M1, CHANNEL), dtype=jnp.float32)
    disen_weight_att = jax.random.normal(ks[7], (N_FACTORS, N_REL_M1), dtype=jnp.float32)
    return {
        'entity_emb': entity_emb,
        'user_emb': user_emb,
        'latent_emb': latent_emb,
        'edge_index': edge_index,
        'edge_type': edge_type,
        'interact_mat': interact_mat,
        'weight': weight,
        'disen_weight_att': disen_weight_att,
    }


def reference(entity_emb, user_emb, latent_emb, edge_index, edge_type, interact_mat, weight, disen_weight_att):
    n_entities = entity_emb.shape[0]
    channel = entity_emb.shape[1]
    n_users = user_emb.shape[0]
    n_factors = disen_weight_att.shape[0]
    # KG aggregate
    head = edge_index[0]
    tail = edge_index[1]
    rel_idx = edge_type - 1
    # emulate torch negative-index wraparound for edge_type == 0
    rel_idx = jnp.where(rel_idx < 0, rel_idx + weight.shape[0], rel_idx)
    edge_relation_emb = jnp.take(weight, rel_idx, axis=0)
    neigh_relation_emb = jnp.take(entity_emb, tail, axis=0) * edge_relation_emb
    # scatter_mean over head with dim_size=n_entities (empty segments -> 0, count clamped to 1)
    seg_sum = jax.ops.segment_sum(neigh_relation_emb, head, num_segments=n_entities)
    counts = jax.ops.segment_sum(jnp.ones((head.shape[0],), dtype=jnp.float32), head, num_segments=n_entities)
    entity_agg = seg_sum / jnp.maximum(counts, 1.0)[:, None]
    # user -> latent factor attention
    score_ = user_emb @ latent_emb.T
    score = jax.nn.softmax(score_, axis=1)[:, :, None]
    # user aggregate (sparse.mm modeled as dense matmul)
    user_agg = interact_mat @ entity_emb
    disen_weight = jax.nn.softmax(disen_weight_att, axis=-1) @ weight
    disen_b = jnp.broadcast_to(disen_weight[None, :, :], (n_users, n_factors, channel))
    user_agg = user_agg * (disen_b * score).sum(axis=1) + user_agg
    return (entity_agg, user_agg)

if __name__ == "__main__":
    import jax
    _d = setup_inputs()
    print(jax.jit(kernel)(*tuple(_d.values())))

</pallas_src>

<mosaic_0001>
#map = affine_map<(d0, d1) -> (0, 0)>
#map1 = affine_map<(d0, d1) -> (0, 0, 0)>
#map2 = affine_map<(d0, d1) -> (0)>
module attributes {stable_mosaic.version = 14 : i64} {
  func.func @_sc_body(%arg0: i32, %arg1: i32, %arg2: memref<10000x128xf32, #tpu.memory_space<hbm>>, %arg3: memref<32x125x80xi32, #tpu.memory_space<hbm>>, %arg4: memref<512xf32, #tpu.memory_space<hbm>>, %arg5: memref<2x10000x144xf32, #tpu.memory_space<hbm>>, %arg6: memref<125x80xi32, #tpu.memory_space<vmem>>, %arg7: memref<512xf32, #tpu.memory_space<vmem>>, %arg8: memref<80x128xf32, #tpu.memory_space<vmem>>, %arg9: memref<80x144xf32, #tpu.memory_space<vmem>>, %arg10: memref<80xi32, #tpu.memory_space<vmem>>, %arg11: memref<80xi32, #tpu.memory_space<vmem>>, %arg12: memref<10000x144xf32, #tpu.memory_space<vmem_shared>>, %arg13: memref<!tpu.dma_semaphore, #tpu.memory_space<semaphore_mem>>) attributes {dimension_semantics = [#tpu.dimension_semantics<core_parallel>, #tpu.dimension_semantics<subcore_parallel>], iteration_bounds = array<i64: 2, 16>, scalar_prefetch = 0 : i64, scratch_operands = 8 : i64, tpu.core_type = #tpu.core_type<sc_vector_subcore>, window_params = [{transform_indices = #map}, {transform_indices = #map1}, {transform_indices = #map2}, {transform_indices = #map1}]} {
    %mul3A = arith.constant 16 : i32
    %mul3A_0 = arith.muli %arg0, %mul3A : i32
    %add3A = arith.addi %mul3A_0, %arg1 : i32
    %broadcast_in_dim3A = arith.constant 0.000000e+00 : f32
    %broadcast_in_dim3A_1 = vector.broadcast %broadcast_in_dim3A : f32 to vector<16xf32>
    %scan3A = arith.constant 0 : i32
    %scan3A_2 = arith.constant 0 : i32
    %scan3A_3 = arith.constant 80 : i32
    %scan3A_4 = arith.addi %scan3A_2, %scan3A_3 : i32
    %scan3A_5 = arith.constant 1 : i32
    %scan3A_6 = scf.for %scan3A_65 = %scan3A_2 to %scan3A_4 step %scan3A_5 iter_args(%scan3A_66 = %scan3A) -> (i32)  : i32 {
      %swap3A = arith.index_cast %scan3A_65 : i32 to index
      %swap3A_67 = arith.constant 0 : index
      %swap3A_68 = tpu.vector_load %arg9[%swap3A, %swap3A_67] {strides = array<i32>} : memref<80x144xf32, #tpu.memory_space<vmem>>, vector<1x16xf32>,
      %swap3A_69 = vector.shape_cast %swap3A_68 : vector<1x16xf32> to vector<16xf32>
      %swap3A_70 = vector.shape_cast %broadcast_in_dim3A_1 : vector<16xf32> to vector<1x16xf32>
      tpu.vector_store %arg9[%swap3A, %swap3A_67], %swap3A_70 {strides = array<i32>} : memref<80x144xf32, #tpu.memory_space<vmem>>, vector<1x16xf32>,
      %swap3A_71 = arith.index_cast %scan3A_65 : i32 to index
      %swap3A_72 = arith.constant 16 : index
      %swap3A_73 = tpu.vector_load %arg9[%swap3A_71, %swap3A_72] {strides = array<i32>} : memref<80x144xf32, #tpu.memory_space<vmem>>, vector<1x16xf32>,
      %swap3A_74 = vector.shape_cast %swap3A_73 : vector<1x16xf32> to vector<16xf32>
      %swap3A_75 = vector.shape_cast %broadcast_in_dim3A_1 : vector<16xf32> to vector<1x16xf32>
      tpu.vector_store %arg9[%swap3A_71, %swap3A_72], %swap3A_75 {strides = array<i32>} : memref<80x144xf32, #tpu.memory_space<vmem>>, vector<1x16xf32>,
      %swap3A_76 = arith.index_cast %scan3A_65 : i32 to index
      %swap3A_77 = arith.constant 32 : index
      %swap3A_78 = tpu.vector_load %arg9[%swap3A_76, %swap3A_77] {strides = array<i32>} : memref<80x144xf32, #tpu.memory_space<vmem>>, vector<1x16xf32>,
      %swap3A_79 = vector.shape_cast %swap3A_78 : vector<1x16xf32> to vector<16xf32>
      %swap3A_80 = vector.shape_cast %broadcast_in_dim3A_1 : vector<16xf32> to vector<1x16xf32>
      tpu.vector_store %arg9[%swap3A_76, %swap3A_77], %swap3A_80 {strides = array<i32>} : memref<80x144xf32, #tpu.memory_space<vmem>>, vector<1x16xf32>,
      %swap3A_81 = arith.index_cast %scan3A_65 : i32 to index
      %swap3A_82 = arith.constant 48 : index
      %swap3A_83 = tpu.vector_load %arg9[%swap3A_81, %swap3A_82] {strides = array<i32>} : memref<80x144xf32, #tpu.memory_space<vmem>>, vector<1x16xf32>,
      %swap3A_84 = vector.shape_cast %swap3A_83 : vector<1x16xf32> to vector<16xf32>
      %swap3A_85 = vector.shape_cast %broadcast_in_dim3A_1 : vector<16xf32> to vector<1x16xf32>
      tpu.vector_store %arg9[%swap3A_81, %swap3A_82], %swap3A_85 {strides = array<i32>} : memref<80x144xf32, #tpu.memory_space<vmem>>, vector<1x16xf32>,
      %swap3A_86 = arith.index_cast %scan3A_65 : i32 to index
      %swap3A_87 = arith.constant 64 : index
      %swap3A_88 = tpu.vector_load %arg9[%swap3A_86, %swap3A_87] {strides = array<i32>} : memref<80x144xf32, #tpu.memory_space<vmem>>, vector<1x16xf32>,
      %swap3A_89 = vector.shape_cast %swap3A_88 : vector<1x16xf32> to vector<16xf32>
      %swap3A_90 = vector.shape_cast %broadcast_in_dim3A_1 : vector<16xf32> to vector<1x16xf32>
      tpu.vector_store %arg9[%swap3A_86, %swap3A_87], %swap3A_90 {strides = array<i32>} : memref<80x144xf32, #tpu.memory_space<vmem>>, vector<1x16xf32>,
      %swap3A_91 = arith.index_cast %scan3A_65 : i32 to index
      %swap3A_92 = arith.constant 80 : index
      %swap3A_93 = tpu.vector_load %arg9[%swap3A_91, %swap3A_92] {strides = array<i32>} : memref<80x144xf32, #tpu.memory_space<vmem>>, vector<1x16xf32>,
      %swap3A_94 = vector.shape_cast %swap3A_93 : vector<1x16xf32> to vector<16xf32>
      %swap3A_95 = vector.shape_cast %broadcast_in_dim3A_1 : vector<16xf32> to vector<1x16xf32>
      tpu.vector_store %arg9[%swap3A_91, %swap3A_92], %swap3A_95 {strides = array<i32>} : memref<80x144xf32, #tpu.memory_space<vmem>>, vector<1x16xf32>,
      %swap3A_96 = arith.index_cast %scan3A_65 : i32 to index
      %swap3A_97 = arith.constant 96 : index
      %swap3A_98 = tpu.vector_load %arg9[%swap3A_96, %swap3A_97] {strides = array<i32>} : memref<80x144xf32, #tpu.memory_space<vmem>>, vector<1x16xf32>,
      %swap3A_99 = vector.shape_cast %swap3A_98 : vector<1x16xf32> to vector<16xf32>
      %swap3A_100 = vector.shape_cast %broadcast_in_dim3A_1 : vector<16xf32> to vector<1x16xf32>
      tpu.vector_store %arg9[%swap3A_96, %swap3A_97], %swap3A_100 {strides = array<i32>} : memref<80x144xf32, #tpu.memory_space<vmem>>, vector<1x16xf32>,
      %swap3A_101 = arith.index_cast %scan3A_65 : i32 to index
      %swap3A_102 = arith.constant 112 : index
      %swap3A_103 = tpu.vector_load %arg9[%swap3A_101, %swap3A_102] {strides = array<i32>} : memref<80x144xf32, #tpu.memory_space<vmem>>, vector<1x16xf32>,
      %swap3A_104 = vector.shape_cast %swap3A_103 : vector<1x16xf32> to vector<16xf32>
      %swap3A_105 = vector.shape_cast %broadcast_in_dim3A_1 : vector<16xf32> to vector<1x16xf32>
      tpu.vector_store %arg9[%swap3A_101, %swap3A_102], %swap3A_105 {strides = array<i32>} : memref<80x144xf32, #tpu.memory_space<vmem>>, vector<1x16xf32>,
      %swap3A_106 = arith.index_cast %scan3A_65 : i32 to index
      %swap3A_107 = arith.constant 128 : index
      %swap3A_108 = tpu.vector_load %arg9[%swap3A_106, %swap3A_107] {strides = array<i32>} : memref<80x144xf32, #tpu.memory_space<vmem>>, vector<1x16xf32>,
      %swap3A_109 = vector.shape_cast %swap3A_108 : vector<1x16xf32> to vector<16xf32>
      %swap3A_110 = vector.shape_cast %broadcast_in_dim3A_1 : vector<16xf32> to vector<1x16xf32>
      tpu.vector_store %arg9[%swap3A_106, %swap3A_107], %swap3A_110 {strides = array<i32>} : memref<80x144xf32, #tpu.memory_space<vmem>>, vector<1x16xf32>,
      %scan3A_111 = arith.constant 0 : i32
      scf.yield %scan3A_111 : i32
    }
    %scan3A_7 = arith.constant 80 : i32
    %mul3A_8 = arith.constant 625 : i32
    %mul3A_9 = arith.muli %arg1, %mul3A_8 : i32
    %add3A_10 = arith.constant 0 : i32
    %add3A_11 = arith.addi %mul3A_9, %add3A_10 : i32
    "tpu.region"() ({
      %run_scoped3A = tpu.sem_alloc : memref<!tpu.dma_semaphore, #tpu.memory_space<semaphore_mem>>
      %dma_start3A = arith.constant 0 : i32
      %dma_start3A_65 = tpu.memref_slice %arg12[%add3A_11, %dma_start3A] : memref<10000x144xf32, #tpu.memory_space<vmem_shared>> -> memref<80x144xf32, #tpu.memory_space<vmem_shared>>
      %dma_start3A_66 = arith.constant 0 : i32
      %dma_start3A_67 = tpu.memref_slice %arg12[%add3A_11, %dma_start3A_66] : memref<10000x144xf32, #tpu.memory_space<vmem_shared>> -> memref<80x144xf32, #tpu.memory_space<vmem_shared>>
      tpu.enqueue_dma source(%arg9 : memref<80x144xf32, #tpu.memory_space<vmem>>) target(%dma_start3A_67 : memref<80x144xf32, #tpu.memory_space<vmem_shared>>) target_semaphore(%run_scoped3A : memref<!tpu.dma_semaphore, #tpu.memory_space<semaphore_mem>>)
      %dma_wait3A = arith.constant 0 : i32
      %dma_wait3A_68 = tpu.memref_slice %arg12[%add3A_11, %dma_wait3A] : memref<10000x144xf32, #tpu.memory_space<vmem_shared>> -> memref<80x144xf32, #tpu.memory_space<vmem_shared>>
      %dma_wait3A_69 = arith.constant 0 : i32
      %dma_wait3A_70 = tpu.memref_slice %arg12[%add3A_11, %dma_wait3A_69] : memref<10000x144xf32, #tpu.memory_space<vmem_shared>> -> memref<80x144xf32, #tpu.memory_space<vmem_shared>>
      tpu.wait_dma2 semaphore(%run_scoped3A : memref<!tpu.dma_semaphore, #tpu.memory_space<semaphore_mem>>) src(%arg9 : memref<80x144xf32, #tpu.memory_space<vmem>>) dst(%dma_wait3A_70 : memref<80x144xf32, #tpu.memory_space<vmem_shared>>)
      tpu.yield
    }) : () -> ()
    %mul3A_12 = arith.constant 625 : i32
    %mul3A_13 = arith.muli %arg1, %mul3A_12 : i32
    %add3A_14 = arith.constant 80 : i32
    %add3A_15 = arith.addi %mul3A_13, %add3A_14 : i32
    "tpu.region"() ({
      %run_scoped3A = tpu.sem_alloc : memref<!tpu.dma_semaphore, #tpu.memory_space<semaphore_mem>>
      %dma_start3A = arith.constant 0 : i32
      %dma_start3A_65 = tpu.memref_slice %arg12[%add3A_15, %dma_start3A] : memref<10000x144xf32, #tpu.memory_space<vmem_shared>> -> memref<80x144xf32, #tpu.memory_space<vmem_shared>>
      %dma_start3A_66 = arith.constant 0 : i32
      %dma_start3A_67 = tpu.memref_slice %arg12[%add3A_15, %dma_start3A_66] : memref<10000x144xf32, #tpu.memory_space<vmem_shared>> -> memref<80x144xf32, #tpu.memory_space<vmem_shared>>
      tpu.enqueue_dma source(%arg9 : memref<80x144xf32, #tpu.memory_space<vmem>>) target(%dma_start3A_67 : memref<80x144xf32, #tpu.memory_space<vmem_shared>>) target_semaphore(%run_scoped3A : memref<!tpu.dma_semaphore, #tpu.memory_space<semaphore_mem>>)
      %dma_wait3A = arith.constant 0 : i32
      %dma_wait3A_68 = tpu.memref_slice %arg12[%add3A_15, %dma_wait3A] : memref<10000x144xf32, #tpu.memory_space<vmem_shared>> -> memref<80x144xf32, #tpu.memory_space<vmem_shared>>
      %dma_wait3A_69 = arith.constant 0 : i32
      %dma_wait3A_70 = tpu.memref_slice %arg12[%add3A_15, %dma_wait3A_69] : memref<10000x144xf32, #tpu.memory_space<vmem_shared>> -> memref<80x144xf32, #tpu.memory_space<vmem_shared>>
      tpu.wait_dma2 semaphore(%run_scoped3A : memref<!tpu.dma_semaphore, #tpu.memory_space<semaphore_mem>>) src(%arg9 : memref<80x144xf32, #tpu.memory_space<vmem>>) dst(%dma_wait3A_70 : memref<80x144xf32, #tpu.memory_space<vmem_shared>>)
      tpu.yield
    }) : () -> ()
    %mul3A_16 = arith.constant 625 : i32
    %mul3A_17 = arith.muli %arg1, %mul3A_16 : i32
    %add3A_18 = arith.constant 160 : i32
    %add3A_19 = arith.addi %mul3A_17, %add3A_18 : i32
    "tpu.region"() ({
      %run_scoped3A = tpu.sem_alloc : memref<!tpu.dma_semaphore, #tpu.memory_space<semaphore_mem>>
      %dma_start3A = arith.constant 0 : i32
      %dma_start3A_65 = tpu.memref_slice %arg12[%add3A_19, %dma_start3A] : memref<10000x144xf32, #tpu.memory_space<vmem_shared>> -> memref<80x144xf32, #tpu.memory_space<vmem_shared>>
      %dma_start3A_66 = arith.constant 0 : i32
      %dma_start3A_67 = tpu.memref_slice %arg12[%add3A_19, %dma_start3A_66] : memref<10000x144xf32, #tpu.memory_space<vmem_shared>> -> memref<80x144xf32, #tpu.memory_space<vmem_shared>>
      tpu.enqueue_dma source(%arg9 : memref<80x144xf32, #tpu.memory_space<vmem>>) target(%dma_start3A_67 : memref<80x144xf32, #tpu.memory_space<vmem_shared>>) target_semaphore(%run_scoped3A : memref<!tpu.dma_semaphore, #tpu.memory_space<semaphore_mem>>)
      %dma_wait3A = arith.constant 0 : i32
      %dma_wait3A_68 = tpu.memref_slice %arg12[%add3A_19, %dma_wait3A] : memref<10000x144xf32, #tpu.memory_space<vmem_shared>> -> memref<80x144xf32, #tpu.memory_space<vmem_shared>>
      %dma_wait3A_69 = arith.constant 0 : i32
      %dma_wait3A_70 = tpu.memref_slice %arg12[%add3A_19, %dma_wait3A_69] : memref<10000x144xf32, #tpu.memory_space<vmem_shared>> -> memref<80x144xf32, #tpu.memory_space<vmem_shared>>
      tpu.wait_dma2 semaphore(%run_scoped3A : memref<!tpu.dma_semaphore, #tpu.memory_space<semaphore_mem>>) src(%arg9 : memref<80x144xf32, #tpu.memory_space<vmem>>) dst(%dma_wait3A_70 : memref<80x144xf32, #tpu.memory_space<vmem_shared>>)
      tpu.yield
    }) : () -> ()
    %mul3A_20 = arith.constant 625 : i32
    %mul3A_21 = arith.muli %arg1, %mul3A_20 : i32
    %add3A_22 = arith.constant 240 : i32
    %add3A_23 = arith.addi %mul3A_21, %add3A_22 : i32
    "tpu.region"() ({
      %run_scoped3A = tpu.sem_alloc : memref<!tpu.dma_semaphore, #tpu.memory_space<semaphore_mem>>
      %dma_start3A = arith.constant 0 : i32
      %dma_start3A_65 = tpu.memref_slice %arg12[%add3A_23, %dma_start3A] : memref<10000x144xf32, #tpu.memory_space<vmem_shared>> -> memref<80x144xf32, #tpu.memory_space<vmem_shared>>
      %dma_start3A_66 = arith.constant 0 : i32
      %dma_start3A_67 = tpu.memref_slice %arg12[%add3A_23, %dma_start3A_66] : memref<10000x144xf32, #tpu.memory_space<vmem_shared>> -> memref<80x144xf32, #tpu.memory_space<vmem_shared>>
      tpu.enqueue_dma source(%arg9 : memref<80x144xf32, #tpu.memory_space<vmem>>) target(%dma_start3A_67 : memref<80x144xf32, #tpu.memory_space<vmem_shared>>) target_semaphore(%run_scoped3A : memref<!tpu.dma_semaphore, #tpu.memory_space<semaphore_mem>>)
      %dma_wait3A = arith.constant 0 : i32
      %dma_wait3A_68 = tpu.memref_slice %arg12[%add3A_23, %dma_wait3A] : memref<10000x144xf32, #tpu.memory_space<vmem_shared>> -> memref<80x144xf32, #tpu.memory_space<vmem_shared>>
      %dma_wait3A_69 = arith.constant 0 : i32
      %dma_wait3A_70 = tpu.memref_slice %arg12[%add3A_23, %dma_wait3A_69] : memref<10000x144xf32, #tpu.memory_space<vmem_shared>> -> memref<80x144xf32, #tpu.memory_space<vmem_shared>>
      tpu.wait_dma2 semaphore(%run_scoped3A : memref<!tpu.dma_semaphore, #tpu.memory_space<semaphore_mem>>) src(%arg9 : memref<80x144xf32, #tpu.memory_space<vmem>>) dst(%dma_wait3A_70 : memref<80x144xf32, #tpu.memory_space<vmem_shared>>)
      tpu.yield
    }) : () -> ()
    %mul3A_24 = arith.constant 625 : i32
    %mul3A_25 = arith.muli %arg1, %mul3A_24 : i32
    %add3A_26 = arith.constant 320 : i32
    %add3A_27 = arith.addi %mul3A_25, %add3A_26 : i32
    "tpu.region"() ({
      %run_scoped3A = tpu.sem_alloc : memref<!tpu.dma_semaphore, #tpu.memory_space<semaphore_mem>>
      %dma_start3A = arith.constant 0 : i32
      %dma_start3A_65 = tpu.memref_slice %arg12[%add3A_27, %dma_start3A] : memref<10000x144xf32, #tpu.memory_space<vmem_shared>> -> memref<80x144xf32, #tpu.memory_space<vmem_shared>>
      %dma_start3A_66 = arith.constant 0 : i32
      %dma_start3A_67 = tpu.memref_slice %arg12[%add3A_27, %dma_start3A_66] : memref<10000x144xf32, #tpu.memory_space<vmem_shared>> -> memref<80x144xf32, #tpu.memory_space<vmem_shared>>
      tpu.enqueue_dma source(%arg9 : memref<80x144xf32, #tpu.memory_space<vmem>>) target(%dma_start3A_67 : memref<80x144xf32, #tpu.memory_space<vmem_shared>>) target_semaphore(%run_scoped3A : memref<!tpu.dma_semaphore, #tpu.memory_space<semaphore_mem>>)
      %dma_wait3A = arith.constant 0 : i32
      %dma_wait3A_68 = tpu.memref_slice %arg12[%add3A_27, %dma_wait3A] : memref<10000x144xf32, #tpu.memory_space<vmem_shared>> -> memref<80x144xf32, #tpu.memory_space<vmem_shared>>
      %dma_wait3A_69 = arith.constant 0 : i32
      %dma_wait3A_70 = tpu.memref_slice %arg12[%add3A_27, %dma_wait3A_69] : memref<10000x144xf32, #tpu.memory_space<vmem_shared>> -> memref<80x144xf32, #tpu.memory_space<vmem_shared>>
      tpu.wait_dma2 semaphore(%run_scoped3A : memref<!tpu.dma_semaphore, #tpu.memory_space<semaphore_mem>>) src(%arg9 : memref<80x144xf32, #tpu.memory_space<vmem>>) dst(%dma_wait3A_70 : memref<80x144xf32, #tpu.memory_space<vmem_shared>>)
      tpu.yield
    }) : () -> ()
    %mul3A_28 = arith.constant 625 : i32
    %mul3A_29 = arith.muli %arg1, %mul3A_28 : i32
    %add3A_30 = arith.constant 400 : i32
    %add3A_31 = arith.addi %mul3A_29, %add3A_30 : i32
    "tpu.region"() ({
      %run_scoped3A = tpu.sem_alloc : memref<!tpu.dma_semaphore, #tpu.memory_space<semaphore_mem>>
      %dma_start3A = arith.constant 0 : i32
      %dma_start3A_65 = tpu.memref_slice %arg12[%add3A_31, %dma_start3A] : memref<10000x144xf32, #tpu.memory_space<vmem_shared>> -> memref<80x144xf32, #tpu.memory_space<vmem_shared>>
      %dma_start3A_66 = arith.constant 0 : i32
      %dma_start3A_67 = tpu.memref_slice %arg12[%add3A_31, %dma_start3A_66] : memref<10000x144xf32, #tpu.memory_space<vmem_shared>> -> memref<80x144xf32, #tpu.memory_space<vmem_shared>>
      tpu.enqueue_dma source(%arg9 : memref<80x144xf32, #tpu.memory_space<vmem>>) target(%dma_start3A_67 : memref<80x144xf32, #tpu.memory_space<vmem_shared>>) target_semaphore(%run_scoped3A : memref<!tpu.dma_semaphore, #tpu.memory_space<semaphore_mem>>)
      %dma_wait3A = arith.constant 0 : i32
      %dma_wait3A_68 = tpu.memref_slice %arg12[%add3A_31, %dma_wait3A] : memref<10000x144xf32, #tpu.memory_space<vmem_shared>> -> memref<80x144xf32, #tpu.memory_space<vmem_shared>>
      %dma_wait3A_69 = arith.constant 0 : i32
      %dma_wait3A_70 = tpu.memref_slice %arg12[%add3A_31, %dma_wait3A_69] : memref<10000x144xf32, #tpu.memory_space<vmem_shared>> -> memref<80x144xf32, #tpu.memory_space<vmem_shared>>
      tpu.wait_dma2 semaphore(%run_scoped3A : memref<!tpu.dma_semaphore, #tpu.memory_space<semaphore_mem>>) src(%arg9 : memref<80x144xf32, #tpu.memory_space<vmem>>) dst(%dma_wait3A_70 : memref<80x144xf32, #tpu.memory_space<vmem_shared>>)
      tpu.yield
    }) : () -> ()
    %mul3A_32 = arith.constant 625 : i32
    %mul3A_33 = arith.muli %arg1, %mul3A_32 : i32
    %add3A_34 = arith.constant 480 : i32
    %add3A_35 = arith.addi %mul3A_33, %add3A_34 : i32
    "tpu.region"() ({
      %run_scoped3A = tpu.sem_alloc : memref<!tpu.dma_semaphore, #tpu.memory_space<semaphore_mem>>
      %dma_start3A = arith.constant 0 : i32
      %dma_start3A_65 = tpu.memref_slice %arg12[%add3A_35, %dma_start3A] : memref<10000x144xf32, #tpu.memory_space<vmem_shared>> -> memref<80x144xf32, #tpu.memory_space<vmem_shared>>
      %dma_start3A_66 = arith.constant 0 : i32
      %dma_start3A_67 = tpu.memref_slice %arg12[%add3A_35, %dma_start3A_66] : memref<10000x144xf32, #tpu.memory_space<vmem_shared>> -> memref<80x144xf32, #tpu.memory_space<vmem_shared>>
      tpu.enqueue_dma source(%arg9 : memref<80x144xf32, #tpu.memory_space<vmem>>) target(%dma_start3A_67 : memref<80x144xf32, #tpu.memory_space<vmem_shared>>) target_semaphore(%run_scoped3A : memref<!tpu.dma_semaphore, #tpu.memory_space<semaphore_mem>>)
      %dma_wait3A = arith.constant 0 : i32
      %dma_wait3A_68 = tpu.memref_slice %arg12[%add3A_35, %dma_wait3A] : memref<10000x144xf32, #tpu.memory_space<vmem_shared>> -> memref<80x144xf32, #tpu.memory_space<vmem_shared>>
      %dma_wait3A_69 = arith.constant 0 : i32
      %dma_wait3A_70 = tpu.memref_slice %arg12[%add3A_35, %dma_wait3A_69] : memref<10000x144xf32, #tpu.memory_space<vmem_shared>> -> memref<80x144xf32, #tpu.memory_space<vmem_shared>>
      tpu.wait_dma2 semaphore(%run_scoped3A : memref<!tpu.dma_semaphore, #tpu.memory_space<semaphore_mem>>) src(%arg9 : memref<80x144xf32, #tpu.memory_space<vmem>>) dst(%dma_wait3A_70 : memref<80x144xf32, #tpu.memory_space<vmem_shared>>)
      tpu.yield
    }) : () -> ()
    %mul3A_36 = arith.constant 625 : i32
    %mul3A_37 = arith.muli %arg1, %mul3A_36 : i32
    %add3A_38 = arith.constant 560 : i32
    %add3A_39 = arith.addi %mul3A_37, %add3A_38 : i32
    "tpu.region"() ({
      %run_scoped3A = tpu.sem_alloc : memref<!tpu.dma_semaphore, #tpu.memory_space<semaphore_mem>>
      %dma_start3A = arith.constant 0 : i32
      %dma_start3A_65 = arith.constant 0 : i32
      %dma_start3A_66 = tpu.memref_slice %arg9[%dma_start3A, %dma_start3A_65] : memref<80x144xf32, #tpu.memory_space<vmem>> -> memref<65x144xf32, #tpu.memory_space<vmem>>
      %dma_start3A_67 = arith.constant 0 : i32
      %dma_start3A_68 = tpu.memref_slice %arg12[%add3A_39, %dma_start3A_67] : memref<10000x144xf32, #tpu.memory_space<vmem_shared>> -> memref<65x144xf32, #tpu.memory_space<vmem_shared>>
      %dma_start3A_69 = arith.constant 0 : i32
      %dma_start3A_70 = tpu.memref_slice %arg12[%add3A_39, %dma_start3A_69] : memref<10000x144xf32, #tpu.memory_space<vmem_shared>> -> memref<65x144xf32, #tpu.memory_space<vmem_shared>>
      %dma_start3A_71 = arith.constant 0 : i32
      %dma_start3A_72 = arith.constant 0 : i32
      %dma_start3A_73 = tpu.memref_slice %arg9[%dma_start3A_71, %dma_start3A_72] : memref<80x144xf32, #tpu.memory_space<vmem>> -> memref<65x144xf32, #tpu.memory_space<vmem>>
      tpu.enqueue_dma source(%dma_start3A_73 : memref<65x144xf32, #tpu.memory_space<vmem>>) target(%dma_start3A_70 : memref<65x144xf32, #tpu.memory_space<vmem_shared>>) target_semaphore(%run_scoped3A : memref<!tpu.dma_semaphore, #tpu.memory_space<semaphore_mem>>)
      %dma_wait3A = arith.constant 0 : i32
      %dma_wait3A_74 = arith.constant 0 : i32
      %dma_wait3A_75 = tpu.memref_slice %arg9[%dma_wait3A, %dma_wait3A_74] : memref<80x144xf32, #tpu.memory_space<vmem>> -> memref<65x144xf32, #tpu.memory_space<vmem>>
      %dma_wait3A_76 = arith.constant 0 : i32
      %dma_wait3A_77 = tpu.memref_slice %arg12[%add3A_39, %dma_wait3A_76] : memref<10000x144xf32, #tpu.memory_space<vmem_shared>> -> memref<65x144xf32, #tpu.memory_space<vmem_shared>>
      %dma_wait3A_78 = arith.constant 0 : i32
      %dma_wait3A_79 = tpu.memref_slice %arg12[%add3A_39, %dma_wait3A_78] : memref<10000x144xf32, #tpu.memory_space<vmem_shared>> -> memref<65x144xf32, #tpu.memory_space<vmem_shared>>
      %dma_wait3A_80 = arith.constant 0 : i32
      %dma_wait3A_81 = arith.constant 0 : i32
      %dma_wait3A_82 = tpu.memref_slice %arg9[%dma_wait3A_80, %dma_wait3A_81] : memref<80x144xf32, #tpu.memory_space<vmem>> -> memref<65x144xf32, #tpu.memory_space<vmem>>
      tpu.wait_dma2 semaphore(%run_scoped3A : memref<!tpu.dma_semaphore, #tpu.memory_space<semaphore_mem>>) src(%dma_wait3A_82 : memref<65x144xf32, #tpu.memory_space<vmem>>) dst(%dma_wait3A_79 : memref<65x144xf32, #tpu.memory_space<vmem_shared>>)
      tpu.yield
    }) : () -> ()
    "tpu.region"() ({
      %run_scoped3A = tpu.sem_alloc : memref<!tpu.dma_semaphore, #tpu.memory_space<semaphore_mem>>
      %dma_start3A = arith.constant 0 : i32
      %dma_start3A_65 = arith.constant 0 : i32
      %dma_start3A_66 = tpu.memref_slice %arg3[%add3A, %dma_start3A, %dma_start3A_65] : memref<32x125x80xi32, #tpu.memory_space<hbm>> -> memref<1x125x80xi32, #tpu.memory_space<hbm>>
      %dma_start3A_67 = tpu.memref_squeeze %dma_start3A_66 : memref<1x125x80xi32, #tpu.memory_space<hbm>> -> memref<125x80xi32, #tpu.memory_space<hbm>>
      %dma_start3A_68 = arith.constant 0 : i32
      %dma_start3A_69 = arith.constant 0 : i32
      %dma_start3A_70 = tpu.memref_slice %arg3[%add3A, %dma_start3A_68, %dma_start3A_69] : memref<32x125x80xi32, #tpu.memory_space<hbm>> -> memref<1x125x80xi32, #tpu.memory_space<hbm>>
      %dma_start3A_71 = tpu.memref_squeeze %dma_start3A_70 : memref<1x125x80xi32, #tpu.memory_space<hbm>> -> memref<125x80xi32, #tpu.memory_space<hbm>>
      tpu.enqueue_dma source(%dma_start3A_71 : memref<125x80xi32, #tpu.memory_space<hbm>>) target(%arg6 : memref<125x80xi32, #tpu.memory_space<vmem>>) target_semaphore(%run_scoped3A : memref<!tpu.dma_semaphore, #tpu.memory_space<semaphore_mem>>)
      %dma_wait3A = arith.constant 0 : i32
      %dma_wait3A_72 = arith.constant 0 : i32
      %dma_wait3A_73 = tpu.memref_slice %arg3[%add3A, %dma_wait3A, %dma_wait3A_72] : memref<32x125x80xi32, #tpu.memory_space<hbm>> -> memref<1x125x80xi32, #tpu.memory_space<hbm>>
      %dma_wait3A_74 = tpu.memref_squeeze %dma_wait3A_73 : memref<1x125x80xi32, #tpu.memory_space<hbm>> -> memref<125x80xi32, #tpu.memory_space<hbm>>
      %dma_wait3A_75 = arith.constant 0 : i32
      %dma_wait3A_76 = arith.constant 0 : i32
      %dma_wait3A_77 = tpu.memref_slice %arg3[%add3A, %dma_wait3A_75, %dma_wait3A_76] : memref<32x125x80xi32, #tpu.memory_space<hbm>> -> memref<1x125x80xi32, #tpu.memory_space<hbm>>
      %dma_wait3A_78 = tpu.memref_squeeze %dma_wait3A_77 : memref<1x125x80xi32, #tpu.memory_space<hbm>> -> memref<125x80xi32, #tpu.memory_space<hbm>>
      tpu.wait_dma2 semaphore(%run_scoped3A : memref<!tpu.dma_semaphore, #tpu.memory_space<semaphore_mem>>) src(%dma_wait3A_78 : memref<125x80xi32, #tpu.memory_space<hbm>>) dst(%arg6 : memref<125x80xi32, #tpu.memory_space<vmem>>)
      tpu.yield
    }) : () -> ()
    "tpu.region"() ({
      %run_scoped3A = tpu.sem_alloc : memref<!tpu.dma_semaphore, #tpu.memory_space<semaphore_mem>>
      tpu.enqueue_dma source(%arg4 : memref<512xf32, #tpu.memory_space<hbm>>) target(%arg7 : memref<512xf32, #tpu.memory_space<vmem>>) target_semaphore(%run_scoped3A : memref<!tpu.dma_semaphore, #tpu.memory_space<semaphore_mem>>)
      tpu.wait_dma2 semaphore(%run_scoped3A : memref<!tpu.dma_semaphore, #tpu.memory_space<semaphore_mem>>) src(%arg4 : memref<512xf32, #tpu.memory_space<hbm>>) dst(%arg7 : memref<512xf32, #tpu.memory_space<vmem>>)
      tpu.yield
    }) : () -> ()
    %iota3A = tpu.iota {dimensions = array<i32: 0>} : vector<16xi32>
    %eq3A = arith.constant 0 : i32
    %eq3A_40 = vector.broadcast %eq3A : i32 to vector<16xi32>
    %eq3A_41 = arith.cmpi eq, %iota3A, %eq3A_40 : vector<16xi32>
    %jit3A = arith.constant 1.000000e+00 : f32
    %jit3A_42 = arith.constant 0.000000e+00 : f32
    %broadcast_in_dim3A_43 = vector.broadcast %jit3A : f32 to vector<16xf32>
    %broadcast_in_dim3A_44 = vector.broadcast %jit3A_42 : f32 to vector<16xf32>
    %select_n3A = arith.select %eq3A_41, %broadcast_in_dim3A_43, %broadcast_in_dim3A_44 : vector<16xi1>, vector<16xf32>
    %scan3A_45 = arith.constant 0 : i32
    %scan3A_46 = arith.constant 0 : i32
    %scan3A_47 = arith.constant 80 : i32
    %scan3A_48 = arith.addi %scan3A_46, %scan3A_47 : i32
    %scan3A_49 = arith.constant 1 : i32
    %scan3A_50 = scf.for %scan3A_65 = %scan3A_46 to %scan3A_48 step %scan3A_49 iter_args(%scan3A_66 = %scan3A_45) -> (i32)  : i32 {
      %swap3A = arith.index_cast %scan3A_65 : i32 to index
      %swap3A_67 = arith.constant 128 : index
      %swap3A_68 = tpu.vector_load %arg9[%swap3A, %swap3A_67] {strides = array<i32>} : memref<80x144xf32, #tpu.memory_space<vmem>>, vector<1x16xf32>,
      %swap3A_69 = vector.shape_cast %swap3A_68 : vector<1x16xf32> to vector<16xf32>
      %swap3A_70 = vector.shape_cast %select_n3A : vector<16xf32> to vector<1x16xf32>
      tpu.vector_store %arg9[%swap3A, %swap3A_67], %swap3A_70 {strides = array<i32>} : memref<80x144xf32, #tpu.memory_space<vmem>>, vector<1x16xf32>,
      %scan3A_71 = arith.constant 0 : i32
      scf.yield %scan3A_71 : i32
    }
    %scan3A_51 = arith.constant 80 : i32
    %barrier3A = arith.constant 0 : index
    tpu.barrier barrier_id(%barrier3A)
    %scan3A_52 = arith.constant 16383 : i32
    %scan3A_53 = arith.constant 0 : i32
    %scan3A_54 = arith.constant 0 : i32
    %scan3A_55 = arith.constant 125 : i32
    %scan3A_56 = arith.addi %scan3A_54, %scan3A_55 : i32
    %scan3A_57 = arith.constant 1 : i32
    %scan3A_58 = scf.for %scan3A_65 = %scan3A_54 to %scan3A_56 step %scan3A_57 iter_args(%scan3A_66 = %scan3A_53) -> (i32)  : i32 {
      %scan3A_67 = arith.constant 0 : i32
      %scan3A_68 = arith.constant 0 : i32
      %scan3A_69 = arith.constant 5 : i32
      %scan3A_70 = arith.addi %scan3A_68, %scan3A_69 : i32
      %scan3A_71 = arith.constant 1 : i32
      scf.for %scan3A_84 = %scan3A_68 to %scan3A_70 step %scan3A_71  : i32 {
        %mul3A_85 = arith.constant 16 : i32
        %mul3A_86 = arith.muli %scan3A_84, %mul3A_85 : i32
        %get3A = arith.index_cast %scan3A_65 : i32 to index
        %get3A_87 = arith.index_cast %mul3A_86 : i32 to index
        %get3A_88 = tpu.vector_load %arg6[%get3A, %get3A_87] {strides = array<i32>} : memref<125x80xi32, #tpu.memory_space<vmem>>, vector<1x16xi32>,
        %get3A_89 = vector.shape_cast %get3A_88 : vector<1x16xi32> to vector<16xi32>
        %shift_right_logical3A = arith.constant 14 : i32
        %shift_right_logical3A_90 = vector.broadcast %shift_right_logical3A : i32 to vector<16xi32>
        %shift_right_logical3A_91 = arith.shrui %get3A_89, %shift_right_logical3A_90 : vector<16xi32>
        %and3A = vector.broadcast %scan3A_52 : i32 to vector<16xi32>
        %and3A_92 = arith.andi %shift_right_logical3A_91, %and3A : vector<16xi32>
        %mul3A_93 = arith.constant 16 : i32
        %mul3A_94 = arith.muli %scan3A_84, %mul3A_93 : i32
        %swap3A = arith.index_cast %mul3A_94 : i32 to index
        %swap3A_95 = tpu.vector_load %arg10[%swap3A] {strides = array<i32>} : memref<80xi32, #tpu.memory_space<vmem>>, vector<16xi32>,
        %swap3A_96 = vector.shape_cast %swap3A_95 : vector<16xi32> to vector<16xi32>
        %swap3A_97 = vector.shape_cast %and3A_92 : vector<16xi32> to vector<16xi32>
        tpu.vector_store %arg10[%swap3A], %swap3A_97 {strides = array<i32>} : memref<80xi32, #tpu.memory_space<vmem>>, vector<16xi32>,
        %and3A_98 = vector.broadcast %scan3A_52 : i32 to vector<16xi32>
        %and3A_99 = arith.andi %get3A_89, %and3A_98 : vector<16xi32>
        %mul3A_100 = arith.constant 16 : i32
        %mul3A_101 = arith.muli %scan3A_84, %mul3A_100 : i32
        %swap3A_102 = arith.index_cast %mul3A_101 : i32 to index
        %swap3A_103 = tpu.vector_load %arg11[%swap3A_102] {strides = array<i32>} : memref<80xi32, #tpu.memory_space<vmem>>, vector<16xi32>,
        %swap3A_104 = vector.shape_cast %swap3A_103 : vector<16xi32> to vector<16xi32>
        %swap3A_105 = vector.shape_cast %and3A_99 : vector<16xi32> to vector<16xi32>
        tpu.vector_store %arg11[%swap3A_102], %swap3A_105 {strides = array<i32>} : memref<80xi32, #tpu.memory_space<vmem>>, vector<16xi32>,
      }
      %scan3A_72 = arith.constant 5 : i32
      %dma_start3A = arith.constant 0 : i32
      %dma_start3A_73 = arith.constant 0 : i32
      %dma_start3A_74 = tpu.memref_slice %arg2[%dma_start3A, %dma_start3A_73] : memref<10000x128xf32, #tpu.memory_space<hbm>> -> memref<10000x128xf32, #tpu.memory_space<hbm>>
      tpu.enqueue_indirect_dma source(%dma_start3A_74 : memref<10000x128xf32, #tpu.memory_space<hbm>>) target(%arg8 : memref<80x128xf32, #tpu.memory_space<vmem>>) offsets(%arg10 : memref<80xi32, #tpu.memory_space<vmem>>) semaphore(%arg13 : memref<!tpu.dma_semaphore, #tpu.memory_space<semaphore_mem>>)
      %dma_wait3A = arith.constant 0 : i32
      %dma_wait3A_75 = arith.constant 0 : i32
      %dma_wait3A_76 = tpu.memref_slice %arg2[%dma_wait3A, %dma_wait3A_75] : memref<10000x128xf32, #tpu.memory_space<hbm>> -> memref<10000x128xf32, #tpu.memory_space<hbm>>
      tpu.wait_indirect_dma semaphore(%arg13 : memref<!tpu.dma_semaphore, #tpu.memory_space<semaphore_mem>>) src(%dma_wait3A_76 : memref<10000x128xf32, #tpu.memory_space<hbm>>) dst(%arg8 : memref<80x128xf32, #tpu.memory_space<vmem>>)
      %scan3A_77 = arith.constant 0 : i32
      %scan3A_78 = arith.constant 0 : i32
      %scan3A_79 = arith.constant 5 : i32
      %scan3A_80 = arith.addi %scan3A_78, %scan3A_79 : i32
      %scan3A_81 = arith.constant 1 : i32
      scf.for %scan3A_84 = %scan3A_78 to %scan3A_80 step %scan3A_81  : i32 {
        %mul3A_85 = arith.constant 16 : i32
        %mul3A_86 = arith.muli %scan3A_84, %mul3A_85 : i32
        %get3A = arith.index_cast %scan3A_65 : i32 to index
        %get3A_87 = arith.index_cast %mul3A_86 : i32 to index
        %get3A_88 = tpu.vector_load %arg6[%get3A, %get3A_87] {strides = array<i32>} : memref<125x80xi32, #tpu.memory_space<vmem>>, vector<1x16xi32>,
        %get3A_89 = vector.shape_cast %get3A_88 : vector<1x16xi32> to vector<16xi32>
        %shift_right_logical3A = arith.constant 28 : i32
        %shift_right_logical3A_90 = vector.broadcast %shift_right_logical3A : i32 to vector<16xi32>
        %shift_right_logical3A_91 = arith.shrui %get3A_89, %shift_right_logical3A_90 : vector<16xi32>
        %and3A = arith.constant 3 : i32
        %and3A_92 = vector.broadcast %and3A : i32 to vector<16xi32>
        %and3A_93 = arith.andi %shift_right_logical3A_91, %and3A_92 : vector<16xi32>
        %mul3A_94 = arith.constant 128 : i32
        %mul3A_95 = vector.broadcast %mul3A_94 : i32 to vector<16xi32>
        %mul3A_96 = arith.muli %and3A_93, %mul3A_95 : vector<16xi32>
        %slice3A = vector.extract_strided_slice %mul3A_96 {offsets = [0], sizes = [1], strides = [1]} : vector<16xi32> to vector<1xi32>
        %squeeze3A = vector.extract %slice3A[0] : i32 from vector<1xi32>
        %mul3A_97 = arith.constant 16 : i32
        %mul3A_98 = arith.muli %scan3A_84, %mul3A_97 : i32
        %add3A_99 = arith.constant 0 : i32
        %add3A_100 = arith.addi %mul3A_98, %add3A_99 : i32
        %get3A_101 = arith.index_cast %add3A_100 : i32 to index
        %get3A_102 = arith.constant 0 : index
        %get3A_103 = tpu.vector_load %arg8[%get3A_101, %get3A_102] {strides = array<i32>} : memref<80x128xf32, #tpu.memory_space<vmem>>, vector<1x16xf32>,
        %get3A_104 = vector.shape_cast %get3A_103 : vector<1x16xf32> to vector<16xf32>
        %add3A_105 = arith.constant 0 : i32
        %add3A_106 = arith.addi %squeeze3A, %add3A_105 : i32
        %get3A_107 = arith.index_cast %add3A_106 : i32 to index
        %get3A_108 = tpu.vector_load %arg7[%get3A_107] {strides = array<i32>} : memref<512xf32, #tpu.memory_space<vmem>>, vector<16xf32>,
        %get3A_109 = vector.shape_cast %get3A_108 : vector<16xf32> to vector<16xf32>
        %mul3A_110 = arith.mulf %get3A_104, %get3A_109 : vector<16xf32>
        %swap3A = arith.index_cast %add3A_100 : i32 to index
        %swap3A_111 = arith.constant 0 : index
        %swap3A_112 = tpu.vector_load %arg9[%swap3A, %swap3A_111] {strides = array<i32>} : memref<80x144xf32, #tpu.memory_space<vmem>>, vector<1x16xf32>,
        %swap3A_113 = vector.shape_cast %swap3A_112 : vector<1x16xf32> to vector<16xf32>
        %swap3A_114 = vector.shape_cast %mul3A_110 : vector<16xf32> to vector<1x16xf32>
        tpu.vector_store %arg9[%swap3A, %swap3A_111], %swap3A_114 {strides = array<i32>} : memref<80x144xf32, #tpu.memory_space<vmem>>, vector<1x16xf32>,
        %get3A_115 = arith.index_cast %add3A_100 : i32 to index
        %get3A_116 = arith.constant 16 : index
        %get3A_117 = tpu.vector_load %arg8[%get3A_115, %get3A_116] {strides = array<i32>} : memref<80x128xf32, #tpu.memory_space<vmem>>, vector<1x16xf32>,
        %get3A_118 = vector.shape_cast %get3A_117 : vector<1x16xf32> to vector<16xf32>
        %add3A_119 = arith.constant 16 : i32
        %add3A_120 = arith.addi %squeeze3A, %add3A_119 : i32
        %get3A_121 = arith.index_cast %add3A_120 : i32 to index
        %get3A_122 = tpu.vector_load %arg7[%get3A_121] {strides = array<i32>} : memref<512xf32, #tpu.memory_space<vmem>>, vector<16xf32>,
        %get3A_123 = vector.shape_cast %get3A_122 : vector<16xf32> to vector<16xf32>
        %mul3A_124 = arith.mulf %get3A_118, %get3A_123 : vector<16xf32>
        %swap3A_125 = arith.index_cast %add3A_100 : i32 to index
        %swap3A_126 = arith.constant 16 : index
        %swap3A_127 = tpu.vector_load %arg9[%swap3A_125, %swap3A_126] {strides = array<i32>} : memref<80x144xf32, #tpu.memory_space<vmem>>, vector<1x16xf32>,
        %swap3A_128 = vector.shape_cast %swap3A_127 : vector<1x16xf32> to vector<16xf32>
        %swap3A_129 = vector.shape_cast %mul3A_124 : vector<16xf32> to vector<1x16xf32>
        tpu.vector_store %arg9[%swap3A_125, %swap3A_126], %swap3A_129 {strides = array<i32>} : memref<80x144xf32, #tpu.memory_space<vmem>>, vector<1x16xf32>,
        %get3A_130 = arith.index_cast %add3A_100 : i32 to index
        %get3A_131 = arith.constant 32 : index
        %get3A_132 = tpu.vector_load %arg8[%get3A_130, %get3A_131] {strides = array<i32>} : memref<80x128xf32, #tpu.memory_space<vmem>>, vector<1x16xf32>,
        %get3A_133 = vector.shape_cast %get3A_132 : vector<1x16xf32> to vector<16xf32>
        %add3A_134 = arith.constant 32 : i32
        %add3A_135 = arith.addi %squeeze3A, %add3A_134 : i32
        %get3A_136 = arith.index_cast %add3A_135 : i32 to index
        %get3A_137 = tpu.vector_load %arg7[%get3A_136] {strides = array<i32>} : memref<512xf32, #tpu.memory_space<vmem>>, vector<16xf32>,
        %get3A_138 = vector.shape_cast %get3A_137 : vector<16xf32> to vector<16xf32>
        %mul3A_139 = arith.mulf %get3A_133, %get3A_138 : vector<16xf32>
        %swap3A_140 = arith.index_cast %add3A_100 : i32 to index
        %swap3A_141 = arith.constant 32 : index
        %swap3A_142 = tpu.vector_load %arg9[%swap3A_140, %swap3A_141] {strides = array<i32>} : memref<80x144xf32, #tpu.memory_space<vmem>>, vector<1x16xf32>,
        %swap3A_143 = vector.shape_cast %swap3A_142 : vector<1x16xf32> to vector<16xf32>
        %swap3A_144 = vector.shape_cast %mul3A_139 : vector<16xf32> to vector<1x16xf32>
        tpu.vector_store %arg9[%swap3A_140, %swap3A_141], %swap3A_144 {strides = array<i32>} : memref<80x144xf32, #tpu.memory_space<vmem>>, vector<1x16xf32>,
        %get3A_145 = arith.index_cast %add3A_100 : i32 to index
        %get3A_146 = arith.constant 48 : index
        %get3A_147 = tpu.vector_load %arg8[%get3A_145, %get3A_146] {strides = array<i32>} : memref<80x128xf32, #tpu.memory_space<vmem>>, vector<1x16xf32>,
        %get3A_148 = vector.shape_cast %get3A_147 : vector<1x16xf32> to vector<16xf32>
        %add3A_149 = arith.constant 48 : i32
        %add3A_150 = arith.addi %squeeze3A, %add3A_149 : i32
        %get3A_151 = arith.index_cast %add3A_150 : i32 to index
        %get3A_152 = tpu.vector_load %arg7[%get3A_151] {strides = array<i32>} : memref<512xf32, #tpu.memory_space<vmem>>, vector<16xf32>,
        %get3A_153 = vector.shape_cast %get3A_152 : vector<16xf32> to vector<16xf32>
        %mul3A_154 = arith.mulf %get3A_148, %get3A_153 : vector<16xf32>
        %swap3A_155 = arith.index_cast %add3A_100 : i32 to index
        %swap3A_156 = arith.constant 48 : index
        %swap3A_157 = tpu.vector_load %arg9[%swap3A_155, %swap3A_156] {strides = array<i32>} : memref<80x144xf32, #tpu.memory_space<vmem>>, vector<1x16xf32>,
        %swap3A_158 = vector.shape_cast %swap3A_157 : vector<1x16xf32> to vector<16xf32>
        %swap3A_159 = vector.shape_cast %mul3A_154 : vector<16xf32> to vector<1x16xf32>
        tpu.vector_store %arg9[%swap3A_155, %swap3A_156], %swap3A_159 {strides = array<i32>} : memref<80x144xf32, #tpu.memory_space<vmem>>, vector<1x16xf32>,
        %get3A_160 = arith.index_cast %add3A_100 : i32 to index
        %get3A_161 = arith.constant 64 : index
        %get3A_162 = tpu.vector_load %arg8[%get3A_160, %get3A_161] {strides = array<i32>} : memref<80x128xf32, #tpu.memory_space<vmem>>, vector<1x16xf32>,
        %get3A_163 = vector.shape_cast %get3A_162 : vector<1x16xf32> to vector<16xf32>
        %add3A_164 = arith.constant 64 : i32
        %add3A_165 = arith.addi %squeeze3A, %add3A_164 : i32
        %get3A_166 = arith.index_cast %add3A_165 : i32 to index
        %get3A_167 = tpu.vector_load %arg7[%get3A_166] {strides = array<i32>} : memref<512xf32, #tpu.memory_space<vmem>>, vector<16xf32>,
        %get3A_168 = vector.shape_cast %get3A_167 : vector<16xf32> to vector<16xf32>
        %mul3A_169 = arith.mulf %get3A_163, %get3A_168 : vector<16xf32>
        %swap3A_170 = arith.index_cast %add3A_100 : i32 to index
        %swap3A_171 = arith.constant 64 : index
        %swap3A_172 = tpu.vector_load %arg9[%swap3A_170, %swap3A_171] {strides = array<i32>} : memref<80x144xf32, #tpu.memory_space<vmem>>, vector<1x16xf32>,
        %swap3A_173 = vector.shape_cast %swap3A_172 : vector<1x16xf32> to vector<16xf32>
        %swap3A_174 = vector.shape_cast %mul3A_169 : vector<16xf32> to vector<1x16xf32>
        tpu.vector_store %arg9[%swap3A_170, %swap3A_171], %swap3A_174 {strides = array<i32>} : memref<80x144xf32, #tpu.memory_space<vmem>>, vector<1x16xf32>,
        %get3A_175 = arith.index_cast %add3A_100 : i32 to index
        %get3A_176 = arith.constant 80 : index
        %get3A_177 = tpu.vector_load %arg8[%get3A_175, %get3A_176] {strides = array<i32>} : memref<80x128xf32, #tpu.memory_space<vmem>>, vector<1x16xf32>,
        %get3A_178 = vector.shape_cast %get3A_177 : vector<1x16xf32> to vector<16xf32>
        %add3A_179 = arith.constant 80 : i32
        %add3A_180 = arith.addi %squeeze3A, %add3A_179 : i32
        %get3A_181 = arith.index_cast %add3A_180 : i32 to index
        %get3A_182 = tpu.vector_load %arg7[%get3A_181] {strides = array<i32>} : memref<512xf32, #tpu.memory_space<vmem>>, vector<16xf32>,
        %get3A_183 = vector.shape_cast %get3A_182 : vector<16xf32> to vector<16xf32>
        %mul3A_184 = arith.mulf %get3A_178, %get3A_183 : vector<16xf32>
        %swap3A_185 = arith.index_cast %add3A_100 : i32 to index
        %swap3A_186 = arith.constant 80 : index
        %swap3A_187 = tpu.vector_load %arg9[%swap3A_185, %swap3A_186] {strides = array<i32>} : memref<80x144xf32, #tpu.memory_space<vmem>>, vector<1x16xf32>,
        %swap3A_188 = vector.shape_cast %swap3A_187 : vector<1x16xf32> to vector<16xf32>
        %swap3A_189 = vector.shape_cast %mul3A_184 : vector<16xf32> to vector<1x16xf32>
        tpu.vector_store %arg9[%swap3A_185, %swap3A_186], %swap3A_189 {strides = array<i32>} : memref<80x144xf32, #tpu.memory_space<vmem>>, vector<1x16xf32>,
        %get3A_190 = arith.index_cast %add3A_100 : i32 to index
        %get3A_191 = arith.constant 96 : index
        %get3A_192 = tpu.vector_load %arg8[%get3A_190, %get3A_191] {strides = array<i32>} : memref<80x128xf32, #tpu.memory_space<vmem>>, vector<1x16xf32>,
        %get3A_193 = vector.shape_cast %get3A_192 : vector<1x16xf32> to vector<16xf32>
        %add3A_194 = arith.constant 96 : i32
        %add3A_195 = arith.addi %squeeze3A, %add3A_194 : i32
        %get3A_196 = arith.index_cast %add3A_195 : i32 to index
        %get3A_197 = tpu.vector_load %arg7[%get3A_196] {strides = array<i32>} : memref<512xf32, #tpu.memory_space<vmem>>, vector<16xf32>,
        %get3A_198 = vector.shape_cast %get3A_197 : vector<16xf32> to vector<16xf32>
        %mul3A_199 = arith.mulf %get3A_193, %get3A_198 : vector<16xf32>
        %swap3A_200 = arith.index_cast %add3A_100 : i32 to index
        %swap3A_201 = arith.constant 96 : index
        %swap3A_202 = tpu.vector_load %arg9[%swap3A_200, %swap3A_201] {strides = array<i32>} : memref<80x144xf32, #tpu.memory_space<vmem>>, vector<1x16xf32>,
        %swap3A_203 = vector.shape_cast %swap3A_202 : vector<1x16xf32> to vector<16xf32>
        %swap3A_204 = vector.shape_cast %mul3A_199 : vector<16xf32> to vector<1x16xf32>
        tpu.vector_store %arg9[%swap3A_200, %swap3A_201], %swap3A_204 {strides = array<i32>} : memref<80x144xf32, #tpu.memory_space<vmem>>, vector<1x16xf32>,
        %get3A_205 = arith.index_cast %add3A_100 : i32 to index
        %get3A_206 = arith.constant 112 : index
        %get3A_207 = tpu.vector_load %arg8[%get3A_205, %get3A_206] {strides = array<i32>} : memref<80x128xf32, #tpu.memory_space<vmem>>, vector<1x16xf32>,
        %get3A_208 = vector.shape_cast %get3A_207 : vector<1x16xf32> to vector<16xf32>
        %add3A_209 = arith.constant 112 : i32
        %add3A_210 = arith.addi %squeeze3A, %add3A_209 : i32
        %get3A_211 = arith.index_cast %add3A_210 : i32 to index
        %get3A_212 = tpu.vector_load %arg7[%get3A_211] {strides = array<i32>} : memref<512xf32, #tpu.memory_space<vmem>>, vector<16xf32>,
        %get3A_213 = vector.shape_cast %get3A_212 : vector<16xf32> to vector<16xf32>
        %mul3A_214 = arith.mulf %get3A_208, %get3A_213 : vector<16xf32>
        %swap3A_215 = arith.index_cast %add3A_100 : i32 to index
        %swap3A_216 = arith.constant 112 : index
        %swap3A_217 = tpu.vector_load %arg9[%swap3A_215, %swap3A_216] {strides = array<i32>} : memref<80x144xf32, #tpu.memory_space<vmem>>, vector<1x16xf32>,
        %swap3A_218 = vector.shape_cast %swap3A_217 : vector<1x16xf32> to vector<16xf32>
        %swap3A_219 = vector.shape_cast %mul3A_214 : vector<16xf32> to vector<1x16xf32>
        tpu.vector_store %arg9[%swap3A_215, %swap3A_216], %swap3A_219 {strides = array<i32>} : memref<80x144xf32, #tpu.memory_space<vmem>>, vector<1x16xf32>,
        %slice3A_220 = vector.extract_strided_slice %mul3A_96 {offsets = [1], sizes = [1], strides = [1]} : vector<16xi32> to vector<1xi32>
        %squeeze3A_221 = vector.extract %slice3A_220[0] : i32 from vector<1xi32>
        %mul3A_222 = arith.constant 16 : i32
        %mul3A_223 = arith.muli %scan3A_84, %mul3A_222 : i32
        %add3A_224 = arith.constant 1 : i32
        %add3A_225 = arith.addi %mul3A_223, %add3A_224 : i32
        %get3A_226 = arith.index_cast %add3A_225 : i32 to index
        %get3A_227 = arith.constant 0 : index
        %get3A_228 = tpu.vector_load %arg8[%get3A_226, %get3A_227] {strides = array<i32>} : memref<80x128xf32, #tpu.memory_space<vmem>>, vector<1x16xf32>,
        %get3A_229 = vector.shape_cast %get3A_228 : vector<1x16xf32> to vector<16xf32>
        %add3A_230 = arith.constant 0 : i32
        %add3A_231 = arith.addi %squeeze3A_221, %add3A_230 : i32
        %get3A_232 = arith.index_cast %add3A_231 : i32 to index
        %get3A_233 = tpu.vector_load %arg7[%get3A_232] {strides = array<i32>} : memref<512xf32, #tpu.memory_space<vmem>>, vector<16xf32>,
        %get3A_234 = vector.shape_cast %get3A_233 : vector<16xf32> to vector<16xf32>
        %mul3A_235 = arith.mulf %get3A_229, %get3A_234 : vector<16xf32>
        %swap3A_236 = arith.index_cast %add3A_225 : i32 to index
        %swap3A_237 = arith.constant 0 : index
        %swap3A_238 = tpu.vector_load %arg9[%swap3A_236, %swap3A_237] {strides = array<i32>} : memref<80x144xf32, #tpu.memory_space<vmem>>, vector<1x16xf32>,
        %swap3A_239 = vector.shape_cast %swap3A_238 : vector<1x16xf32> to vector<16xf32>
        %swap3A_240 = vector.shape_cast %mul3A_235 : vector<16xf32> to vector<1x16xf32>
        tpu.vector_store %arg9[%swap3A_236, %swap3A_237], %swap3A_240 {strides = array<i32>} : memref<80x144xf32, #tpu.memory_space<vmem>>, vector<1x16xf32>,
        %get3A_241 = arith.index_cast %add3A_225 : i32 to index
        %get3A_242 = arith.constant 16 : index
        %get3A_243 = tpu.vector_load %arg8[%get3A_241, %get3A_242] {strides = array<i32>} : memref<80x128xf32, #tpu.memory_space<vmem>>, vector<1x16xf32>,
        %get3A_244 = vector.shape_cast %get3A_243 : vector<1x16xf32> to vector<16xf32>
        %add3A_245 = arith.constant 16 : i32
        %add3A_246 = arith.addi %squeeze3A_221, %add3A_245 : i32
        %get3A_247 = arith.index_cast %add3A_246 : i32 to index
        %get3A_248 = tpu.vector_load %arg7[%get3A_247] {strides = array<i32>} : memref<512xf32, #tpu.memory_space<vmem>>, vector<16xf32>,
        %get3A_249 = vector.shape_cast %get3A_248 : vector<16xf32> to vector<16xf32>
        %mul3A_250 = arith.mulf %get3A_244, %get3A_249 : vector<16xf32>
        %swap3A_251 = arith.index_cast %add3A_225 : i32 to index
        %swap3A_252 = arith.constant 16 : index
        %swap3A_253 = tpu.vector_load %arg9[%swap3A_251, %swap3A_252] {strides = array<i32>} : memref<80x144xf32, #tpu.memory_space<vmem>>, vector<1x16xf32>,
        %swap3A_254 = vector.shape_cast %swap3A_253 : vector<1x16xf32> to vector<16xf32>
        %swap3A_255 = vector.shape_cast %mul3A_250 : vector<16xf32> to vector<1x16xf32>
        tpu.vector_store %arg9[%swap3A_251, %swap3A_252], %swap3A_255 {strides = array<i32>} : memref<80x144xf32, #tpu.memory_space<vmem>>, vector<1x16xf32>,
        %get3A_256 = arith.index_cast %add3A_225 : i32 to index
        %get3A_257 = arith.constant 32 : index
        %get3A_258 = tpu.vector_load %arg8[%get3A_256, %get3A_257] {strides = array<i32>} : memref<80x128xf32, #tpu.memory_space<vmem>>, vector<1x16xf32>,
        %get3A_259 = vector.shape_cast %get3A_258 : vector<1x16xf32> to vector<16xf32>
        %add3A_260 = arith.constant 32 : i32
        %add3A_261 = arith.addi %squeeze3A_221, %add3A_260 : i32
        %get3A_262 = arith.index_cast %add3A_261 : i32 to index
        %get3A_263 = tpu.vector_load %arg7[%get3A_262] {strides = array<i32>} : memref<512xf32, #tpu.memory_space<vmem>>, vector<16xf32>,
        %get3A_264 = vector.shape_cast %get3A_263 : vector<16xf32> to vector<16xf32>
        %mul3A_265 = arith.mulf %get3A_259, %get3A_264 : vector<16xf32>
        %swap3A_266 = arith.index_cast %add3A_225 : i32 to index
        %swap3A_267 = arith.constant 32 : index
        %swap3A_268 = tpu.vector_load %arg9[%swap3A_266, %swap3A_267] {strides = array<i32>} : memref<80x144xf32, #tpu.memory_space<vmem>>, vector<1x16xf32>,
        %swap3A_269 = vector.shape_cast %swap3A_268 : vector<1x16xf32> to vector<16xf32>
        %swap3A_270 = vector.shape_cast %mul3A_265 : vector<16xf32> to vector<1x16xf32>
        tpu.vector_store %arg9[%swap3A_266, %swap3A_267], %swap3A_270 {strides = array<i32>} : memref<80x144xf32, #tpu.memory_space<vmem>>, vector<1x16xf32>,
        %get3A_271 = arith.index_cast %add3A_225 : i32 to index
        %get3A_272 = arith.constant 48 : index
        %get3A_273 = tpu.vector_load %arg8[%get3A_271, %get3A_272] {strides = array<i32>} : memref<80x128xf32, #tpu.memory_space<vmem>>, vector<1x16xf32>,
        %get3A_274 = vector.shape_cast %get3A_273 : vector<1x16xf32> to vector<16xf32>
        %add3A_275 = arith.constant 48 : i32
        %add3A_276 = arith.addi %squeeze3A_221, %add3A_275 : i32
        %get3A_277 = arith.index_cast %add3A_276 : i32 to index
        %get3A_278 = tpu.vector_load %arg7[%get3A_277] {strides = array<i32>} : memref<512xf32, #tpu.memory_space<vmem>>, vector<16xf32>,
        %get3A_279 = vector.shape_cast %get3A_278 : vector<16xf32> to vector<16xf32>
        %mul3A_280 = arith.mulf %get3A_274, %get3A_279 : vector<16xf32>
        %swap3A_281 = arith.index_cast %add3A_225 : i32 to index
        %swap3A_282 = arith.constant 48 : index
        %swap3A_283 = tpu.vector_load %arg9[%swap3A_281, %swap3A_282] {strides = array<i32>} : memref<80x144xf32, #tpu.memory_space<vmem>>, vector<1x16xf32>,
        %swap3A_284 = vector.shape_cast %swap3A_283 : vector<1x16xf32> to vector<16xf32>
        %swap3A_285 = vector.shape_cast %mul3A_280 : vector<16xf32> to vector<1x16xf32>
        tpu.vector_store %arg9[%swap3A_281, %swap3A_282], %swap3A_285 {strides = array<i32>} : memref<80x144xf32, #tpu.memory_space<vmem>>, vector<1x16xf32>,
        %get3A_286 = arith.index_cast %add3A_225 : i32 to index
        %get3A_287 = arith.constant 64 : index
        %get3A_288 = tpu.vector_load %arg8[%get3A_286, %get3A_287] {strides = array<i32>} : memref<80x128xf32, #tpu.memory_space<vmem>>, vector<1x16xf32>,
        %get3A_289 = vector.shape_cast %get3A_288 : vector<1x16xf32> to vector<16xf32>
        %add3A_290 = arith.constant 64 : i32
        %add3A_291 = arith.addi %squeeze3A_221, %add3A_290 : i32
        %get3A_292 = arith.index_cast %add3A_291 : i32 to index
        %get3A_293 = tpu.vector_load %arg7[%get3A_292] {strides = array<i32>} : memref<512xf32, #tpu.memory_space<vmem>>, vector<16xf32>,
        %get3A_294 = vector.shape_cast %get3A_293 : vector<16xf32> to vector<16xf32>
        %mul3A_295 = arith.mulf %get3A_289, %get3A_294 : vector<16xf32>
        %swap3A_296 = arith.index_cast %add3A_225 : i32 to index
        %swap3A_297 = arith.constant 64 : index
        %swap3A_298 = tpu.vector_load %arg9[%swap3A_296, %swap3A_297] {strides = array<i32>} : memref<80x144xf32, #tpu.memory_space<vmem>>, vector<1x16xf32>,
        %swap3A_299 = vector.shape_cast %swap3A_298 : vector<1x16xf32> to vector<16xf32>
        %swap3A_300 = vector.shape_cast %mul3A_295 : vector<16xf32> to vector<1x16xf32>
        tpu.vector_store %arg9[%swap3A_296, %swap3A_297], %swap3A_300 {strides = array<i32>} : memref<80x144xf32, #tpu.memory_space<vmem>>, vector<1x16xf32>,
        %get3A_301 = arith.index_cast %add3A_225 : i32 to index
        %get3A_302 = arith.constant 80 : index
        %get3A_303 = tpu.vector_load %arg8[%get3A_301, %get3A_302] {strides = array<i32>} : memref<80x128xf32, #tpu.memory_space<vmem>>, vector<1x16xf32>,
        %get3A_304 = vector.shape_cast %get3A_303 : vector<1x16xf32> to vector<16xf32>
        %add3A_305 = arith.constant 80 : i32
        %add3A_306 = arith.addi %squeeze3A_221, %add3A_305 : i32
        %get3A_307 = arith.index_cast %add3A_306 : i32 to index
        %get3A_308 = tpu.vector_load %arg7[%get3A_307] {strides = array<i32>} : memref<512xf32, #tpu.memory_space<vmem>>, vector<16xf32>,
        %get3A_309 = vector.shape_cast %get3A_308 : vector<16xf32> to vector<16xf32>
        %mul3A_310 = arith.mulf %get3A_304, %get3A_309 : vector<16xf32>
        %swap3A_311 = arith.index_cast %add3A_225 : i32 to index
        %swap3A_312 = arith.constant 80 : index
        %swap3A_313 = tpu.vector_load %arg9[%swap3A_311, %swap3A_312] {strides = array<i32>} : memref<80x144xf32, #tpu.memory_space<vmem>>, vector<1x16xf32>,
        %swap3A_314 = vector.shape_cast %swap3A_313 : vector<1x16xf32> to vector<16xf32>
        %swap3A_315 = vector.shape_cast %mul3A_310 : vector<16xf32> to vector<1x16xf32>
        tpu.vector_store %arg9[%swap3A_311, %swap3A_312], %swap3A_315 {strides = array<i32>} : memref<80x144xf32, #tpu.memory_space<vmem>>, vector<1x16xf32>,
        %get3A_316 = arith.index_cast %add3A_225 : i32 to index
        %get3A_317 = arith.constant 96 : index
        %get3A_318 = tpu.vector_load %arg8[%get3A_316, %get3A_317] {strides = array<i32>} : memref<80x128xf32, #tpu.memory_space<vmem>>, vector<1x16xf32>,
        %get3A_319 = vector.shape_cast %get3A_318 : vector<1x16xf32> to vector<16xf32>
        %add3A_320 = arith.constant 96 : i32
        %add3A_321 = arith.addi %squeeze3A_221, %add3A_320 : i32
        %get3A_322 = arith.index_cast %add3A_321 : i32 to index
        %get3A_323 = tpu.vector_load %arg7[%get3A_322] {strides = array<i32>} : memref<512xf32, #tpu.memory_space<vmem>>, vector<16xf32>,
        %get3A_324 = vector.shape_cast %get3A_323 : vector<16xf32> to vector<16xf32>
        %mul3A_325 = arith.mulf %get3A_319, %get3A_324 : vector<16xf32>
        %swap3A_326 = arith.index_cast %add3A_225 : i32 to index
        %swap3A_327 = arith.constant 96 : index
        %swap3A_328 = tpu.vector_load %arg9[%swap3A_326, %swap3A_327] {strides = array<i32>} : memref<80x144xf32, #tpu.memory_space<vmem>>, vector<1x16xf32>,
        %swap3A_329 = vector.shape_cast %swap3A_328 : vector<1x16xf32> to vector<16xf32>
        %swap3A_330 = vector.shape_cast %mul3A_325 : vector<16xf32> to vector<1x16xf32>
        tpu.vector_store %arg9[%swap3A_326, %swap3A_327], %swap3A_330 {strides = array<i32>} : memref<80x144xf32, #tpu.memory_space<vmem>>, vector<1x16xf32>,
        %get3A_331 = arith.index_cast %add3A_225 : i32 to index
        %get3A_332 = arith.constant 112 : index
        %get3A_333 = tpu.vector_load %arg8[%get3A_331, %get3A_332] {strides = array<i32>} : memref<80x128xf32, #tpu.memory_space<vmem>>, vector<1x16xf32>,
        %get3A_334 = vector.shape_cast %get3A_333 : vector<1x16xf32> to vector<16xf32>
        %add3A_335 = arith.constant 112 : i32
        %add3A_336 = arith.addi %squeeze3A_221, %add3A_335 : i32
        %get3A_337 = arith.index_cast %add3A_336 : i32 to index
        %get3A_338 = tpu.vector_load %arg7[%get3A_337] {strides = array<i32>} : memref<512xf32, #tpu.memory_space<vmem>>, vector<16xf32>,
        %get3A_339 = vector.shape_cast %get3A_338 : vector<16xf32> to vector<16xf32>
        %mul3A_340 = arith.mulf %get3A_334, %get3A_339 : vector<16xf32>
        %swap3A_341 = arith.index_cast %add3A_225 : i32 to index
        %swap3A_342 = arith.constant 112 : index
        %swap3A_343 = tpu.vector_load %arg9[%swap3A_341, %swap3A_342] {strides = array<i32>} : memref<80x144xf32, #tpu.memory_space<vmem>>, vector<1x16xf32>,
        %swap3A_344 = vector.shape_cast %swap3A_343 : vector<1x16xf32> to vector<16xf32>
        %swap3A_345 = vector.shape_cast %mul3A_340 : vector<16xf32> to vector<1x16xf32>
        tpu.vector_store %arg9[%swap3A_341, %swap3A_342], %swap3A_345 {strides = array<i32>} : memref<80x144xf32, #tpu.memory_space<vmem>>, vector<1x16xf32>,
        %slice3A_346 = vector.extract_strided_slice %mul3A_96 {offsets = [2], sizes = [1], strides = [1]} : vector<16xi32> to vector<1xi32>
        %squeeze3A_347 = vector.extract %slice3A_346[0] : i32 from vector<1xi32>
        %mul3A_348 = arith.constant 16 : i32
        %mul3A_349 = arith.muli %scan3A_84, %mul3A_348 : i32
        %add3A_350 = arith.constant 2 : i32
        %add3A_351 = arith.addi %mul3A_349, %add3A_350 : i32
        %get3A_352 = arith.index_cast %add3A_351 : i32 to index
        %get3A_353 = arith.constant 0 : index
        %get3A_354 = tpu.vector_load %arg8[%get3A_352, %get3A_353] {strides = array<i32>} : memref<80x128xf32, #tpu.memory_space<vmem>>, vector<1x16xf32>,
        %get3A_355 = vector.shape_cast %get3A_354 : vector<1x16xf32> to vector<16xf32>
        %add3A_356 = arith.constant 0 : i32
        %add3A_357 = arith.addi %squeeze3A_347, %add3A_356 : i32
        %get3A_358 = arith.index_cast %add3A_357 : i32 to index
        %get3A_359 = tpu.vector_load %arg7[%get3A_358] {strides = array<i32>} : memref<512xf32, #tpu.memory_space<vmem>>, vector<16xf32>,
        %get3A_360 = vector.shape_cast %get3A_359 : vector<16xf32> to vector<16xf32>
        %mul3A_361 = arith.mulf %get3A_355, %get3A_360 : vector<16xf32>
        %swap3A_362 = arith.index_cast %add3A_351 : i32 to index
        %swap3A_363 = arith.constant 0 : index
        %swap3A_364 = tpu.vector_load %arg9[%swap3A_362, %swap3A_363] {strides = array<i32>} : memref<80x144xf32, #tpu.memory_space<vmem>>, vector<1x16xf32>,
        %swap3A_365 = vector.shape_cast %swap3A_364 : vector<1x16xf32> to vector<16xf32>
        %swap3A_366 = vector.shape_cast %mul3A_361 : vector<16xf32> to vector<1x16xf32>
        tpu.vector_store %arg9[%swap3A_362, %swap3A_363], %swap3A_366 {strides = array<i32>} : memref<80x144xf32, #tpu.memory_space<vmem>>, vector<1x16xf32>,
        %get3A_367 = arith.index_cast %add3A_351 : i32 to index
        %get3A_368 = arith.constant 16 : index
        %get3A_369 = tpu.vector_load %arg8[%get3A_367, %get3A_368] {strides = array<i32>} : memref<80x128xf32, #tpu.memory_space<vmem>>, vector<1x16xf32>,
        %get3A_370 = vector.shape_cast %get3A_369 : vector<1x16xf32> to vector<16xf32>
        %add3A_371 = arith.constant 16 : i32
        %add3A_372 = arith.addi %squeeze3A_347, %add3A_371 : i32
        %get3A_373 = arith.index_cast %add3A_372 : i32 to index
        %get3A_374 = tpu.vector_load %arg7[%get3A_373] {strides = array<i32>} : memref<512xf32, #tpu.memory_space<vmem>>, vector<16xf32>,
        %get3A_375 = vector.shape_cast %get3A_374 : vector<16xf32> to vector<16xf32>
        %mul3A_376 = arith.mulf %get3A_370, %get3A_375 : vector<16xf32>
        %swap3A_377 = arith.index_cast %add3A_351 : i32 to index
        %swap3A_378 = arith.constant 16 : index
        %swap3A_379 = tpu.vector_load %arg9[%swap3A_377, %swap3A_378] {strides = array<i32>} : memref<80x144xf32, #tpu.memory_space<vmem>>, vector<1x16xf32>,
        %swap3A_380 = vector.shape_cast %swap3A_379 : vector<1x16xf32> to vector<16xf32>
        %swap3A_381 = vector.shape_cast %mul3A_376 : vector<16xf32> to vector<1x16xf32>
        tpu.vector_store %arg9[%swap3A_377, %swap3A_378], %swap3A_381 {strides = array<i32>} : memref<80x144xf32, #tpu.memory_space<vmem>>, vector<1x16xf32>,
        %get3A_382 = arith.index_cast %add3A_351 : i32 to index
        %get3A_383 = arith.constant 32 : index
        %get3A_384 = tpu.vector_load %arg8[%get3A_382, %get3A_383] {strides = array<i32>} : memref<80x128xf32, #tpu.memory_space<vmem>>, vector<1x16xf32>,
        %get3A_385 = vector.shape_cast %get3A_384 : vector<1x16xf32> to vector<16xf32>
        %add3A_386 = arith.constant 32 : i32
        %add3A_387 = arith.addi %squeeze3A_347, %add3A_386 : i32
        %get3A_388 = arith.index_cast %add3A_387 : i32 to index
        %get3A_389 = tpu.vector_load %arg7[%get3A_388] {strides = array<i32>} : memref<512xf32, #tpu.memory_space<vmem>>, vector<16xf32>,
        %get3A_390 = vector.shape_cast %get3A_389 : vector<16xf32> to vector<16xf32>
        %mul3A_391 = arith.mulf %get3A_385, %get3A_390 : vector<16xf32>
        %swap3A_392 = arith.index_cast %add3A_351 : i32 to index
        %swap3A_393 = arith.constant 32 : index
        %swap3A_394 = tpu.vector_load %arg9[%swap3A_392, %swap3A_393] {strides = array<i32>} : memref<80x144xf32, #tpu.memory_space<vmem>>, vector<1x16xf32>,
        %swap3A_395 = vector.shape_cast %swap3A_394 : vector<1x16xf32> to vector<16xf32>
        %swap3A_396 = vector.shape_cast %mul3A_391 : vector<16xf32> to vector<1x16xf32>
        tpu.vector_store %arg9[%swap3A_392, %swap3A_393], %swap3A_396 {strides = array<i32>} : memref<80x144xf32, #tpu.memory_space<vmem>>, vector<1x16xf32>,
        %get3A_397 = arith.index_cast %add3A_351 : i32 to index
        %get3A_398 = arith.constant 48 : index
        %get3A_399 = tpu.vector_load %arg8[%get3A_397, %get3A_398] {strides = array<i32>} : memref<80x128xf32, #tpu.memory_space<vmem>>, vector<1x16xf32>,
        %get3A_400 = vector.shape_cast %get3A_399 : vector<1x16xf32> to vector<16xf32>
        %add3A_401 = arith.constant 48 : i32
        %add3A_402 = arith.addi %squeeze3A_347, %add3A_401 : i32
        %get3A_403 = arith.index_cast %add3A_402 : i32 to index
        %get3A_404 = tpu.vector_load %arg7[%get3A_403] {strides = array<i32>} : memref<512xf32, #tpu.memory_space<vmem>>, vector<16xf32>,
        %get3A_405 = vector.shape_cast %get3A_404 : vector<16xf32> to vector<16xf32>
        %mul3A_406 = arith.mulf %get3A_400, %get3A_405 : vector<16xf32>
        %swap3A_407 = arith.index_cast %add3A_351 : i32 to index
        %swap3A_408 = arith.constant 48 : index
        %swap3A_409 = tpu.vector_load %arg9[%swap3A_407, %swap3A_408] {strides = array<i32>} : memref<80x144xf32, #tpu.memory_space<vmem>>, vector<1x16xf32>,
        %swap3A_410 = vector.shape_cast %swap3A_409 : vector<1x16xf32> to vector<16xf32>
        %swap3A_411 = vector.shape_cast %mul3A_406 : vector<16xf32> to vector<1x16xf32>
        tpu.vector_store %arg9[%swap3A_407, %swap3A_408], %swap3A_411 {strides = array<i32>} : memref<80x144xf32, #tpu.memory_space<vmem>>, vector<1x16xf32>,
        %get3A_412 = arith.index_cast %add3A_351 : i32 to index
        %get3A_413 = arith.constant 64 : index
        %get3A_414 = tpu.vector_load %arg8[%get3A_412, %get3A_413] {strides = array<i32>} : memref<80x128xf32, #tpu.memory_space<vmem>>, vector<1x16xf32>,
        %get3A_415 = vector.shape_cast %get3A_414 : vector<1x16xf32> to vector<16xf32>
        %add3A_416 = arith.constant 64 : i32
        %add3A_417 = arith.addi %squeeze3A_347, %add3A_416 : i32
        %get3A_418 = arith.index_cast %add3A_417 : i32 to index
        %get3A_419 = tpu.vector_load %arg7[%get3A_418] {strides = array<i32>} : memref<512xf32, #tpu.memory_space<vmem>>, vector<16xf32>,
        %get3A_420 = vector.shape_cast %get3A_419 : vector<16xf32> to vector<16xf32>
        %mul3A_421 = arith.mulf %get3A_415, %get3A_420 : vector<16xf32>
        %swap3A_422 = arith.index_cast %add3A_351 : i32 to index
        %swap3A_423 = arith.constant 64 : index
        %swap3A_424 = tpu.vector_load %arg9[%swap3A_422, %swap3A_423] {strides = array<i32>} : memref<80x144xf32, #tpu.memory_space<vmem>>, vector<1x16xf32>,
        %swap3A_425 = vector.shape_cast %swap3A_424 : vector<1x16xf32> to vector<16xf32>
        %swap3A_426 = vector.shape_cast %mul3A_421 : vector<16xf32> to vector<1x16xf32>
        tpu.vector_store %arg9[%swap3A_422, %swap3A_423], %swap3A_426 {strides = array<i32>} : memref<80x144xf32, #tpu.memory_space<vmem>>, vector<1x16xf32>,
        %get3A_427 = arith.index_cast %add3A_351 : i32 to index
        %get3A_428 = arith.constant 80 : index
        %get3A_429 = tpu.vector_load %arg8[%get3A_427, %get3A_428] {strides = array<i32>} : memref<80x128xf32, #tpu.memory_space<vmem>>, vector<1x16xf32>,
        %get3A_430 = vector.shape_cast %get3A_429 : vector<1x16xf32> to vector<16xf32>
        %add3A_431 = arith.constant 80 : i32
        %add3A_432 = arith.addi %squeeze3A_347, %add3A_431 : i32
        %get3A_433 = arith.index_cast %add3A_432 : i32 to index
        %get3A_434 = tpu.vector_load %arg7[%get3A_433] {strides = array<i32>} : memref<512xf32, #tpu.memory_space<vmem>>, vector<16xf32>,
        %get3A_435 = vector.shape_cast %get3A_434 : vector<16xf32> to vector<16xf32>
        %mul3A_436 = arith.mulf %get3A_430, %get3A_435 : vector<16xf32>
        %swap3A_437 = arith.index_cast %add3A_351 : i32 to index
        %swap3A_438 = arith.constant 80 : index
        %swap3A_439 = tpu.vector_load %arg9[%swap3A_437, %swap3A_438] {strides = array<i32>} : memref<80x144xf32, #tpu.memory_space<vmem>>, vector<1x16xf32>,
        %swap3A_440 = vector.shape_cast %swap3A_439 : vector<1x16xf32> to vector<16xf32>
        %swap3A_441 = vector.shape_cast %mul3A_436 : vector<16xf32> to vector<1x16xf32>
        tpu.vector_store %arg9[%swap3A_437, %swap3A_438], %swap3A_441 {strides = array<i32>} : memref<80x144xf32, #tpu.memory_space<vmem>>, vector<1x16xf32>,
        %get3A_442 = arith.index_cast %add3A_351 : i32 to index
        %get3A_443 = arith.constant 96 : index
        %get3A_444 = tpu.vector_load %arg8[%get3A_442, %get3A_443] {strides = array<i32>} : memref<80x128xf32, #tpu.memory_space<vmem>>, vector<1x16xf32>,
        %get3A_445 = vector.shape_cast %get3A_444 : vector<1x16xf32> to vector<16xf32>
        %add3A_446 = arith.constant 96 : i32
        %add3A_447 = arith.addi %squeeze3A_347, %add3A_446 : i32
        %get3A_448 = arith.index_cast %add3A_447 : i32 to index
        %get3A_449 = tpu.vector_load %arg7[%get3A_448] {strides = array<i32>} : memref<512xf32, #tpu.memory_space<vmem>>, vector<16xf32>,
        %get3A_450 = vector.shape_cast %get3A_449 : vector<16xf32> to vector<16xf32>
        %mul3A_451 = arith.mulf %get3A_445, %get3A_450 : vector<16xf32>
        %swap3A_452 = arith.index_cast %add3A_351 : i32 to index
        %swap3A_453 = arith.constant 96 : index
        %swap3A_454 = tpu.vector_load %arg9[%swap3A_452, %swap3A_453] {strides = array<i32>} : memref<80x144xf32, #tpu.memory_space<vmem>>, vector<1x16xf32>,
        %swap3A_455 = vector.shape_cast %swap3A_454 : vector<1x16xf32> to vector<16xf32>
        %swap3A_456 = vector.shape_cast %mul3A_451 : vector<16xf32> to vector<1x16xf32>
        tpu.vector_store %arg9[%swap3A_452, %swap3A_453], %swap3A_456 {strides = array<i32>} : memref<80x144xf32, #tpu.memory_space<vmem>>, vector<1x16xf32>,
        %get3A_457 = arith.index_cast %add3A_351 : i32 to index
        %get3A_458 = arith.constant 112 : index
        %get3A_459 = tpu.vector_load %arg8[%get3A_457, %get3A_458] {strides = array<i32>} : memref<80x128xf32, #tpu.memory_space<vmem>>, vector<1x16xf32>,
        %get3A_460 = vector.shape_cast %get3A_459 : vector<1x16xf32> to vector<16xf32>
        %add3A_461 = arith.constant 112 : i32
        %add3A_462 = arith.addi %squeeze3A_347, %add3A_461 : i32
        %get3A_463 = arith.index_cast %add3A_462 : i32 to index
        %get3A_464 = tpu.vector_load %arg7[%get3A_463] {strides = array<i32>} : memref<512xf32, #tpu.memory_space<vmem>>, vector<16xf32>,
        %get3A_465 = vector.shape_cast %get3A_464 : vector<16xf32> to vector<16xf32>
        %mul3A_466 = arith.mulf %get3A_460, %get3A_465 : vector<16xf32>
        %swap3A_467 = arith.index_cast %add3A_351 : i32 to index
        %swap3A_468 = arith.constant 112 : index
        %swap3A_469 = tpu.vector_load %arg9[%swap3A_467, %swap3A_468] {strides = array<i32>} : memref<80x144xf32, #tpu.memory_space<vmem>>, vector<1x16xf32>,
        %swap3A_470 = vector.shape_cast %swap3A_469 : vector<1x16xf32> to vector<16xf32>
        %swap3A_471 = vector.shape_cast %mul3A_466 : vector<16xf32> to vector<1x16xf32>
        tpu.vector_store %arg9[%swap3A_467, %swap3A_468], %swap3A_471 {strides = array<i32>} : memref<80x144xf32, #tpu.memory_space<vmem>>, vector<1x16xf32>,
        %slice3A_472 = vector.extract_strided_slice %mul3A_96 {offsets = [3], sizes = [1], strides = [1]} : vector<16xi32> to vector<1xi32>
        %squeeze3A_473 = vector.extract %slice3A_472[0] : i32 from vector<1xi32>
        %mul3A_474 = arith.constant 16 : i32
        %mul3A_475 = arith.muli %scan3A_84, %mul3A_474 : i32
        %add3A_476 = arith.constant 3 : i32
        %add3A_477 = arith.addi %mul3A_475, %add3A_476 : i32
        %get3A_478 = arith.index_cast %add3A_477 : i32 to index
        %get3A_479 = arith.constant 0 : index
        %get3A_480 = tpu.vector_load %arg8[%get3A_478, %get3A_479] {strides = array<i32>} : memref<80x128xf32, #tpu.memory_space<vmem>>, vector<1x16xf32>,
        %get3A_481 = vector.shape_cast %get3A_480 : vector<1x16xf32> to vector<16xf32>
        %add3A_482 = arith.constant 0 : i32
        %add3A_483 = arith.addi %squeeze3A_473, %add3A_482 : i32
        %get3A_484 = arith.index_cast %add3A_483 : i32 to index
        %get3A_485 = tpu.vector_load %arg7[%get3A_484] {strides = array<i32>} : memref<512xf32, #tpu.memory_space<vmem>>, vector<16xf32>,
        %get3A_486 = vector.shape_cast %get3A_485 : vector<16xf32> to vector<16xf32>
        %mul3A_487 = arith.mulf %get3A_481, %get3A_486 : vector<16xf32>
        %swap3A_488 = arith.index_cast %add3A_477 : i32 to index
        %swap3A_489 = arith.constant 0 : index
        %swap3A_490 = tpu.vector_load %arg9[%swap3A_488, %swap3A_489] {strides = array<i32>} : memref<80x144xf32, #tpu.memory_space<vmem>>, vector<1x16xf32>,
        %swap3A_491 = vector.shape_cast %swap3A_490 : vector<1x16xf32> to vector<16xf32>
        %swap3A_492 = vector.shape_cast %mul3A_487 : vector<16xf32> to vector<1x16xf32>
        tpu.vector_store %arg9[%swap3A_488, %swap3A_489], %swap3A_492 {strides = array<i32>} : memref<80x144xf32, #tpu.memory_space<vmem>>, vector<1x16xf32>,
        %get3A_493 = arith.index_cast %add3A_477 : i32 to index
        %get3A_494 = arith.constant 16 : index
        %get3A_495 = tpu.vector_load %arg8[%get3A_493, %get3A_494] {strides = array<i32>} : memref<80x128xf32, #tpu.memory_space<vmem>>, vector<1x16xf32>,
        %get3A_496 = vector.shape_cast %get3A_495 : vector<1x16xf32> to vector<16xf32>
        %add3A_497 = arith.constant 16 : i32
        %add3A_498 = arith.addi %squeeze3A_473, %add3A_497 : i32
        %get3A_499 = arith.index_cast %add3A_498 : i32 to index
        %get3A_500 = tpu.vector_load %arg7[%get3A_499] {strides = array<i32>} : memref<512xf32, #tpu.memory_space<vmem>>, vector<16xf32>,
        %get3A_501 = vector.shape_cast %get3A_500 : vector<16xf32> to vector<16xf32>
        %mul3A_502 = arith.mulf %get3A_496, %get3A_501 : vector<16xf32>
        %swap3A_503 = arith.index_cast %add3A_477 : i32 to index
        %swap3A_504 = arith.constant 16 : index
        %swap3A_505 = tpu.vector_load %arg9[%swap3A_503, %swap3A_504] {strides = array<i32>} : memref<80x144xf32, #tpu.memory_space<vmem>>, vector<1x16xf32>,
        %swap3A_506 = vector.shape_cast %swap3A_505 : vector<1x16xf32> to vector<16xf32>
        %swap3A_507 = vector.shape_cast %mul3A_502 : vector<16xf32> to vector<1x16xf32>
        tpu.vector_store %arg9[%swap3A_503, %swap3A_504], %swap3A_507 {strides = array<i32>} : memref<80x144xf32, #tpu.memory_space<vmem>>, vector<1x16xf32>,
        %get3A_508 = arith.index_cast %add3A_477 : i32 to index
        %get3A_509 = arith.constant 32 : index
        %get3A_510 = tpu.vector_load %arg8[%get3A_508, %get3A_509] {strides = array<i32>} : memref<80x128xf32, #tpu.memory_space<vmem>>, vector<1x16xf32>,
        %get3A_511 = vector.shape_cast %get3A_510 : vector<1x16xf32> to vector<16xf32>
        %add3A_512 = arith.constant 32 : i32
        %add3A_513 = arith.addi %squeeze3A_473, %add3A_512 : i32
        %get3A_514 = arith.index_cast %add3A_513 : i32 to index
        %get3A_515 = tpu.vector_load %arg7[%get3A_514] {strides = array<i32>} : memref<512xf32, #tpu.memory_space<vmem>>, vector<16xf32>,
        %get3A_516 = vector.shape_cast %get3A_515 : vector<16xf32> to vector<16xf32>
        %mul3A_517 = arith.mulf %get3A_511, %get3A_516 : vector<16xf32>
        %swap3A_518 = arith.index_cast %add3A_477 : i32 to index
        %swap3A_519 = arith.constant 32 : index
        %swap3A_520 = tpu.vector_load %arg9[%swap3A_518, %swap3A_519] {strides = array<i32>} : memref<80x144xf32, #tpu.memory_space<vmem>>, vector<1x16xf32>,
        %swap3A_521 = vector.shape_cast %swap3A_520 : vector<1x16xf32> to vector<16xf32>
        %swap3A_522 = vector.shape_cast %mul3A_517 : vector<16xf32> to vector<1x16xf32>
        tpu.vector_store %arg9[%swap3A_518, %swap3A_519], %swap3A_522 {strides = array<i32>} : memref<80x144xf32, #tpu.memory_space<vmem>>, vector<1x16xf32>,
        %get3A_523 = arith.index_cast %add3A_477 : i32 to index
        %get3A_524 = arith.constant 48 : index
        %get3A_525 = tpu.vector_load %arg8[%get3A_523, %get3A_524] {strides = array<i32>} : memref<80x128xf32, #tpu.memory_space<vmem>>, vector<1x16xf32>,
        %get3A_526 = vector.shape_cast %get3A_525 : vector<1x16xf32> to vector<16xf32>
        %add3A_527 = arith.constant 48 : i32
        %add3A_528 = arith.addi %squeeze3A_473, %add3A_527 : i32
        %get3A_529 = arith.index_cast %add3A_528 : i32 to index
        %get3A_530 = tpu.vector_load %arg7[%get3A_529] {strides = array<i32>} : memref<512xf32, #tpu.memory_space<vmem>>, vector<16xf32>,
        %get3A_531 = vector.shape_cast %get3A_530 : vector<16xf32> to vector<16xf32>
        %mul3A_532 = arith.mulf %get3A_526, %get3A_531 : vector<16xf32>
        %swap3A_533 = arith.index_cast %add3A_477 : i32 to index
        %swap3A_534 = arith.constant 48 : index
        %swap3A_535 = tpu.vector_load %arg9[%swap3A_533, %swap3A_534] {strides = array<i32>} : memref<80x144xf32, #tpu.memory_space<vmem>>, vector<1x16xf32>,
        %swap3A_536 = vector.shape_cast %swap3A_535 : vector<1x16xf32> to vector<16xf32>
        %swap3A_537 = vector.shape_cast %mul3A_532 : vector<16xf32> to vector<1x16xf32>
        tpu.vector_store %arg9[%swap3A_533, %swap3A_534], %swap3A_537 {strides = array<i32>} : memref<80x144xf32, #tpu.memory_space<vmem>>, vector<1x16xf32>,
        %get3A_538 = arith.index_cast %add3A_477 : i32 to index
        %get3A_539 = arith.constant 64 : index
        %get3A_540 = tpu.vector_load %arg8[%get3A_538, %get3A_539] {strides = array<i32>} : memref<80x128xf32, #tpu.memory_space<vmem>>, vector<1x16xf32>,
        %get3A_541 = vector.shape_cast %get3A_540 : vector<1x16xf32> to vector<16xf32>
        %add3A_542 = arith.constant 64 : i32
        %add3A_543 = arith.addi %squeeze3A_473, %add3A_542 : i32
        %get3A_544 = arith.index_cast %add3A_543 : i32 to index
        %get3A_545 = tpu.vector_load %arg7[%get3A_544] {strides = array<i32>} : memref<512xf32, #tpu.memory_space<vmem>>, vector<16xf32>,
        %get3A_546 = vector.shape_cast %get3A_545 : vector<16xf32> to vector<16xf32>
        %mul3A_547 = arith.mulf %get3A_541, %get3A_546 : vector<16xf32>
        %swap3A_548 = arith.index_cast %add3A_477 : i32 to index
        %swap3A_549 = arith.constant 64 : index
        %swap3A_550 = tpu.vector_load %arg9[%swap3A_548, %swap3A_549] {strides = array<i32>} : memref<80x144xf32, #tpu.memory_space<vmem>>, vector<1x16xf32>,
        %swap3A_551 = vector.shape_cast %swap3A_550 : vector<1x16xf32> to vector<16xf32>
        %swap3A_552 = vector.shape_cast %mul3A_547 : vector<16xf32> to vector<1x16xf32>
        tpu.vector_store %arg9[%swap3A_548, %swap3A_549], %swap3A_552 {strides = array<i32>} : memref<80x144xf32, #tpu.memory_space<vmem>>, vector<1x16xf32>,
        %get3A_553 = arith.index_cast %add3A_477 : i32 to index
        %get3A_554 = arith.constant 80 : index
        %get3A_555 = tpu.vector_load %arg8[%get3A_553, %get3A_554] {strides = array<i32>} : memref<80x128xf32, #tpu.memory_space<vmem>>, vector<1x16xf32>,
        %get3A_556 = vector.shape_cast %get3A_555 : vector<1x16xf32> to vector<16xf32>
        %add3A_557 = arith.constant 80 : i32
        %add3A_558 = arith.addi %squeeze3A_473, %add3A_557 : i32
        %get3A_559 = arith.index_cast %add3A_558 : i32 to index
        %get3A_560 = tpu.vector_load %arg7[%get3A_559] {strides = array<i32>} : memref<512xf32, #tpu.memory_space<vmem>>, vector<16xf32>,
        %get3A_561 = vector.shape_cast %get3A_560 : vector<16xf32> to vector<16xf32>
        %mul3A_562 = arith.mulf %get3A_556, %get3A_561 : vector<16xf32>
        %swap3A_563 = arith.index_cast %add3A_477 : i32 to index
        %swap3A_564 = arith.constant 80 : index
        %swap3A_565 = tpu.vector_load %arg9[%swap3A_563, %swap3A_564] {strides = array<i32>} : memref<80x144xf32, #tpu.memory_space<vmem>>, vector<1x16xf32>,
        %swap3A_566 = vector.shape_cast %swap3A_565 : vector<1x16xf32> to vector<16xf32>
        %swap3A_567 = vector.shape_cast %mul3A_562 : vector<16xf32> to vector<1x16xf32>
        tpu.vector_store %arg9[%swap3A_563, %swap3A_564], %swap3A_567 {strides = array<i32>} : memref<80x144xf32, #tpu.memory_space<vmem>>, vector<1x16xf32>,
        %get3A_568 = arith.index_cast %add3A_477 : i32 to index
        %get3A_569 = arith.constant 96 : index
        %get3A_570 = tpu.vector_load %arg8[%get3A_568, %get3A_569] {strides = array<i32>} : memref<80x128xf32, #tpu.memory_space<vmem>>, vector<1x16xf32>,
        %get3A_571 = vector.shape_cast %get3A_570 : vector<1x16xf32> to vector<16xf32>
        %add3A_572 = arith.constant 96 : i32
        %add3A_573 = arith.addi %squeeze3A_473, %add3A_572 : i32
        %get3A_574 = arith.index_cast %add3A_573 : i32 to index
        %get3A_575 = tpu.vector_load %arg7[%get3A_574] {strides = array<i32>} : memref<512xf32, #tpu.memory_space<vmem>>, vector<16xf32>,
        %get3A_576 = vector.shape_cast %get3A_575 : vector<16xf32> to vector<16xf32>
        %mul3A_577 = arith.mulf %get3A_571, %get3A_576 : vector<16xf32>
        %swap3A_578 = arith.index_cast %add3A_477 : i32 to index
        %swap3A_579 = arith.constant 96 : index
        %swap3A_580 = tpu.vector_load %arg9[%swap3A_578, %swap3A_579] {strides = array<i32>} : memref<80x144xf32, #tpu.memory_space<vmem>>, vector<1x16xf32>,
        %swap3A_581 = vector.shape_cast %swap3A_580 : vector<1x16xf32> to vector<16xf32>
        %swap3A_582 = vector.shape_cast %mul3A_577 : vector<16xf32> to vector<1x16xf32>
        tpu.vector_store %arg9[%swap3A_578, %swap3A_579], %swap3A_582 {strides = array<i32>} : memref<80x144xf32, #tpu.memory_space<vmem>>, vector<1x16xf32>,
        %get3A_583 = arith.index_cast %add3A_477 : i32 to index
        %get3A_584 = arith.constant 112 : index
        %get3A_585 = tpu.vector_load %arg8[%get3A_583, %get3A_584] {strides = array<i32>} : memref<80x128xf32, #tpu.memory_space<vmem>>, vector<1x16xf32>,
        %get3A_586 = vector.shape_cast %get3A_585 : vector<1x16xf32> to vector<16xf32>
        %add3A_587 = arith.constant 112 : i32
        %add3A_588 = arith.addi %squeeze3A_473, %add3A_587 : i32
        %get3A_589 = arith.index_cast %add3A_588 : i32 to index
        %get3A_590 = tpu.vector_load %arg7[%get3A_589] {strides = array<i32>} : memref<512xf32, #tpu.memory_space<vmem>>, vector<16xf32>,
        %get3A_591 = vector.shape_cast %get3A_590 : vector<16xf32> to vector<16xf32>
        %mul3A_592 = arith.mulf %get3A_586, %get3A_591 : vector<16xf32>
        %swap3A_593 = arith.index_cast %add3A_477 : i32 to index
        %swap3A_594 = arith.constant 112 : index
        %swap3A_595 = tpu.vector_load %arg9[%swap3A_593, %swap3A_594] {strides = array<i32>} : memref<80x144xf32, #tpu.memory_space<vmem>>, vector<1x16xf32>,
        %swap3A_596 = vector.shape_cast %swap3A_595 : vector<1x16xf32> to vector<16xf32>
        %swap3A_597 = vector.shape_cast %mul3A_592 : vector<16xf32> to vector<1x16xf32>
        tpu.vector_store %arg9[%swap3A_593, %swap3A_594], %swap3A_597 {strides = array<i32>} : memref<80x144xf32, #tpu.memory_space<vmem>>, vector<1x16xf32>,
        %slice3A_598 = vector.extract_strided_slice %mul3A_96 {offsets = [4], sizes = [1], strides = [1]} : vector<16xi32> to vector<1xi32>
        %squeeze3A_599 = vector.extract %slice3A_598[0] : i32 from vector<1xi32>
        %mul3A_600 = arith.constant 16 : i32
        %mul3A_601 = arith.muli %scan3A_84, %mul3A_600 : i32
        %add3A_602 = arith.constant 4 : i32
        %add3A_603 = arith.addi %mul3A_601, %add3A_602 : i32
        %get3A_604 = arith.index_cast %add3A_603 : i32 to index
        %get3A_605 = arith.constant 0 : index
        %get3A_606 = tpu.vector_load %arg8[%get3A_604, %get3A_605] {strides = array<i32>} : memref<80x128xf32, #tpu.memory_space<vmem>>, vector<1x16xf32>,
        %get3A_607 = vector.shape_cast %get3A_606 : vector<1x16xf32> to vector<16xf32>
        %add3A_608 = arith.constant 0 : i32
        %add3A_609 = arith.addi %squeeze3A_599, %add3A_608 : i32
        %get3A_610 = arith.index_cast %add3A_609 : i32 to index
        %get3A_611 = tpu.vector_load %arg7[%get3A_610] {strides = array<i32>} : memref<512xf32, #tpu.memory_space<vmem>>, vector<16xf32>,
        %get3A_612 = vector.shape_cast %get3A_611 : vector<16xf32> to vector<16xf32>
        %mul3A_613 = arith.mulf %get3A_607, %get3A_612 : vector<16xf32>
        %swap3A_614 = arith.index_cast %add3A_603 : i32 to index
        %swap3A_615 = arith.constant 0 : index
        %swap3A_616 = tpu.vector_load %arg9[%swap3A_614, %swap3A_615] {strides = array<i32>} : memref<80x144xf32, #tpu.memory_space<vmem>>, vector<1x16xf32>,
        %swap3A_617 = vector.shape_cast %swap3A_616 : vector<1x16xf32> to vector<16xf32>
        %swap3A_618 = vector.shape_cast %mul3A_613 : vector<16xf32> to vector<1x16xf32>
        tpu.vector_store %arg9[%swap3A_614, %swap3A_615], %swap3A_618 {strides = array<i32>} : memref<80x144xf32, #tpu.memory_space<vmem>>, vector<1x16xf32>,
        %get3A_619 = arith.index_cast %add3A_603 : i32 to index
        %get3A_620 = arith.constant 16 : index
        %get3A_621 = tpu.vector_load %arg8[%get3A_619, %get3A_620] {strides = array<i32>} : memref<80x128xf32, #tpu.memory_space<vmem>>, vector<1x16xf32>,
        %get3A_622 = vector.shape_cast %get3A_621 : vector<1x16xf32> to vector<16xf32>
        %add3A_623 = arith.constant 16 : i32
        %add3A_624 = arith.addi %squeeze3A_599, %add3A_623 : i32
        %get3A_625 = arith.index_cast %add3A_624 : i32 to index
        %get3A_626 = tpu.vector_load %arg7[%get3A_625] {strides = array<i32>} : memref<512xf32, #tpu.memory_space<vmem>>, vector<16xf32>,
        %get3A_627 = vector.shape_cast %get3A_626 : vector<16xf32> to vector<16xf32>
        %mul3A_628 = arith.mulf %get3A_622, %get3A_627 : vector<16xf32>
        %swap3A_629 = arith.index_cast %add3A_603 : i32 to index
        %swap3A_630 = arith.constant 16 : index
        %swap3A_631 = tpu.vector_load %arg9[%swap3A_629, %swap3A_630] {strides = array<i32>} : memref<80x144xf32, #tpu.memory_space<vmem>>, vector<1x16xf32>,
        %swap3A_632 = vector.shape_cast %swap3A_631 : vector<1x16xf32> to vector<16xf32>
        %swap3A_633 = vector.shape_cast %mul3A_628 : vector<16xf32> to vector<1x16xf32>
        tpu.vector_store %arg9[%swap3A_629, %swap3A_630], %swap3A_633 {strides = array<i32>} : memref<80x144xf32, #tpu.memory_space<vmem>>, vector<1x16xf32>,
        %get3A_634 = arith.index_cast %add3A_603 : i32 to index
        %get3A_635 = arith.constant 32 : index
        %get3A_636 = tpu.vector_load %arg8[%get3A_634, %get3A_635] {strides = array<i32>} : memref<80x128xf32, #tpu.memory_space<vmem>>, vector<1x16xf32>,
        %get3A_637 = vector.shape_cast %get3A_636 : vector<1x16xf32> to vector<16xf32>
        %add3A_638 = arith.constant 32 : i32
        %add3A_639 = arith.addi %squeeze3A_599, %add3A_638 : i32
        %get3A_640 = arith.index_cast %add3A_639 : i32 to index
        %get3A_641 = tpu.vector_load %arg7[%get3A_640] {strides = array<i32>} : memref<512xf32, #tpu.memory_space<vmem>>, vector<16xf32>,
        %get3A_642 = vector.shape_cast %get3A_641 : vector<16xf32> to vector<16xf32>
        %mul3A_643 = arith.mulf %get3A_637, %get3A_642 : vector<16xf32>
        %swap3A_644 = arith.index_cast %add3A_603 : i32 to index
        %swap3A_645 = arith.constant 32 : index
        %swap3A_646 = tpu.vector_load %arg9[%swap3A_644, %swap3A_645] {strides = array<i32>} : memref<80x144xf32, #tpu.memory_space<vmem>>, vector<1x16xf32>,
        %swap3A_647 = vector.shape_cast %swap3A_646 : vector<1x16xf32> to vector<16xf32>
        %swap3A_648 = vector.shape_cast %mul3A_643 : vector<16xf32> to vector<1x16xf32>
        tpu.vector_store %arg9[%swap3A_644, %swap3A_645], %swap3A_648 {strides = array<i32>} : memref<80x144xf32, #tpu.memory_space<vmem>>, vector<1x16xf32>,
        %get3A_649 = arith.index_cast %add3A_603 : i32 to index
        %get3A_650 = arith.constant 48 : index
        %get3A_651 = tpu.vector_load %arg8[%get3A_649, %get3A_650] {strides = array<i32>} : memref<80x128xf32, #tpu.memory_space<vmem>>, vector<1x16xf32>,
        %get3A_652 = vector.shape_cast %get3A_651 : vector<1x16xf32> to vector<16xf32>
        %add3A_653 = arith.constant 48 : i32
        %add3A_654 = arith.addi %squeeze3A_599, %add3A_653 : i32
        %get3A_655 = arith.index_cast %add3A_654 : i32 to index
        %get3A_656 = tpu.vector_load %arg7[%get3A_655] {strides = array<i32>} : memref<512xf32, #tpu.memory_space<vmem>>, vector<16xf32>,
        %get3A_657 = vector.shape_cast %get3A_656 : vector<16xf32> to vector<16xf32>
        %mul3A_658 = arith.mulf %get3A_652, %get3A_657 : vector<16xf32>
        %swap3A_659 = arith.index_cast %add3A_603 : i32 to index
        %swap3A_660 = arith.constant 48 : index
        %swap3A_661 = tpu.vector_load %arg9[%swap3A_659, %swap3A_660] {strides = array<i32>} : memref<80x144xf32, #tpu.memory_space<vmem>>, vector<1x16xf32>,
        %swap3A_662 = vector.shape_cast %swap3A_661 : vector<1x16xf32> to vector<16xf32>
        %swap3A_663 = vector.shape_cast %mul3A_658 : vector<16xf32> to vector<1x16xf32>
        tpu.vector_store %arg9[%swap3A_659, %swap3A_660], %swap3A_663 {strides = array<i32>} : memref<80x144xf32, #tpu.memory_space<vmem>>, vector<1x16xf32>,
        %get3A_664 = arith.index_cast %add3A_603 : i32 to index
        %get3A_665 = arith.constant 64 : index
        %get3A_666 = tpu.vector_load %arg8[%get3A_664, %get3A_665] {strides = array<i32>} : memref<80x128xf32, #tpu.memory_space<vmem>>, vector<1x16xf32>,
        %get3A_667 = vector.shape_cast %get3A_666 : vector<1x16xf32> to vector<16xf32>
        %add3A_668 = arith.constant 64 : i32
        %add3A_669 = arith.addi %squeeze3A_599, %add3A_668 : i32
        %get3A_670 = arith.index_cast %add3A_669 : i32 to index
        %get3A_671 = tpu.vector_load %arg7[%get3A_670] {strides = array<i32>} : memref<512xf32, #tpu.memory_space<vmem>>, vector<16xf32>,
        %get3A_672 = vector.shape_cast %get3A_671 : vector<16xf32> to vector<16xf32>
        %mul3A_673 = arith.mulf %get3A_667, %get3A_672 : vector<16xf32>
        %swap3A_674 = arith.index_cast %add3A_603 : i32 to index
        %swap3A_675 = arith.constant 64 : index
        %swap3A_676 = tpu.vector_load %arg9[%swap3A_674, %swap3A_675] {strides = array<i32>} : memref<80x144xf32, #tpu.memory_space<vmem>>, vector<1x16xf32>,
        %swap3A_677 = vector.shape_cast %swap3A_676 : vector<1x16xf32> to vector<16xf32>
        %swap3A_678 = vector.shape_cast %mul3A_673 : vector<16xf32> to vector<1x16xf32>
        tpu.vector_store %arg9[%swap3A_674, %swap3A_675], %swap3A_678 {strides = array<i32>} : memref<80x144xf32, #tpu.memory_space<vmem>>, vector<1x16xf32>,
        %get3A_679 = arith.index_cast %add3A_603 : i32 to index
        %get3A_680 = arith.constant 80 : index
        %get3A_681 = tpu.vector_load %arg8[%get3A_679, %get3A_680] {strides = array<i32>} : memref<80x128xf32, #tpu.memory_space<vmem>>, vector<1x16xf32>,
        %get3A_682 = vector.shape_cast %get3A_681 : vector<1x16xf32> to vector<16xf32>
        %add3A_683 = arith.constant 80 : i32
        %add3A_684 = arith.addi %squeeze3A_599, %add3A_683 : i32
        %get3A_685 = arith.index_cast %add3A_684 : i32 to index
        %get3A_686 = tpu.vector_load %arg7[%get3A_685] {strides = array<i32>} : memref<512xf32, #tpu.memory_space<vmem>>, vector<16xf32>,
        %get3A_687 = vector.shape_cast %get3A_686 : vector<16xf32> to vector<16xf32>
        %mul3A_688 = arith.mulf %get3A_682, %get3A_687 : vector<16xf32>
        %swap3A_689 = arith.index_cast %add3A_603 : i32 to index
        %swap3A_690 = arith.constant 80 : index
        %swap3A_691 = tpu.vector_load %arg9[%swap3A_689, %swap3A_690] {strides = array<i32>} : memref<80x144xf32, #tpu.memory_space<vmem>>, vector<1x16xf32>,
        %swap3A_692 = vector.shape_cast %swap3A_691 : vector<1x16xf32> to vector<16xf32>
        %swap3A_693 = vector.shape_cast %mul3A_688 : vector<16xf32> to vector<1x16xf32>
        tpu.vector_store %arg9[%swap3A_689, %swap3A_690], %swap3A_693 {strides = array<i32>} : memref<80x144xf32, #tpu.memory_space<vmem>>, vector<1x16xf32>,
        %get3A_694 = arith.index_cast %add3A_603 : i32 to index
        %get3A_695 = arith.constant 96 : index
        %get3A_696 = tpu.vector_load %arg8[%get3A_694, %get3A_695] {strides = array<i32>} : memref<80x128xf32, #tpu.memory_space<vmem>>, vector<1x16xf32>,
        %get3A_697 = vector.shape_cast %get3A_696 : vector<1x16xf32> to vector<16xf32>
        %add3A_698 = arith.constant 96 : i32
        %add3A_699 = arith.addi %squeeze3A_599, %add3A_698 : i32
        %get3A_700 = arith.index_cast %add3A_699 : i32 to index
        %get3A_701 = tpu.vector_load %arg7[%get3A_700] {strides = array<i32>} : memref<512xf32, #tpu.memory_space<vmem>>, vector<16xf32>,
        %get3A_702 = vector.shape_cast %get3A_701 : vector<16xf32> to vector<16xf32>
        %mul3A_703 = arith.mulf %get3A_697, %get3A_702 : vector<16xf32>
        %swap3A_704 = arith.index_cast %add3A_603 : i32 to index
        %swap3A_705 = arith.constant 96 : index
        %swap3A_706 = tpu.vector_load %arg9[%swap3A_704, %swap3A_705] {strides = array<i32>} : memref<80x144xf32, #tpu.memory_space<vmem>>, vector<1x16xf32>,
        %swap3A_707 = vector.shape_cast %swap3A_706 : vector<1x16xf32> to vector<16xf32>
        %swap3A_708 = vector.shape_cast %mul3A_703 : vector<16xf32> to vector<1x16xf32>
        tpu.vector_store %arg9[%swap3A_704, %swap3A_705], %swap3A_708 {strides = array<i32>} : memref<80x144xf32, #tpu.memory_space<vmem>>, vector<1x16xf32>,
        %get3A_709 = arith.index_cast %add3A_603 : i32 to index
        %get3A_710 = arith.constant 112 : index
        %get3A_711 = tpu.vector_load %arg8[%get3A_709, %get3A_710] {strides = array<i32>} : memref<80x128xf32, #tpu.memory_space<vmem>>, vector<1x16xf32>,
        %get3A_712 = vector.shape_cast %get3A_711 : vector<1x16xf32> to vector<16xf32>
        %add3A_713 = arith.constant 112 : i32
        %add3A_714 = arith.addi %squeeze3A_599, %add3A_713 : i32
        %get3A_715 = arith.index_cast %add3A_714 : i32 to index
        %get3A_716 = tpu.vector_load %arg7[%get3A_715] {strides = array<i32>} : memref<512xf32, #tpu.memory_space<vmem>>, vector<16xf32>,
        %get3A_717 = vector.shape_cast %get3A_716 : vector<16xf32> to vector<16xf32>
        %mul3A_718 = arith.mulf %get3A_712, %get3A_717 : vector<16xf32>
        %swap3A_719 = arith.index_cast %add3A_603 : i32 to index
        %swap3A_720 = arith.constant 112 : index
        %swap3A_721 = tpu.vector_load %arg9[%swap3A_719, %swap3A_720] {strides = array<i32>} : memref<80x144xf32, #tpu.memory_space<vmem>>, vector<1x16xf32>,
        %swap3A_722 = vector.shape_cast %swap3A_721 : vector<1x16xf32> to vector<16xf32>
        %swap3A_723 = vector.shape_cast %mul3A_718 : vector<16xf32> to vector<1x16xf32>
        tpu.vector_store %arg9[%swap3A_719, %swap3A_720], %swap3A_723 {strides = array<i32>} : memref<80x144xf32, #tpu.memory_space<vmem>>, vector<1x16xf32>,
        %slice3A_724 = vector.extract_strided_slice %mul3A_96 {offsets = [5], sizes = [1], strides = [1]} : vector<16xi32> to vector<1xi32>
        %squeeze3A_725 = vector.extract %slice3A_724[0] : i32 from vector<1xi32>
        %mul3A_726 = arith.constant 16 : i32
        %mul3A_727 = arith.muli %scan3A_84, %mul3A_726 : i32
        %add3A_728 = arith.constant 5 : i32
        %add3A_729 = arith.addi %mul3A_727, %add3A_728 : i32
        %get3A_730 = arith.index_cast %add3A_729 : i32 to index
        %get3A_731 = arith.constant 0 : index
        %get3A_732 = tpu.vector_load %arg8[%get3A_730, %get3A_731] {strides = array<i32>} : memref<80x128xf32, #tpu.memory_space<vmem>>, vector<1x16xf32>,
        %get3A_733 = vector.shape_cast %get3A_732 : vector<1x16xf32> to vector<16xf32>
        %add3A_734 = arith.constant 0 : i32
        %add3A_735 = arith.addi %squeeze3A_725, %add3A_734 : i32
        %get3A_736 = arith.index_cast %add3A_735 : i32 to index
        %get3A_737 = tpu.vector_load %arg7[%get3A_736] {strides = array<i32>} : memref<512xf32, #tpu.memory_space<vmem>>, vector<16xf32>,
        %get3A_738 = vector.shape_cast %get3A_737 : vector<16xf32> to vector<16xf32>
        %mul3A_739 = arith.mulf %get3A_733, %get3A_738 : vector<16xf32>
        %swap3A_740 = arith.index_cast %add3A_729 : i32 to index
        %swap3A_741 = arith.constant 0 : index
        %swap3A_742 = tpu.vector_load %arg9[%swap3A_740, %swap3A_741] {strides = array<i32>} : memref<80x144xf32, #tpu.memory_space<vmem>>, vector<1x16xf32>,
        %swap3A_743 = vector.shape_cast %swap3A_742 : vector<1x16xf32> to vector<16xf32>
        %swap3A_744 = vector.shape_cast %mul3A_739 : vector<16xf32> to vector<1x16xf32>
        tpu.vector_store %arg9[%swap3A_740, %swap3A_741], %swap3A_744 {strides = array<i32>} : memref<80x144xf32, #tpu.memory_space<vmem>>, vector<1x16xf32>,
        %get3A_745 = arith.index_cast %add3A_729 : i32 to index
        %get3A_746 = arith.constant 16 : index
        %get3A_747 = tpu.vector_load %arg8[%get3A_745, %get3A_746] {strides = array<i32>} : memref<80x128xf32, #tpu.memory_space<vmem>>, vector<1x16xf32>,
        %get3A_748 = vector.shape_cast %get3A_747 : vector<1x16xf32> to vector<16xf32>
        %add3A_749 = arith.constant 16 : i32
        %add3A_750 = arith.addi %squeeze3A_725, %add3A_749 : i32
        %get3A_751 = arith.index_cast %add3A_750 : i32 to index
        %get3A_752 = tpu.vector_load %arg7[%get3A_751] {strides = array<i32>} : memref<512xf32, #tpu.memory_space<vmem>>, vector<16xf32>,
        %get3A_753 = vector.shape_cast %get3A_752 : vector<16xf32> to vector<16xf32>
        %mul3A_754 = arith.mulf %get3A_748, %get3A_753 : vector<16xf32>
        %swap3A_755 = arith.index_cast %add3A_729 : i32 to index
        %swap3A_756 = arith.constant 16 : index
        %swap3A_757 = tpu.vector_load %arg9[%swap3A_755, %swap3A_756] {strides = array<i32>} : memref<80x144xf32, #tpu.memory_space<vmem>>, vector<1x16xf32>,
        %swap3A_758 = vector.shape_cast %swap3A_757 : vector<1x16xf32> to vector<16xf32>
        %swap3A_759 = vector.shape_cast %mul3A_754 : vector<16xf32> to vector<1x16xf32>
        tpu.vector_store %arg9[%swap3A_755, %swap3A_756], %swap3A_759 {strides = array<i32>} : memref<80x144xf32, #tpu.memory_space<vmem>>, vector<1x16xf32>,
        %get3A_760 = arith.index_cast %add3A_729 : i32 to index
        %get3A_761 = arith.constant 32 : index
        %get3A_762 = tpu.vector_load %arg8[%get3A_760, %get3A_761] {strides = array<i32>} : memref<80x128xf32, #tpu.memory_space<vmem>>, vector<1x16xf32>,
        %get3A_763 = vector.shape_cast %get3A_762 : vector<1x16xf32> to vector<16xf32>
        %add3A_764 = arith.constant 32 : i32
        %add3A_765 = arith.addi %squeeze3A_725, %add3A_764 : i32
        %get3A_766 = arith.index_cast %add3A_765 : i32 to index
        %get3A_767 = tpu.vector_load %arg7[%get3A_766] {strides = array<i32>} : memref<512xf32, #tpu.memory_space<vmem>>, vector<16xf32>,
        %get3A_768 = vector.shape_cast %get3A_767 : vector<16xf32> to vector<16xf32>
        %mul3A_769 = arith.mulf %get3A_763, %get3A_768 : vector<16xf32>
        %swap3A_770 = arith.index_cast %add3A_729 : i32 to index
        %swap3A_771 = arith.constant 32 : index
        %swap3A_772 = tpu.vector_load %arg9[%swap3A_770, %swap3A_771] {strides = array<i32>} : memref<80x144xf32, #tpu.memory_space<vmem>>, vector<1x16xf32>,
        %swap3A_773 = vector.shape_cast %swap3A_772 : vector<1x16xf32> to vector<16xf32>
        %swap3A_774 = vector.shape_cast %mul3A_769 : vector<16xf32> to vector<1x16xf32>
        tpu.vector_store %arg9[%swap3A_770, %swap3A_771], %swap3A_774 {strides = array<i32>} : memref<80x144xf32, #tpu.memory_space<vmem>>, vector<1x16xf32>,
        %get3A_775 = arith.index_cast %add3A_729 : i32 to index
        %get3A_776 = arith.constant 48 : index
        %get3A_777 = tpu.vector_load %arg8[%get3A_775, %get3A_776] {strides = array<i32>} : memref<80x128xf32, #tpu.memory_space<vmem>>, vector<1x16xf32>,
        %get3A_778 = vector.shape_cast %get3A_777 : vector<1x16xf32> to vector<16xf32>
        %add3A_779 = arith.constant 48 : i32
        %add3A_780 = arith.addi %squeeze3A_725, %add3A_779 : i32
        %get3A_781 = arith.index_cast %add3A_780 : i32 to index
        %get3A_782 = tpu.vector_load %arg7[%get3A_781] {strides = array<i32>} : memref<512xf32, #tpu.memory_space<vmem>>, vector<16xf32>,
        %get3A_783 = vector.shape_cast %get3A_782 : vector<16xf32> to vector<16xf32>
        %mul3A_784 = arith.mulf %get3A_778, %get3A_783 : vector<16xf32>
        %swap3A_785 = arith.index_cast %add3A_729 : i32 to index
        %swap3A_786 = arith.constant 48 : index
        %swap3A_787 = tpu.vector_load %arg9[%swap3A_785, %swap3A_786] {strides = array<i32>} : memref<80x144xf32, #tpu.memory_space<vmem>>, vector<1x16xf32>,
        %swap3A_788 = vector.shape_cast %swap3A_787 : vector<1x16xf32> to vector<16xf32>
        %swap3A_789 = vector.shape_cast %mul3A_784 : vector<16xf32> to vector<1x16xf32>
        tpu.vector_store %arg9[%swap3A_785, %swap3A_786], %swap3A_789 {strides = array<i32>} : memref<80x144xf32, #tpu.memory_space<vmem>>, vector<1x16xf32>,
        %get3A_790 = arith.index_cast %add3A_729 : i32 to index
        %get3A_791 = arith.constant 64 : index
        %get3A_792 = tpu.vector_load %arg8[%get3A_790, %get3A_791] {strides = array<i32>} : memref<80x128xf32, #tpu.memory_space<vmem>>, vector<1x16xf32>,
        %get3A_793 = vector.shape_cast %get3A_792 : vector<1x16xf32> to vector<16xf32>
        %add3A_794 = arith.constant 64 : i32
        %add3A_795 = arith.addi %squeeze3A_725, %add3A_794 : i32
        %get3A_796 = arith.index_cast %add3A_795 : i32 to index
        %get3A_797 = tpu.vector_load %arg7[%get3A_796] {strides = array<i32>} : memref<512xf32, #tpu.memory_space<vmem>>, vector<16xf32>,
        %get3A_798 = vector.shape_cast %get3A_797 : vector<16xf32> to vector<16xf32>
        %mul3A_799 = arith.mulf %get3A_793, %get3A_798 : vector<16xf32>
        %swap3A_800 = arith.index_cast %add3A_729 : i32 to index
        %swap3A_801 = arith.constant 64 : index
        %swap3A_802 = tpu.vector_load %arg9[%swap3A_800, %swap3A_801] {strides = array<i32>} : memref<80x144xf32, #tpu.memory_space<vmem>>, vector<1x16xf32>,
        %swap3A_803 = vector.shape_cast %swap3A_802 : vector<1x16xf32> to vector<16xf32>
        %swap3A_804 = vector.shape_cast %mul3A_799 : vector<16xf32> to vector<1x16xf32>
        tpu.vector_store %arg9[%swap3A_800, %swap3A_801], %swap3A_804 {strides = array<i32>} : memref<80x144xf32, #tpu.memory_space<vmem>>, vector<1x16xf32>,
        %get3A_805 = arith.index_cast %add3A_729 : i32 to index
        %get3A_806 = arith.constant 80 : index
        %get3A_807 = tpu.vector_load %arg8[%get3A_805, %get3A_806] {strides = array<i32>} : memref<80x128xf32, #tpu.memory_space<vmem>>, vector<1x16xf32>,
        %get3A_808 = vector.shape_cast %get3A_807 : vector<1x16xf32> to vector<16xf32>
        %add3A_809 = arith.constant 80 : i32
        %add3A_810 = arith.addi %squeeze3A_725, %add3A_809 : i32
        %get3A_811 = arith.index_cast %add3A_810 : i32 to index
        %get3A_812 = tpu.vector_load %arg7[%get3A_811] {strides = array<i32>} : memref<512xf32, #tpu.memory_space<vmem>>, vector<16xf32>,
        %get3A_813 = vector.shape_cast %get3A_812 : vector<16xf32> to vector<16xf32>
        %mul3A_814 = arith.mulf %get3A_808, %get3A_813 : vector<16xf32>
        %swap3A_815 = arith.index_cast %add3A_729 : i32 to index
        %swap3A_816 = arith.constant 80 : index
        %swap3A_817 = tpu.vector_load %arg9[%swap3A_815, %swap3A_816] {strides = array<i32>} : memref<80x144xf32, #tpu.memory_space<vmem>>, vector<1x16xf32>,
        %swap3A_818 = vector.shape_cast %swap3A_817 : vector<1x16xf32> to vector<16xf32>
        %swap3A_819 = vector.shape_cast %mul3A_814 : vector<16xf32> to vector<1x16xf32>
        tpu.vector_store %arg9[%swap3A_815, %swap3A_816], %swap3A_819 {strides = array<i32>} : memref<80x144xf32, #tpu.memory_space<vmem>>, vector<1x16xf32>,
        %get3A_820 = arith.index_cast %add3A_729 : i32 to index
        %get3A_821 = arith.constant 96 : index
        %get3A_822 = tpu.vector_load %arg8[%get3A_820, %get3A_821] {strides = array<i32>} : memref<80x128xf32, #tpu.memory_space<vmem>>, vector<1x16xf32>,
        %get3A_823 = vector.shape_cast %get3A_822 : vector<1x16xf32> to vector<16xf32>
        %add3A_824 = arith.constant 96 : i32
        %add3A_825 = arith.addi %squeeze3A_725, %add3A_824 : i32
        %get3A_826 = arith.index_cast %add3A_825 : i32 to index
        %get3A_827 = tpu.vector_load %arg7[%get3A_826] {strides = array<i32>} : memref<512xf32, #tpu.memory_space<vmem>>, vector<16xf32>,
        %get3A_828 = vector.shape_cast %get3A_827 : vector<16xf32> to vector<16xf32>
        %mul3A_829 = arith.mulf %get3A_823, %get3A_828 : vector<16xf32>
        %swap3A_830 = arith.index_cast %add3A_729 : i32 to index
        %swap3A_831 = arith.constant 96 : index
        %swap3A_832 = tpu.vector_load %arg9[%swap3A_830, %swap3A_831] {strides = array<i32>} : memref<80x144xf32, #tpu.memory_space<vmem>>, vector<1x16xf32>,
        %swap3A_833 = vector.shape_cast %swap3A_832 : vector<1x16xf32> to vector<16xf32>
        %swap3A_834 = vector.shape_cast %mul3A_829 : vector<16xf32> to vector<1x16xf32>
        tpu.vector_store %arg9[%swap3A_830, %swap3A_831], %swap3A_834 {strides = array<i32>} : memref<80x144xf32, #tpu.memory_space<vmem>>, vector<1x16xf32>,
        %get3A_835 = arith.index_cast %add3A_729 : i32 to index
        %get3A_836 = arith.constant 112 : index
        %get3A_837 = tpu.vector_load %arg8[%get3A_835, %get3A_836] {strides = array<i32>} : memref<80x128xf32, #tpu.memory_space<vmem>>, vector<1x16xf32>,
        %get3A_838 = vector.shape_cast %get3A_837 : vector<1x16xf32> to vector<16xf32>
        %add3A_839 = arith.constant 112 : i32
        %add3A_840 = arith.addi %squeeze3A_725, %add3A_839 : i32
        %get3A_841 = arith.index_cast %add3A_840 : i32 to index
        %get3A_842 = tpu.vector_load %arg7[%get3A_841] {strides = array<i32>} : memref<512xf32, #tpu.memory_space<vmem>>, vector<16xf32>,
        %get3A_843 = vector.shape_cast %get3A_842 : vector<16xf32> to vector<16xf32>
        %mul3A_844 = arith.mulf %get3A_838, %get3A_843 : vector<16xf32>
        %swap3A_845 = arith.index_cast %add3A_729 : i32 to index
        %swap3A_846 = arith.constant 112 : index
        %swap3A_847 = tpu.vector_load %arg9[%swap3A_845, %swap3A_846] {strides = array<i32>} : memref<80x144xf32, #tpu.memory_space<vmem>>, vector<1x16xf32>,
        %swap3A_848 = vector.shape_cast %swap3A_847 : vector<1x16xf32> to vector<16xf32>
        %swap3A_849 = vector.shape_cast %mul3A_844 : vector<16xf32> to vector<1x16xf32>
        tpu.vector_store %arg9[%swap3A_845, %swap3A_846], %swap3A_849 {strides = array<i32>} : memref<80x144xf32, #tpu.memory_space<vmem>>, vector<1x16xf32>,
        %slice3A_850 = vector.extract_strided_slice %mul3A_96 {offsets = [6], sizes = [1], strides = [1]} : vector<16xi32> to vector<1xi32>
        %squeeze3A_851 = vector.extract %slice3A_850[0] : i32 from vector<1xi32>
        %mul3A_852 = arith.constant 16 : i32
        %mul3A_853 = arith.muli %scan3A_84, %mul3A_852 : i32
        %add3A_854 = arith.constant 6 : i32
        %add3A_855 = arith.addi %mul3A_853, %add3A_854 : i32
        %get3A_856 = arith.index_cast %add3A_855 : i32 to index
        %get3A_857 = arith.constant 0 : index
        %get3A_858 = tpu.vector_load %arg8[%get3A_856, %get3A_857] {strides = array<i32>} : memref<80x128xf32, #tpu.memory_space<vmem>>, vector<1x16xf32>,
        %get3A_859 = vector.shape_cast %get3A_858 : vector<1x16xf32> to vector<16xf32>
        %add3A_860 = arith.constant 0 : i32
        %add3A_861 = arith.addi %squeeze3A_851, %add3A_860 : i32
        %get3A_862 = arith.index_cast %add3A_861 : i32 to index
        %get3A_863 = tpu.vector_load %arg7[%get3A_862] {strides = array<i32>} : memref<512xf32, #tpu.memory_space<vmem>>, vector<16xf32>,
        %get3A_864 = vector.shape_cast %get3A_863 : vector<16xf32> to vector<16xf32>
        %mul3A_865 = arith.mulf %get3A_859, %get3A_864 : vector<16xf32>
        %swap3A_866 = arith.index_cast %add3A_855 : i32 to index
        %swap3A_867 = arith.constant 0 : index
        %swap3A_868 = tpu.vector_load %arg9[%swap3A_866, %swap3A_867] {strides = array<i32>} : memref<80x144xf32, #tpu.memory_space<vmem>>, vector<1x16xf32>,
        %swap3A_869 = vector.shape_cast %swap3A_868 : vector<1x16xf32> to vector<16xf32>
        %swap3A_870 = vector.shape_cast %mul3A_865 : vector<16xf32> to vector<1x16xf32>
        tpu.vector_store %arg9[%swap3A_866, %swap3A_867], %swap3A_870 {strides = array<i32>} : memref<80x144xf32, #tpu.memory_space<vmem>>, vector<1x16xf32>,
        %get3A_871 = arith.index_cast %add3A_855 : i32 to index
        %get3A_872 = arith.constant 16 : index
        %get3A_873 = tpu.vector_load %arg8[%get3A_871, %get3A_872] {strides = array<i32>} : memref<80x128xf32, #tpu.memory_space<vmem>>, vector<1x16xf32>,
        %get3A_874 = vector.shape_cast %get3A_873 : vector<1x16xf32> to vector<16xf32>
        %add3A_875 = arith.constant 16 : i32
        %add3A_876 = arith.addi %squeeze3A_851, %add3A_875 : i32
        %get3A_877 = arith.index_cast %add3A_876 : i32 to index
        %get3A_878 = tpu.vector_load %arg7[%get3A_877] {strides = array<i32>} : memref<512xf32, #tpu.memory_space<vmem>>, vector<16xf32>,
        %get3A_879 = vector.shape_cast %get3A_878 : vector<16xf32> to vector<16xf32>
        %mul3A_880 = arith.mulf %get3A_874, %get3A_879 : vector<16xf32>
        %swap3A_881 = arith.index_cast %add3A_855 : i32 to index
        %swap3A_882 = arith.constant 16 : index
        %swap3A_883 = tpu.vector_load %arg9[%swap3A_881, %swap3A_882] {strides = array<i32>} : memref<80x144xf32, #tpu.memory_space<vmem>>, vector<1x16xf32>,
        %swap3A_884 = vector.shape_cast %swap3A_883 : vector<1x16xf32> to vector<16xf32>
        %swap3A_885 = vector.shape_cast %mul3A_880 : vector<16xf32> to vector<1x16xf32>
        tpu.vector_store %arg9[%swap3A_881, %swap3A_882], %swap3A_885 {strides = array<i32>} : memref<80x144xf32, #tpu.memory_space<vmem>>, vector<1x16xf32>,
        %get3A_886 = arith.index_cast %add3A_855 : i32 to index
        %get3A_887 = arith.constant 32 : index
        %get3A_888 = tpu.vector_load %arg8[%get3A_886, %get3A_887] {strides = array<i32>} : memref<80x128xf32, #tpu.memory_space<vmem>>, vector<1x16xf32>,
        %get3A_889 = vector.shape_cast %get3A_888 : vector<1x16xf32> to vector<16xf32>
        %add3A_890 = arith.constant 32 : i32
        %add3A_891 = arith.addi %squeeze3A_851, %add3A_890 : i32
        %get3A_892 = arith.index_cast %add3A_891 : i32 to index
        %get3A_893 = tpu.vector_load %arg7[%get3A_892] {strides = array<i32>} : memref<512xf32, #tpu.memory_space<vmem>>, vector<16xf32>,
        %get3A_894 = vector.shape_cast %get3A_893 : vector<16xf32> to vector<16xf32>
        %mul3A_895 = arith.mulf %get3A_889, %get3A_894 : vector<16xf32>
        %swap3A_896 = arith.index_cast %add3A_855 : i32 to index
        %swap3A_897 = arith.constant 32 : index
        %swap3A_898 = tpu.vector_load %arg9[%swap3A_896, %swap3A_897] {strides = array<i32>} : memref<80x144xf32, #tpu.memory_space<vmem>>, vector<1x16xf32>,
        %swap3A_899 = vector.shape_cast %swap3A_898 : vector<1x16xf32> to vector<16xf32>
        %swap3A_900 = vector.shape_cast %mul3A_895 : vector<16xf32> to vector<1x16xf32>
        tpu.vector_store %arg9[%swap3A_896, %swap3A_897], %swap3A_900 {strides = array<i32>} : memref<80x144xf32, #tpu.memory_space<vmem>>, vector<1x16xf32>,
        %get3A_901 = arith.index_cast %add3A_855 : i32 to index
        %get3A_902 = arith.constant 48 : index
        %get3A_903 = tpu.vector_load %arg8[%get3A_901, %get3A_902] {strides = array<i32>} : memref<80x128xf32, #tpu.memory_space<vmem>>, vector<1x16xf32>,
        %get3A_904 = vector.shape_cast %get3A_903 : vector<1x16xf32> to vector<16xf32>
        %add3A_905 = arith.constant 48 : i32
        %add3A_906 = arith.addi %squeeze3A_851, %add3A_905 : i32
        %get3A_907 = arith.index_cast %add3A_906 : i32 to index
        %get3A_908 = tpu.vector_load %arg7[%get3A_907] {strides = array<i32>} : memref<512xf32, #tpu.memory_space<vmem>>, vector<16xf32>,
        %get3A_909 = vector.shape_cast %get3A_908 : vector<16xf32> to vector<16xf32>
        %mul3A_910 = arith.mulf %get3A_904, %get3A_909 : vector<16xf32>
        %swap3A_911 = arith.index_cast %add3A_855 : i32 to index
        %swap3A_912 = arith.constant 48 : index
        %swap3A_913 = tpu.vector_load %arg9[%swap3A_911, %swap3A_912] {strides = array<i32>} : memref<80x144xf32, #tpu.memory_space<vmem>>, vector<1x16xf32>,
        %swap3A_914 = vector.shape_cast %swap3A_913 : vector<1x16xf32> to vector<16xf32>
        %swap3A_915 = vector.shape_cast %mul3A_910 : vector<16xf32> to vector<1x16xf32>
        tpu.vector_store %arg9[%swap3A_911, %swap3A_912], %swap3A_915 {strides = array<i32>} : memref<80x144xf32, #tpu.memory_space<vmem>>, vector<1x16xf32>,
        %get3A_916 = arith.index_cast %add3A_855 : i32 to index
        %get3A_917 = arith.constant 64 : index
        %get3A_918 = tpu.vector_load %arg8[%get3A_916, %get3A_917] {strides = array<i32>} : memref<80x128xf32, #tpu.memory_space<vmem>>, vector<1x16xf32>,
        %get3A_919 = vector.shape_cast %get3A_918 : vector<1x16xf32> to vector<16xf32>
        %add3A_920 = arith.constant 64 : i32
        %add3A_921 = arith.addi %squeeze3A_851, %add3A_920 : i32
        %get3A_922 = arith.index_cast %add3A_921 : i32 to index
        %get3A_923 = tpu.vector_load %arg7[%get3A_922] {strides = array<i32>} : memref<512xf32, #tpu.memory_space<vmem>>, vector<16xf32>,
        %get3A_924 = vector.shape_cast %get3A_923 : vector<16xf32> to vector<16xf32>
        %mul3A_925 = arith.mulf %get3A_919, %get3A_924 : vector<16xf32>
        %swap3A_926 = arith.index_cast %add3A_855 : i32 to index
        %swap3A_927 = arith.constant 64 : index
        %swap3A_928 = tpu.vector_load %arg9[%swap3A_926, %swap3A_927] {strides = array<i32>} : memref<80x144xf32, #tpu.memory_space<vmem>>, vector<1x16xf32>,
        %swap3A_929 = vector.shape_cast %swap3A_928 : vector<1x16xf32> to vector<16xf32>
        %swap3A_930 = vector.shape_cast %mul3A_925 : vector<16xf32> to vector<1x16xf32>
        tpu.vector_store %arg9[%swap3A_926, %swap3A_927], %swap3A_930 {strides = array<i32>} : memref<80x144xf32, #tpu.memory_space<vmem>>, vector<1x16xf32>,
        %get3A_931 = arith.index_cast %add3A_855 : i32 to index
        %get3A_932 = arith.constant 80 : index
        %get3A_933 = tpu.vector_load %arg8[%get3A_931, %get3A_932] {strides = array<i32>} : memref<80x128xf32, #tpu.memory_space<vmem>>, vector<1x16xf32>,
        %get3A_934 = vector.shape_cast %get3A_933 : vector<1x16xf32> to vector<16xf32>
        %add3A_935 = arith.constant 80 : i32
        %add3A_936 = arith.addi %squeeze3A_851, %add3A_935 : i32
        %get3A_937 = arith.index_cast %add3A_936 : i32 to index
        %get3A_938 = tpu.vector_load %arg7[%get3A_937] {strides = array<i32>} : memref<512xf32, #tpu.memory_space<vmem>>, vector<16xf32>,
        %get3A_939 = vector.shape_cast %get3A_938 : vector<16xf32> to vector<16xf32>
        %mul3A_940 = arith.mulf %get3A_934, %get3A_939 : vector<16xf32>
        %swap3A_941 = arith.index_cast %add3A_855 : i32 to index
        %swap3A_942 = arith.constant 80 : index
        %swap3A_943 = tpu.vector_load %arg9[%swap3A_941, %swap3A_942] {strides = array<i32>} : memref<80x144xf32, #tpu.memory_space<vmem>>, vector<1x16xf32>,
        %swap3A_944 = vector.shape_cast %swap3A_943 : vector<1x16xf32> to vector<16xf32>
        %swap3A_945 = vector.shape_cast %mul3A_940 : vector<16xf32> to vector<1x16xf32>
        tpu.vector_store %arg9[%swap3A_941, %swap3A_942], %swap3A_945 {strides = array<i32>} : memref<80x144xf32, #tpu.memory_space<vmem>>, vector<1x16xf32>,
        %get3A_946 = arith.index_cast %add3A_855 : i32 to index
        %get3A_947 = arith.constant 96 : index
        %get3A_948 = tpu.vector_load %arg8[%get3A_946, %get3A_947] {strides = array<i32>} : memref<80x128xf32, #tpu.memory_space<vmem>>, vector<1x16xf32>,
        %get3A_949 = vector.shape_cast %get3A_948 : vector<1x16xf32> to vector<16xf32>
        %add3A_950 = arith.constant 96 : i32
        %add3A_951 = arith.addi %squeeze3A_851, %add3A_950 : i32
        %get3A_952 = arith.index_cast %add3A_951 : i32 to index
        %get3A_953 = tpu.vector_load %arg7[%get3A_952] {strides = array<i32>} : memref<512xf32, #tpu.memory_space<vmem>>, vector<16xf32>,
        %get3A_954 = vector.shape_cast %get3A_953 : vector<16xf32> to vector<16xf32>
        %mul3A_955 = arith.mulf %get3A_949, %get3A_954 : vector<16xf32>
        %swap3A_956 = arith.index_cast %add3A_855 : i32 to index
        %swap3A_957 = arith.constant 96 : index
        %swap3A_958 = tpu.vector_load %arg9[%swap3A_956, %swap3A_957] {strides = array<i32>} : memref<80x144xf32, #tpu.memory_space<vmem>>, vector<1x16xf32>,
        %swap3A_959 = vector.shape_cast %swap3A_958 : vector<1x16xf32> to vector<16xf32>
        %swap3A_960 = vector.shape_cast %mul3A_955 : vector<16xf32> to vector<1x16xf32>
        tpu.vector_store %arg9[%swap3A_956, %swap3A_957], %swap3A_960 {strides = array<i32>} : memref<80x144xf32, #tpu.memory_space<vmem>>, vector<1x16xf32>,
        %get3A_961 = arith.index_cast %add3A_855 : i32 to index
        %get3A_962 = arith.constant 112 : index
        %get3A_963 = tpu.vector_load %arg8[%get3A_961, %get3A_962] {strides = array<i32>} : memref<80x128xf32, #tpu.memory_space<vmem>>, vector<1x16xf32>,
        %get3A_964 = vector.shape_cast %get3A_963 : vector<1x16xf32> to vector<16xf32>
        %add3A_965 = arith.constant 112 : i32
        %add3A_966 = arith.addi %squeeze3A_851, %add3A_965 : i32
        %get3A_967 = arith.index_cast %add3A_966 : i32 to index
        %get3A_968 = tpu.vector_load %arg7[%get3A_967] {strides = array<i32>} : memref<512xf32, #tpu.memory_space<vmem>>, vector<16xf32>,
        %get3A_969 = vector.shape_cast %get3A_968 : vector<16xf32> to vector<16xf32>
        %mul3A_970 = arith.mulf %get3A_964, %get3A_969 : vector<16xf32>
        %swap3A_971 = arith.index_cast %add3A_855 : i32 to index
        %swap3A_972 = arith.constant 112 : index
        %swap3A_973 = tpu.vector_load %arg9[%swap3A_971, %swap3A_972] {strides = array<i32>} : memref<80x144xf32, #tpu.memory_space<vmem>>, vector<1x16xf32>,
        %swap3A_974 = vector.shape_cast %swap3A_973 : vector<1x16xf32> to vector<16xf32>
        %swap3A_975 = vector.shape_cast %mul3A_970 : vector<16xf32> to vector<1x16xf32>
        tpu.vector_store %arg9[%swap3A_971, %swap3A_972], %swap3A_975 {strides = array<i32>} : memref<80x144xf32, #tpu.memory_space<vmem>>, vector<1x16xf32>,
        %slice3A_976 = vector.extract_strided_slice %mul3A_96 {offsets = [7], sizes = [1], strides = [1]} : vector<16xi32> to vector<1xi32>
        %squeeze3A_977 = vector.extract %slice3A_976[0] : i32 from vector<1xi32>
        %mul3A_978 = arith.constant 16 : i32
        %mul3A_979 = arith.muli %scan3A_84, %mul3A_978 : i32
        %add3A_980 = arith.constant 7 : i32
        %add3A_981 = arith.addi %mul3A_979, %add3A_980 : i32
        %get3A_982 = arith.index_cast %add3A_981 : i32 to index
        %get3A_983 = arith.constant 0 : index
        %get3A_984 = tpu.vector_load %arg8[%get3A_982, %get3A_983] {strides = array<i32>} : memref<80x128xf32, #tpu.memory_space<vmem>>, vector<1x16xf32>,
        %get3A_985 = vector.shape_cast %get3A_984 : vector<1x16xf32> to vector<16xf32>
        %add3A_986 = arith.constant 0 : i32
        %add3A_987 = arith.addi %squeeze3A_977, %add3A_986 : i32
        %get3A_988 = arith.index_cast %add3A_987 : i32 to index
        %get3A_989 = tpu.vector_load %arg7[%get3A_988] {strides = array<i32>} : memref<512xf32, #tpu.memory_space<vmem>>, vector<16xf32>,
        %get3A_990 = vector.shape_cast %get3A_989 : vector<16xf32> to vector<16xf32>
        %mul3A_991 = arith.mulf %get3A_985, %get3A_990 : vector<16xf32>
        %swap3A_992 = arith.index_cast %add3A_981 : i32 to index
        %swap3A_993 = arith.constant 0 : index
        %swap3A_994 = tpu.vector_load %arg9[%swap3A_992, %swap3A_993] {strides = array<i32>} : memref<80x144xf32, #tpu.memory_space<vmem>>, vector<1x16xf32>,
        %swap3A_995 = vector.shape_cast %swap3A_994 : vector<1x16xf32> to vector<16xf32>
        %swap3A_996 = vector.shape_cast %mul3A_991 : vector<16xf32> to vector<1x16xf32>
        tpu.vector_store %arg9[%swap3A_992, %swap3A_993], %swap3A_996 {strides = array<i32>} : memref<80x144xf32, #tpu.memory_space<vmem>>, vector<1x16xf32>,
        %get3A_997 = arith.index_cast %add3A_981 : i32 to index
        %get3A_998 = arith.constant 16 : index
        %get3A_999 = tpu.vector_load %arg8[%get3A_997, %get3A_998] {strides = array<i32>} : memref<80x128xf32, #tpu.memory_space<vmem>>, vector<1x16xf32>,
        %get3A_1000 = vector.shape_cast %get3A_999 : vector<1x16xf32> to vector<16xf32>
        %add3A_1001 = arith.constant 16 : i32
        %add3A_1002 = arith.addi %squeeze3A_977, %add3A_1001 : i32
        %get3A_1003 = arith.index_cast %add3A_1002 : i32 to index
        %get3A_1004 = tpu.vector_load %arg7[%get3A_1003] {strides = array<i32>} : memref<512xf32, #tpu.memory_space<vmem>>, vector<16xf32>,
        %get3A_1005 = vector.shape_cast %get3A_1004 : vector<16xf32> to vector<16xf32>
        %mul3A_1006 = arith.mulf %get3A_1000, %get3A_1005 : vector<16xf32>
        %swap3A_1007 = arith.index_cast %add3A_981 : i32 to index
        %swap3A_1008 = arith.constant 16 : index
        %swap3A_1009 = tpu.vector_load %arg9[%swap3A_1007, %swap3A_1008] {strides = array<i32>} : memref<80x144xf32, #tpu.memory_space<vmem>>, vector<1x16xf32>,
        %swap3A_1010 = vector.shape_cast %swap3A_1009 : vector<1x16xf32> to vector<16xf32>
        %swap3A_1011 = vector.shape_cast %mul3A_1006 : vector<16xf32> to vector<1x16xf32>
        tpu.vector_store %arg9[%swap3A_1007, %swap3A_1008], %swap3A_1011 {strides = array<i32>} : memref<80x144xf32, #tpu.memory_space<vmem>>, vector<1x16xf32>,
        %get3A_1012 = arith.index_cast %add3A_981 : i32 to index
        %get3A_1013 = arith.constant 32 : index
        %get3A_1014 = tpu.vector_load %arg8[%get3A_1012, %get3A_1013] {strides = array<i32>} : memref<80x128xf32, #tpu.memory_space<vmem>>, vector<1x16xf32>,
        %get3A_1015 = vector.shape_cast %get3A_1014 : vector<1x16xf32> to vector<16xf32>
        %add3A_1016 = arith.constant 32 : i32
        %add3A_1017 = arith.addi %squeeze3A_977, %add3A_1016 : i32
        %get3A_1018 = arith.index_cast %add3A_1017 : i32 to index
        %get3A_1019 = tpu.vector_load %arg7[%get3A_1018] {strides = array<i32>} : memref<512xf32, #tpu.memory_space<vmem>>, vector<16xf32>,
        %get3A_1020 = vector.shape_cast %get3A_1019 : vector<16xf32> to vector<16xf32>
        %mul3A_1021 = arith.mulf %get3A_1015, %get3A_1020 : vector<16xf32>
        %swap3A_1022 = arith.index_cast %add3A_981 : i32 to index
        %swap3A_1023 = arith.constant 32 : index
        %swap3A_1024 = tpu.vector_load %arg9[%swap3A_1022, %swap3A_1023] {strides = array<i32>} : memref<80x144xf32, #tpu.memory_space<vmem>>, vector<1x16xf32>,
        %swap3A_1025 = vector.shape_cast %swap3A_1024 : vector<1x16xf32> to vector<16xf32>
        %swap3A_1026 = vector.shape_cast %mul3A_1021 : vector<16xf32> to vector<1x16xf32>
        tpu.vector_store %arg9[%swap3A_1022, %swap3A_1023], %swap3A_1026 {strides = array<i32>} : memref<80x144xf32, #tpu.memory_space<vmem>>, vector<1x16xf32>,
        %get3A_1027 = arith.index_cast %add3A_981 : i32 to index
        %get3A_1028 = arith.constant 48 : index
        %get3A_1029 = tpu.vector_load %arg8[%get3A_1027, %get3A_1028] {strides = array<i32>} : memref<80x128xf32, #tpu.memory_space<vmem>>, vector<1x16xf32>,
        %get3A_1030 = vector.shape_cast %get3A_1029 : vector<1x16xf32> to vector<16xf32>
        %add3A_1031 = arith.constant 48 : i32
        %add3A_1032 = arith.addi %squeeze3A_977, %add3A_1031 : i32
        %get3A_1033 = arith.index_cast %add3A_1032 : i32 to index
        %get3A_1034 = tpu.vector_load %arg7[%get3A_1033] {strides = array<i32>} : memref<512xf32, #tpu.memory_space<vmem>>, vector<16xf32>,
        %get3A_1035 = vector.shape_cast %get3A_1034 : vector<16xf32> to vector<16xf32>
        %mul3A_1036 = arith.mulf %get3A_1030, %get3A_1035 : vector<16xf32>
        %swap3A_1037 = arith.index_cast %add3A_981 : i32 to index
        %swap3A_1038 = arith.constant 48 : index
        %swap3A_1039 = tpu.vector_load %arg9[%swap3A_1037, %swap3A_1038] {strides = array<i32>} : memref<80x144xf32, #tpu.memory_space<vmem>>, vector<1x16xf32>,
        %swap3A_1040 = vector.shape_cast %swap3A_1039 : vector<1x16xf32> to vector<16xf32>
        %swap3A_1041 = vector.shape_cast %mul3A_1036 : vector<16xf32> to vector<1x16xf32>
        tpu.vector_store %arg9[%swap3A_1037, %swap3A_1038], %swap3A_1041 {strides = array<i32>} : memref<80x144xf32, #tpu.memory_space<vmem>>, vector<1x16xf32>,
        %get3A_1042 = arith.index_cast %add3A_981 : i32 to index
        %get3A_1043 = arith.constant 64 : index
        %get3A_1044 = tpu.vector_load %arg8[%get3A_1042, %get3A_1043] {strides = array<i32>} : memref<80x128xf32, #tpu.memory_space<vmem>>, vector<1x16xf32>,
        %get3A_1045 = vector.shape_cast %get3A_1044 : vector<1x16xf32> to vector<16xf32>
        %add3A_1046 = arith.constant 64 : i32
        %add3A_1047 = arith.addi %squeeze3A_977, %add3A_1046 : i32
        %get3A_1048 = arith.index_cast %add3A_1047 : i32 to index
        %get3A_1049 = tpu.vector_load %arg7[%get3A_1048] {strides = array<i32>} : memref<512xf32, #tpu.memory_space<vmem>>, vector<16xf32>,
        %get3A_1050 = vector.shape_cast %get3A_1049 : vector<16xf32> to vector<16xf32>
        %mul3A_1051 = arith.mulf %get3A_1045, %get3A_1050 : vector<16xf32>
        %swap3A_1052 = arith.index_cast %add3A_981 : i32 to index
        %swap3A_1053 = arith.constant 64 : index
        %swap3A_1054 = tpu.vector_load %arg9[%swap3A_1052, %swap3A_1053] {strides = array<i32>} : memref<80x144xf32, #tpu.memory_space<vmem>>, vector<1x16xf32>,
        %swap3A_1055 = vector.shape_cast %swap3A_1054 : vector<1x16xf32> to vector<16xf32>
        %swap3A_1056 = vector.shape_cast %mul3A_1051 : vector<16xf32> to vector<1x16xf32>
        tpu.vector_store %arg9[%swap3A_1052, %swap3A_1053], %swap3A_1056 {strides = array<i32>} : memref<80x144xf32, #tpu.memory_space<vmem>>, vector<1x16xf32>,
        %get3A_1057 = arith.index_cast %add3A_981 : i32 to index
        %get3A_1058 = arith.constant 80 : index
        %get3A_1059 = tpu.vector_load %arg8[%get3A_1057, %get3A_1058] {strides = array<i32>} : memref<80x128xf32, #tpu.memory_space<vmem>>, vector<1x16xf32>,
        %get3A_1060 = vector.shape_cast %get3A_1059 : vector<1x16xf32> to vector<16xf32>
        %add3A_1061 = arith.constant 80 : i32
        %add3A_1062 = arith.addi %squeeze3A_977, %add3A_1061 : i32
        %get3A_1063 = arith.index_cast %add3A_1062 : i32 to index
        %get3A_1064 = tpu.vector_load %arg7[%get3A_1063] {strides = array<i32>} : memref<512xf32, #tpu.memory_space<vmem>>, vector<16xf32>,
        %get3A_1065 = vector.shape_cast %get3A_1064 : vector<16xf32> to vector<16xf32>
        %mul3A_1066 = arith.mulf %get3A_1060, %get3A_1065 : vector<16xf32>
        %swap3A_1067 = arith.index_cast %add3A_981 : i32 to index
        %swap3A_1068 = arith.constant 80 : index
        %swap3A_1069 = tpu.vector_load %arg9[%swap3A_1067, %swap3A_1068] {strides = array<i32>} : memref<80x144xf32, #tpu.memory_space<vmem>>, vector<1x16xf32>,
        %swap3A_1070 = vector.shape_cast %swap3A_1069 : vector<1x16xf32> to vector<16xf32>
        %swap3A_1071 = vector.shape_cast %mul3A_1066 : vector<16xf32> to vector<1x16xf32>
        tpu.vector_store %arg9[%swap3A_1067, %swap3A_1068], %swap3A_1071 {strides = array<i32>} : memref<80x144xf32, #tpu.memory_space<vmem>>, vector<1x16xf32>,
        %get3A_1072 = arith.index_cast %add3A_981 : i32 to index
        %get3A_1073 = arith.constant 96 : index
        %get3A_1074 = tpu.vector_load %arg8[%get3A_1072, %get3A_1073] {strides = array<i32>} : memref<80x128xf32, #tpu.memory_space<vmem>>, vector<1x16xf32>,
        %get3A_1075 = vector.shape_cast %get3A_1074 : vector<1x16xf32> to vector<16xf32>
        %add3A_1076 = arith.constant 96 : i32
        %add3A_1077 = arith.addi %squeeze3A_977, %add3A_1076 : i32
        %get3A_1078 = arith.index_cast %add3A_1077 : i32 to index
        %get3A_1079 = tpu.vector_load %arg7[%get3A_1078] {strides = array<i32>} : memref<512xf32, #tpu.memory_space<vmem>>, vector<16xf32>,
        %get3A_1080 = vector.shape_cast %get3A_1079 : vector<16xf32> to vector<16xf32>
        %mul3A_1081 = arith.mulf %get3A_1075, %get3A_1080 : vector<16xf32>
        %swap3A_1082 = arith.index_cast %add3A_981 : i32 to index
        %swap3A_1083 = arith.constant 96 : index
        %swap3A_1084 = tpu.vector_load %arg9[%swap3A_1082, %swap3A_1083] {strides = array<i32>} : memref<80x144xf32, #tpu.memory_space<vmem>>, vector<1x16xf32>,
        %swap3A_1085 = vector.shape_cast %swap3A_1084 : vector<1x16xf32> to vector<16xf32>
        %swap3A_1086 = vector.shape_cast %mul3A_1081 : vector<16xf32> to vector<1x16xf32>
        tpu.vector_store %arg9[%swap3A_1082, %swap3A_1083], %swap3A_1086 {strides = array<i32>} : memref<80x144xf32, #tpu.memory_space<vmem>>, vector<1x16xf32>,
        %get3A_1087 = arith.index_cast %add3A_981 : i32 to index
        %get3A_1088 = arith.constant 112 : index
        %get3A_1089 = tpu.vector_load %arg8[%get3A_1087, %get3A_1088] {strides = array<i32>} : memref<80x128xf32, #tpu.memory_space<vmem>>, vector<1x16xf32>,
        %get3A_1090 = vector.shape_cast %get3A_1089 : vector<1x16xf32> to vector<16xf32>
        %add3A_1091 = arith.constant 112 : i32
        %add3A_1092 = arith.addi %squeeze3A_977, %add3A_1091 : i32
        %get3A_1093 = arith.index_cast %add3A_1092 : i32 to index
        %get3A_1094 = tpu.vector_load %arg7[%get3A_1093] {strides = array<i32>} : memref<512xf32, #tpu.memory_space<vmem>>, vector<16xf32>,
        %get3A_1095 = vector.shape_cast %get3A_1094 : vector<16xf32> to vector<16xf32>
        %mul3A_1096 = arith.mulf %get3A_1090, %get3A_1095 : vector<16xf32>
        %swap3A_1097 = arith.index_cast %add3A_981 : i32 to index
        %swap3A_1098 = arith.constant 112 : index
        %swap3A_1099 = tpu.vector_load %arg9[%swap3A_1097, %swap3A_1098] {strides = array<i32>} : memref<80x144xf32, #tpu.memory_space<vmem>>, vector<1x16xf32>,
        %swap3A_1100 = vector.shape_cast %swap3A_1099 : vector<1x16xf32> to vector<16xf32>
        %swap3A_1101 = vector.shape_cast %mul3A_1096 : vector<16xf32> to vector<1x16xf32>
        tpu.vector_store %arg9[%swap3A_1097, %swap3A_1098], %swap3A_1101 {strides = array<i32>} : memref<80x144xf32, #tpu.memory_space<vmem>>, vector<1x16xf32>,
        %slice3A_1102 = vector.extract_strided_slice %mul3A_96 {offsets = [8], sizes = [1], strides = [1]} : vector<16xi32> to vector<1xi32>
        %squeeze3A_1103 = vector.extract %slice3A_1102[0] : i32 from vector<1xi32>
        %mul3A_1104 = arith.constant 16 : i32
        %mul3A_1105 = arith.muli %scan3A_84, %mul3A_1104 : i32
        %add3A_1106 = arith.constant 8 : i32
        %add3A_1107 = arith.addi %mul3A_1105, %add3A_1106 : i32
        %get3A_1108 = arith.index_cast %add3A_1107 : i32 to index
        %get3A_1109 = arith.constant 0 : index
        %get3A_1110 = tpu.vector_load %arg8[%get3A_1108, %get3A_1109] {strides = array<i32>} : memref<80x128xf32, #tpu.memory_space<vmem>>, vector<1x16xf32>,
        %get3A_1111 = vector.shape_cast %get3A_1110 : vector<1x16xf32> to vector<16xf32>
        %add3A_1112 = arith.constant 0 : i32
        %add3A_1113 = arith.addi %squeeze3A_1103, %add3A_1112 : i32
        %get3A_1114 = arith.index_cast %add3A_1113 : i32 to index
        %get3A_1115 = tpu.vector_load %arg7[%get3A_1114] {strides = array<i32>} : memref<512xf32, #tpu.memory_space<vmem>>, vector<16xf32>,
        %get3A_1116 = vector.shape_cast %get3A_1115 : vector<16xf32> to vector<16xf32>
        %mul3A_1117 = arith.mulf %get3A_1111, %get3A_1116 : vector<16xf32>
        %swap3A_1118 = arith.index_cast %add3A_1107 : i32 to index
        %swap3A_1119 = arith.constant 0 : index
        %swap3A_1120 = tpu.vector_load %arg9[%swap3A_1118, %swap3A_1119] {strides = array<i32>} : memref<80x144xf32, #tpu.memory_space<vmem>>, vector<1x16xf32>,
        %swap3A_1121 = vector.shape_cast %swap3A_1120 : vector<1x16xf32> to vector<16xf32>
        %swap3A_1122 = vector.shape_cast %mul3A_1117 : vector<16xf32> to vector<1x16xf32>
        tpu.vector_store %arg9[%swap3A_1118, %swap3A_1119], %swap3A_1122 {strides = array<i32>} : memref<80x144xf32, #tpu.memory_space<vmem>>, vector<1x16xf32>,
        %get3A_1123 = arith.index_cast %add3A_1107 : i32 to index
        %get3A_1124 = arith.constant 16 : index
        %get3A_1125 = tpu.vector_load %arg8[%get3A_1123, %get3A_1124] {strides = array<i32>} : memref<80x128xf32, #tpu.memory_space<vmem>>, vector<1x16xf32>,
        %get3A_1126 = vector.shape_cast %get3A_1125 : vector<1x16xf32> to vector<16xf32>
        %add3A_1127 = arith.constant 16 : i32
        %add3A_1128 = arith.addi %squeeze3A_1103, %add3A_1127 : i32
        %get3A_1129 = arith.index_cast %add3A_1128 : i32 to index
        %get3A_1130 = tpu.vector_load %arg7[%get3A_1129] {strides = array<i32>} : memref<512xf32, #tpu.memory_space<vmem>>, vector<16xf32>,
        %get3A_1131 = vector.shape_cast %get3A_1130 : vector<16xf32> to vector<16xf32>
        %mul3A_1132 = arith.mulf %get3A_1126, %get3A_1131 : vector<16xf32>
        %swap3A_1133 = arith.index_cast %add3A_1107 : i32 to index
        %swap3A_1134 = arith.constant 16 : index
        %swap3A_1135 = tpu.vector_load %arg9[%swap3A_1133, %swap3A_1134] {strides = array<i32>} : memref<80x144xf32, #tpu.memory_space<vmem>>, vector<1x16xf32>,
        %swap3A_1136 = vector.shape_cast %swap3A_1135 : vector<1x16xf32> to vector<16xf32>
        %swap3A_1137 = vector.shape_cast %mul3A_1132 : vector<16xf32> to vector<1x16xf32>
        tpu.vector_store %arg9[%swap3A_1133, %swap3A_1134], %swap3A_1137 {strides = array<i32>} : memref<80x144xf32, #tpu.memory_space<vmem>>, vector<1x16xf32>,
        %get3A_1138 = arith.index_cast %add3A_1107 : i32 to index
        %get3A_1139 = arith.constant 32 : index
        %get3A_1140 = tpu.vector_load %arg8[%get3A_1138, %get3A_1139] {strides = array<i32>} : memref<80x128xf32, #tpu.memory_space<vmem>>, vector<1x16xf32>,
        %get3A_1141 = vector.shape_cast %get3A_1140 : vector<1x16xf32> to vector<16xf32>
        %add3A_1142 = arith.constant 32 : i32
        %add3A_1143 = arith.addi %squeeze3A_1103, %add3A_1142 : i32
        %get3A_1144 = arith.index_cast %add3A_1143 : i32 to index
        %get3A_1145 = tpu.vector_load %arg7[%get3A_1144] {strides = array<i32>} : memref<512xf32, #tpu.memory_space<vmem>>, vector<16xf32>,
        %get3A_1146 = vector.shape_cast %get3A_1145 : vector<16xf32> to vector<16xf32>
        %mul3A_1147 = arith.mulf %get3A_1141, %get3A_1146 : vector<16xf32>
        %swap3A_1148 = arith.index_cast %add3A_1107 : i32 to index
        %swap3A_1149 = arith.constant 32 : index
        %swap3A_1150 = tpu.vector_load %arg9[%swap3A_1148, %swap3A_1149] {strides = array<i32>} : memref<80x144xf32, #tpu.memory_space<vmem>>, vector<1x16xf32>,
        %swap3A_1151 = vector.shape_cast %swap3A_1150 : vector<1x16xf32> to vector<16xf32>
        %swap3A_1152 = vector.shape_cast %mul3A_1147 : vector<16xf32> to vector<1x16xf32>
        tpu.vector_store %arg9[%swap3A_1148, %swap3A_1149], %swap3A_1152 {strides = array<i32>} : memref<80x144xf32, #tpu.memory_space<vmem>>, vector<1x16xf32>,
        %get3A_1153 = arith.index_cast %add3A_1107 : i32 to index
        %get3A_1154 = arith.constant 48 : index
        %get3A_1155 = tpu.vector_load %arg8[%get3A_1153, %get3A_1154] {strides = array<i32>} : memref<80x128xf32, #tpu.memory_space<vmem>>, vector<1x16xf32>,
        %get3A_1156 = vector.shape_cast %get3A_1155 : vector<1x16xf32> to vector<16xf32>
        %add3A_1157 = arith.constant 48 : i32
        %add3A_1158 = arith.addi %squeeze3A_1103, %add3A_1157 : i32
        %get3A_1159 = arith.index_cast %add3A_1158 : i32 to index
        %get3A_1160 = tpu.vector_load %arg7[%get3A_1159] {strides = array<i32>} : memref<512xf32, #tpu.memory_space<vmem>>, vector<16xf32>,
        %get3A_1161 = vector.shape_cast %get3A_1160 : vector<16xf32> to vector<16xf32>
        %mul3A_1162 = arith.mulf %get3A_1156, %get3A_1161 : vector<16xf32>
        %swap3A_1163 = arith.index_cast %add3A_1107 : i32 to index
        %swap3A_1164 = arith.constant 48 : index
        %swap3A_1165 = tpu.vector_load %arg9[%swap3A_1163, %swap3A_1164] {strides = array<i32>} : memref<80x144xf32, #tpu.memory_space<vmem>>, vector<1x16xf32>,
        %swap3A_1166 = vector.shape_cast %swap3A_1165 : vector<1x16xf32> to vector<16xf32>
        %swap3A_1167 = vector.shape_cast %mul3A_1162 : vector<16xf32> to vector<1x16xf32>
        tpu.vector_store %arg9[%swap3A_1163, %swap3A_1164], %swap3A_1167 {strides = array<i32>} : memref<80x144xf32, #tpu.memory_space<vmem>>, vector<1x16xf32>,
        %get3A_1168 = arith.index_cast %add3A_1107 : i32 to index
        %get3A_1169 = arith.constant 64 : index
        %get3A_1170 = tpu.vector_load %arg8[%get3A_1168, %get3A_1169] {strides = array<i32>} : memref<80x128xf32, #tpu.memory_space<vmem>>, vector<1x16xf32>,
        %get3A_1171 = vector.shape_cast %get3A_1170 : vector<1x16xf32> to vector<16xf32>
        %add3A_1172 = arith.constant 64 : i32
        %add3A_1173 = arith.addi %squeeze3A_1103, %add3A_1172 : i32
        %get3A_1174 = arith.index_cast %add3A_1173 : i32 to index
        %get3A_1175 = tpu.vector_load %arg7[%get3A_1174] {strides = array<i32>} : memref<512xf32, #tpu.memory_space<vmem>>, vector<16xf32>,
        %get3A_1176 = vector.shape_cast %get3A_1175 : vector<16xf32> to vector<16xf32>
        %mul3A_1177 = arith.mulf %get3A_1171, %get3A_1176 : vector<16xf32>
        %swap3A_1178 = arith.index_cast %add3A_1107 : i32 to index
        %swap3A_1179 = arith.constant 64 : index
        %swap3A_1180 = tpu.vector_load %arg9[%swap3A_1178, %swap3A_1179] {strides = array<i32>} : memref<80x144xf32, #tpu.memory_space<vmem>>, vector<1x16xf32>,
        %swap3A_1181 = vector.shape_cast %swap3A_1180 : vector<1x16xf32> to vector<16xf32>
        %swap3A_1182 = vector.shape_cast %mul3A_1177 : vector<16xf32> to vector<1x16xf32>
        tpu.vector_store %arg9[%swap3A_1178, %swap3A_1179], %swap3A_1182 {strides = array<i32>} : memref<80x144xf32, #tpu.memory_space<vmem>>, vector<1x16xf32>,
        %get3A_1183 = arith.index_cast %add3A_1107 : i32 to index
        %get3A_1184 = arith.constant 80 : index
        %get3A_1185 = tpu.vector_load %arg8[%get3A_1183, %get3A_1184] {strides = array<i32>} : memref<80x128xf32, #tpu.memory_space<vmem>>, vector<1x16xf32>,
        %get3A_1186 = vector.shape_cast %get3A_1185 : vector<1x16xf32> to vector<16xf32>
        %add3A_1187 = arith.constant 80 : i32
        %add3A_1188 = arith.addi %squeeze3A_1103, %add3A_1187 : i32
        %get3A_1189 = arith.index_cast %add3A_1188 : i32 to index
        %get3A_1190 = tpu.vector_load %arg7[%get3A_1189] {strides = array<i32>} : memref<512xf32, #tpu.memory_space<vmem>>, vector<16xf32>,
        %get3A_1191 = vector.shape_cast %get3A_1190 : vector<16xf32> to vector<16xf32>
        %mul3A_1192 = arith.mulf %get3A_1186, %get3A_1191 : vector<16xf32>
        %swap3A_1193 = arith.index_cast %add3A_1107 : i32 to index
        %swap3A_1194 = arith.constant 80 : index
        %swap3A_1195 = tpu.vector_load %arg9[%swap3A_1193, %swap3A_1194] {strides = array<i32>} : memref<80x144xf32, #tpu.memory_space<vmem>>, vector<1x16xf32>,
        %swap3A_1196 = vector.shape_cast %swap3A_1195 : vector<1x16xf32> to vector<16xf32>
        %swap3A_1197 = vector.shape_cast %mul3A_1192 : vector<16xf32> to vector<1x16xf32>
        tpu.vector_store %arg9[%swap3A_1193, %swap3A_1194], %swap3A_1197 {strides = array<i32>} : memref<80x144xf32, #tpu.memory_space<vmem>>, vector<1x16xf32>,
        %get3A_1198 = arith.index_cast %add3A_1107 : i32 to index
        %get3A_1199 = arith.constant 96 : index
        %get3A_1200 = tpu.vector_load %arg8[%get3A_1198, %get3A_1199] {strides = array<i32>} : memref<80x128xf32, #tpu.memory_space<vmem>>, vector<1x16xf32>,
        %get3A_1201 = vector.shape_cast %get3A_1200 : vector<1x16xf32> to vector<16xf32>
        %add3A_1202 = arith.constant 96 : i32
        %add3A_1203 = arith.addi %squeeze3A_1103, %add3A_1202 : i32
        %get3A_1204 = arith.index_cast %add3A_1203 : i32 to index
        %get3A_1205 = tpu.vector_load %arg7[%get3A_1204] {strides = array<i32>} : memref<512xf32, #tpu.memory_space<vmem>>, vector<16xf32>,
        %get3A_1206 = vector.shape_cast %get3A_1205 : vector<16xf32> to vector<16xf32>
        %mul3A_1207 = arith.mulf %get3A_1201, %get3A_1206 : vector<16xf32>
        %swap3A_1208 = arith.index_cast %add3A_1107 : i32 to index
        %swap3A_1209 = arith.constant 96 : index
        %swap3A_1210 = tpu.vector_load %arg9[%swap3A_1208, %swap3A_1209] {strides = array<i32>} : memref<80x144xf32, #tpu.memory_space<vmem>>, vector<1x16xf32>,
        %swap3A_1211 = vector.shape_cast %swap3A_1210 : vector<1x16xf32> to vector<16xf32>
        %swap3A_1212 = vector.shape_cast %mul3A_1207 : vector<16xf32> to vector<1x16xf32>
        tpu.vector_store %arg9[%swap3A_1208, %swap3A_1209], %swap3A_1212 {strides = array<i32>} : memref<80x144xf32, #tpu.memory_space<vmem>>, vector<1x16xf32>,
        %get3A_1213 = arith.index_cast %add3A_1107 : i32 to index
        %get3A_1214 = arith.constant 112 : index
        %get3A_1215 = tpu.vector_load %arg8[%get3A_1213, %get3A_1214] {strides = array<i32>} : memref<80x128xf32, #tpu.memory_space<vmem>>, vector<1x16xf32>,
        %get3A_1216 = vector.shape_cast %get3A_1215 : vector<1x16xf32> to vector<16xf32>
        %add3A_1217 = arith.constant 112 : i32
        %add3A_1218 = arith.addi %squeeze3A_1103, %add3A_1217 : i32
        %get3A_1219 = arith.index_cast %add3A_1218 : i32 to index
        %get3A_1220 = tpu.vector_load %arg7[%get3A_1219] {strides = array<i32>} : memref<512xf32, #tpu.memory_space<vmem>>, vector<16xf32>,
        %get3A_1221 = vector.shape_cast %get3A_1220 : vector<16xf32> to vector<16xf32>
        %mul3A_1222 = arith.mulf %get3A_1216, %get3A_1221 : vector<16xf32>
        %swap3A_1223 = arith.index_cast %add3A_1107 : i32 to index
        %swap3A_1224 = arith.constant 112 : index
        %swap3A_1225 = tpu.vector_load %arg9[%swap3A_1223, %swap3A_1224] {strides = array<i32>} : memref<80x144xf32, #tpu.memory_space<vmem>>, vector<1x16xf32>,
        %swap3A_1226 = vector.shape_cast %swap3A_1225 : vector<1x16xf32> to vector<16xf32>
        %swap3A_1227 = vector.shape_cast %mul3A_1222 : vector<16xf32> to vector<1x16xf32>
        tpu.vector_store %arg9[%swap3A_1223, %swap3A_1224], %swap3A_1227 {strides = array<i32>} : memref<80x144xf32, #tpu.memory_space<vmem>>, vector<1x16xf32>,
        %slice3A_1228 = vector.extract_strided_slice %mul3A_96 {offsets = [9], sizes = [1], strides = [1]} : vector<16xi32> to vector<1xi32>
        %squeeze3A_1229 = vector.extract %slice3A_1228[0] : i32 from vector<1xi32>
        %mul3A_1230 = arith.constant 16 : i32
        %mul3A_1231 = arith.muli %scan3A_84, %mul3A_1230 : i32
        %add3A_1232 = arith.constant 9 : i32
        %add3A_1233 = arith.addi %mul3A_1231, %add3A_1232 : i32
        %get3A_1234 = arith.index_cast %add3A_1233 : i32 to index
        %get3A_1235 = arith.constant 0 : index
        %get3A_1236 = tpu.vector_load %arg8[%get3A_1234, %get3A_1235] {strides = array<i32>} : memref<80x128xf32, #tpu.memory_space<vmem>>, vector<1x16xf32>,
        %get3A_1237 = vector.shape_cast %get3A_1236 : vector<1x16xf32> to vector<16xf32>
        %add3A_1238 = arith.constant 0 : i32
        %add3A_1239 = arith.addi %squeeze3A_1229, %add3A_1238 : i32
        %get3A_1240 = arith.index_cast %add3A_1239 : i32 to index
        %get3A_1241 = tpu.vector_load %arg7[%get3A_1240] {strides = array<i32>} : memref<512xf32, #tpu.memory_space<vmem>>, vector<16xf32>,
        %get3A_1242 = vector.shape_cast %get3A_1241 : vector<16xf32> to vector<16xf32>
        %mul3A_1243 = arith.mulf %get3A_1237, %get3A_1242 : vector<16xf32>
        %swap3A_1244 = arith.index_cast %add3A_1233 : i32 to index
        %swap3A_1245 = arith.constant 0 : index
        %swap3A_1246 = tpu.vector_load %arg9[%swap3A_1244, %swap3A_1245] {strides = array<i32>} : memref<80x144xf32, #tpu.memory_space<vmem>>, vector<1x16xf32>,
        %swap3A_1247 = vector.shape_cast %swap3A_1246 : vector<1x16xf32> to vector<16xf32>
        %swap3A_1248 = vector.shape_cast %mul3A_1243 : vector<16xf32> to vector<1x16xf32>
        tpu.vector_store %arg9[%swap3A_1244, %swap3A_1245], %swap3A_1248 {strides = array<i32>} : memref<80x144xf32, #tpu.memory_space<vmem>>, vector<1x16xf32>,
        %get3A_1249 = arith.index_cast %add3A_1233 : i32 to index
        %get3A_1250 = arith.constant 16 : index
        %get3A_1251 = tpu.vector_load %arg8[%get3A_1249, %get3A_1250] {strides = array<i32>} : memref<80x128xf32, #tpu.memory_space<vmem>>, vector<1x16xf32>,
        %get3A_1252 = vector.shape_cast %get3A_1251 : vector<1x16xf32> to vector<16xf32>
        %add3A_1253 = arith.constant 16 : i32
        %add3A_1254 = arith.addi %squeeze3A_1229, %add3A_1253 : i32
        %get3A_1255 = arith.index_cast %add3A_1254 : i32 to index
        %get3A_1256 = tpu.vector_load %arg7[%get3A_1255] {strides = array<i32>} : memref<512xf32, #tpu.memory_space<vmem>>, vector<16xf32>,
        %get3A_1257 = vector.shape_cast %get3A_1256 : vector<16xf32> to vector<16xf32>
        %mul3A_1258 = arith.mulf %get3A_1252, %get3A_1257 : vector<16xf32>
        %swap3A_1259 = arith.index_cast %add3A_1233 : i32 to index
        %swap3A_1260 = arith.constant 16 : index
        %swap3A_1261 = tpu.vector_load %arg9[%swap3A_1259, %swap3A_1260] {strides = array<i32>} : memref<80x144xf32, #tpu.memory_space<vmem>>, vector<1x16xf32>,
        %swap3A_1262 = vector.shape_cast %swap3A_1261 : vector<1x16xf32> to vector<16xf32>
        %swap3A_1263 = vector.shape_cast %mul3A_1258 : vector<16xf32> to vector<1x16xf32>
        tpu.vector_store %arg9[%swap3A_1259, %swap3A_1260], %swap3A_1263 {strides = array<i32>} : memref<80x144xf32, #tpu.memory_space<vmem>>, vector<1x16xf32>,
        %get3A_1264 = arith.index_cast %add3A_1233 : i32 to index
        %get3A_1265 = arith.constant 32 : index
        %get3A_1266 = tpu.vector_load %arg8[%get3A_1264, %get3A_1265] {strides = array<i32>} : memref<80x128xf32, #tpu.memory_space<vmem>>, vector<1x16xf32>,
        %get3A_1267 = vector.shape_cast %get3A_1266 : vector<1x16xf32> to vector<16xf32>
        %add3A_1268 = arith.constant 32 : i32
        %add3A_1269 = arith.addi %squeeze3A_1229, %add3A_1268 : i32
        %get3A_1270 = arith.index_cast %add3A_1269 : i32 to index
        %get3A_1271 = tpu.vector_load %arg7[%get3A_1270] {strides = array<i32>} : memref<512xf32, #tpu.memory_space<vmem>>, vector<16xf32>,
        %get3A_1272 = vector.shape_cast %get3A_1271 : vector<16xf32> to vector<16xf32>
        %mul3A_1273 = arith.mulf %get3A_1267, %get3A_1272 : vector<16xf32>
        %swap3A_1274 = arith.index_cast %add3A_1233 : i32 to index
        %swap3A_1275 = arith.constant 32 : index
        %swap3A_1276 = tpu.vector_load %arg9[%swap3A_1274, %swap3A_1275] {strides = array<i32>} : memref<80x144xf32, #tpu.memory_space<vmem>>, vector<1x16xf32>,
        %swap3A_1277 = vector.shape_cast %swap3A_1276 : vector<1x16xf32> to vector<16xf32>
        %swap3A_1278 = vector.shape_cast %mul3A_1273 : vector<16xf32> to vector<1x16xf32>
        tpu.vector_store %arg9[%swap3A_1274, %swap3A_1275], %swap3A_1278 {strides = array<i32>} : memref<80x144xf32, #tpu.memory_space<vmem>>, vector<1x16xf32>,
        %get3A_1279 = arith.index_cast %add3A_1233 : i32 to index
        %get3A_1280 = arith.constant 48 : index
        %get3A_1281 = tpu.vector_load %arg8[%get3A_1279, %get3A_1280] {strides = array<i32>} : memref<80x128xf32, #tpu.memory_space<vmem>>, vector<1x16xf32>,
        %get3A_1282 = vector.shape_cast %get3A_1281 : vector<1x16xf32> to vector<16xf32>
        %add3A_1283 = arith.constant 48 : i32
        %add3A_1284 = arith.addi %squeeze3A_1229, %add3A_1283 : i32
        %get3A_1285 = arith.index_cast %add3A_1284 : i32 to index
        %get3A_1286 = tpu.vector_load %arg7[%get3A_1285] {strides = array<i32>} : memref<512xf32, #tpu.memory_space<vmem>>, vector<16xf32>,
        %get3A_1287 = vector.shape_cast %get3A_1286 : vector<16xf32> to vector<16xf32>
        %mul3A_1288 = arith.mulf %get3A_1282, %get3A_1287 : vector<16xf32>
        %swap3A_1289 = arith.index_cast %add3A_1233 : i32 to index
        %swap3A_1290 = arith.constant 48 : index
        %swap3A_1291 = tpu.vector_load %arg9[%swap3A_1289, %swap3A_1290] {strides = array<i32>} : memref<80x144xf32, #tpu.memory_space<vmem>>, vector<1x16xf32>,
        %swap3A_1292 = vector.shape_cast %swap3A_1291 : vector<1x16xf32> to vector<16xf32>
        %swap3A_1293 = vector.shape_cast %mul3A_1288 : vector<16xf32> to vector<1x16xf32>
        tpu.vector_store %arg9[%swap3A_1289, %swap3A_1290], %swap3A_1293 {strides = array<i32>} : memref<80x144xf32, #tpu.memory_space<vmem>>, vector<1x16xf32>,
        %get3A_1294 = arith.index_cast %add3A_1233 : i32 to index
        %get3A_1295 = arith.constant 64 : index
        %get3A_1296 = tpu.vector_load %arg8[%get3A_1294, %get3A_1295] {strides = array<i32>} : memref<80x128xf32, #tpu.memory_space<vmem>>, vector<1x16xf32>,
        %get3A_1297 = vector.shape_cast %get3A_1296 : vector<1x16xf32> to vector<16xf32>
        %add3A_1298 = arith.constant 64 : i32
        %add3A_1299 = arith.addi %squeeze3A_1229, %add3A_1298 : i32
        %get3A_1300 = arith.index_cast %add3A_1299 : i32 to index
        %get3A_1301 = tpu.vector_load %arg7[%get3A_1300] {strides = array<i32>} : memref<512xf32, #tpu.memory_space<vmem>>, vector<16xf32>,
        %get3A_1302 = vector.shape_cast %get3A_1301 : vector<16xf32> to vector<16xf32>
        %mul3A_1303 = arith.mulf %get3A_1297, %get3A_1302 : vector<16xf32>
        %swap3A_1304 = arith.index_cast %add3A_1233 : i32 to index
        %swap3A_1305 = arith.constant 64 : index
        %swap3A_1306 = tpu.vector_load %arg9[%swap3A_1304, %swap3A_1305] {strides = array<i32>} : memref<80x144xf32, #tpu.memory_space<vmem>>, vector<1x16xf32>,
        %swap3A_1307 = vector.shape_cast %swap3A_1306 : vector<1x16xf32> to vector<16xf32>
        %swap3A_1308 = vector.shape_cast %mul3A_1303 : vector<16xf32> to vector<1x16xf32>
        tpu.vector_store %arg9[%swap3A_1304, %swap3A_1305], %swap3A_1308 {strides = array<i32>} : memref<80x144xf32, #tpu.memory_space<vmem>>, vector<1x16xf32>,
        %get3A_1309 = arith.index_cast %add3A_1233 : i32 to index
        %get3A_1310 = arith.constant 80 : index
        %get3A_1311 = tpu.vector_load %arg8[%get3A_1309, %get3A_1310] {strides = array<i32>} : memref<80x128xf32, #tpu.memory_space<vmem>>, vector<1x16xf32>,
        %get3A_1312 = vector.shape_cast %get3A_1311 : vector<1x16xf32> to vector<16xf32>
        %add3A_1313 = arith.constant 80 : i32
        %add3A_1314 = arith.addi %squeeze3A_1229, %add3A_1313 : i32
        %get3A_1315 = arith.index_cast %add3A_1314 : i32 to index
        %get3A_1316 = tpu.vector_load %arg7[%get3A_1315] {strides = array<i32>} : memref<512xf32, #tpu.memory_space<vmem>>, vector<16xf32>,
        %get3A_1317 = vector.shape_cast %get3A_1316 : vector<16xf32> to vector<16xf32>
        %mul3A_1318 = arith.mulf %get3A_1312, %get3A_1317 : vector<16xf32>
        %swap3A_1319 = arith.index_cast %add3A_1233 : i32 to index
        %swap3A_1320 = arith.constant 80 : index
        %swap3A_1321 = tpu.vector_load %arg9[%swap3A_1319, %swap3A_1320] {strides = array<i32>} : memref<80x144xf32, #tpu.memory_space<vmem>>, vector<1x16xf32>,
        %swap3A_1322 = vector.shape_cast %swap3A_1321 : vector<1x16xf32> to vector<16xf32>
        %swap3A_1323 = vector.shape_cast %mul3A_1318 : vector<16xf32> to vector<1x16xf32>
        tpu.vector_store %arg9[%swap3A_1319, %swap3A_1320], %swap3A_1323 {strides = array<i32>} : memref<80x144xf32, #tpu.memory_space<vmem>>, vector<1x16xf32>,
        %get3A_1324 = arith.index_cast %add3A_1233 : i32 to index
        %get3A_1325 = arith.constant 96 : index
        %get3A_1326 = tpu.vector_load %arg8[%get3A_1324, %get3A_1325] {strides = array<i32>} : memref<80x128xf32, #tpu.memory_space<vmem>>, vector<1x16xf32>,
        %get3A_1327 = vector.shape_cast %get3A_1326 : vector<1x16xf32> to vector<16xf32>
        %add3A_1328 = arith.constant 96 : i32
        %add3A_1329 = arith.addi %squeeze3A_1229, %add3A_1328 : i32
        %get3A_1330 = arith.index_cast %add3A_1329 : i32 to index
        %get3A_1331 = tpu.vector_load %arg7[%get3A_1330] {strides = array<i32>} : memref<512xf32, #tpu.memory_space<vmem>>, vector<16xf32>,
        %get3A_1332 = vector.shape_cast %get3A_1331 : vector<16xf32> to vector<16xf32>
        %mul3A_1333 = arith.mulf %get3A_1327, %get3A_1332 : vector<16xf32>
        %swap3A_1334 = arith.index_cast %add3A_1233 : i32 to index
        %swap3A_1335 = arith.constant 96 : index
        %swap3A_1336 = tpu.vector_load %arg9[%swap3A_1334, %swap3A_1335] {strides = array<i32>} : memref<80x144xf32, #tpu.memory_space<vmem>>, vector<1x16xf32>,
        %swap3A_1337 = vector.shape_cast %swap3A_1336 : vector<1x16xf32> to vector<16xf32>
        %swap3A_1338 = vector.shape_cast %mul3A_1333 : vector<16xf32> to vector<1x16xf32>
        tpu.vector_store %arg9[%swap3A_1334, %swap3A_1335], %swap3A_1338 {strides = array<i32>} : memref<80x144xf32, #tpu.memory_space<vmem>>, vector<1x16xf32>,
        %get3A_1339 = arith.index_cast %add3A_1233 : i32 to index
        %get3A_1340 = arith.constant 112 : index
        %get3A_1341 = tpu.vector_load %arg8[%get3A_1339, %get3A_1340] {strides = array<i32>} : memref<80x128xf32, #tpu.memory_space<vmem>>, vector<1x16xf32>,
        %get3A_1342 = vector.shape_cast %get3A_1341 : vector<1x16xf32> to vector<16xf32>
        %add3A_1343 = arith.constant 112 : i32
        %add3A_1344 = arith.addi %squeeze3A_1229, %add3A_1343 : i32
        %get3A_1345 = arith.index_cast %add3A_1344 : i32 to index
        %get3A_1346 = tpu.vector_load %arg7[%get3A_1345] {strides = array<i32>} : memref<512xf32, #tpu.memory_space<vmem>>, vector<16xf32>,
        %get3A_1347 = vector.shape_cast %get3A_1346 : vector<16xf32> to vector<16xf32>
        %mul3A_1348 = arith.mulf %get3A_1342, %get3A_1347 : vector<16xf32>
        %swap3A_1349 = arith.index_cast %add3A_1233 : i32 to index
        %swap3A_1350 = arith.constant 112 : index
        %swap3A_1351 = tpu.vector_load %arg9[%swap3A_1349, %swap3A_1350] {strides = array<i32>} : memref<80x144xf32, #tpu.memory_space<vmem>>, vector<1x16xf32>,
        %swap3A_1352 = vector.shape_cast %swap3A_1351 : vector<1x16xf32> to vector<16xf32>
        %swap3A_1353 = vector.shape_cast %mul3A_1348 : vector<16xf32> to vector<1x16xf32>
        tpu.vector_store %arg9[%swap3A_1349, %swap3A_1350], %swap3A_1353 {strides = array<i32>} : memref<80x144xf32, #tpu.memory_space<vmem>>, vector<1x16xf32>,
        %slice3A_1354 = vector.extract_strided_slice %mul3A_96 {offsets = [10], sizes = [1], strides = [1]} : vector<16xi32> to vector<1xi32>
        %squeeze3A_1355 = vector.extract %slice3A_1354[0] : i32 from vector<1xi32>
        %mul3A_1356 = arith.constant 16 : i32
        %mul3A_1357 = arith.muli %scan3A_84, %mul3A_1356 : i32
        %add3A_1358 = arith.constant 10 : i32
        %add3A_1359 = arith.addi %mul3A_1357, %add3A_1358 : i32
        %get3A_1360 = arith.index_cast %add3A_1359 : i32 to index
        %get3A_1361 = arith.constant 0 : index
        %get3A_1362 = tpu.vector_load %arg8[%get3A_1360, %get3A_1361] {strides = array<i32>} : memref<80x128xf32, #tpu.memory_space<vmem>>, vector<1x16xf32>,
        %get3A_1363 = vector.shape_cast %get3A_1362 : vector<1x16xf32> to vector<16xf32>
        %add3A_1364 = arith.constant 0 : i32
        %add3A_1365 = arith.addi %squeeze3A_1355, %add3A_1364 : i32
        %get3A_1366 = arith.index_cast %add3A_1365 : i32 to index
        %get3A_1367 = tpu.vector_load %arg7[%get3A_1366] {strides = array<i32>} : memref<512xf32, #tpu.memory_space<vmem>>, vector<16xf32>,
        %get3A_1368 = vector.shape_cast %get3A_1367 : vector<16xf32> to vector<16xf32>
        %mul3A_1369 = arith.mulf %get3A_1363, %get3A_1368 : vector<16xf32>
        %swap3A_1370 = arith.index_cast %add3A_1359 : i32 to index
        %swap3A_1371 = arith.constant 0 : index
        %swap3A_1372 = tpu.vector_load %arg9[%swap3A_1370, %swap3A_1371] {strides = array<i32>} : memref<80x144xf32, #tpu.memory_space<vmem>>, vector<1x16xf32>,
        %swap3A_1373 = vector.shape_cast %swap3A_1372 : vector<1x16xf32> to vector<16xf32>
        %swap3A_1374 = vector.shape_cast %mul3A_1369 : vector<16xf32> to vector<1x16xf32>
        tpu.vector_store %arg9[%swap3A_1370, %swap3A_1371], %swap3A_1374 {strides = array<i32>} : memref<80x144xf32, #tpu.memory_space<vmem>>, vector<1x16xf32>,
        %get3A_1375 = arith.index_cast %add3A_1359 : i32 to index
        %get3A_1376 = arith.constant 16 : index
        %get3A_1377 = tpu.vector_load %arg8[%get3A_1375, %get3A_1376] {strides = array<i32>} : memref<80x128xf32, #tpu.memory_space<vmem>>, vector<1x16xf32>,
        %get3A_1378 = vector.shape_cast %get3A_1377 : vector<1x16xf32> to vector<16xf32>
        %add3A_1379 = arith.constant 16 : i32
        %add3A_1380 = arith.addi %squeeze3A_1355, %add3A_1379 : i32
        %get3A_1381 = arith.index_cast %add3A_1380 : i32 to index
        %get3A_1382 = tpu.vector_load %arg7[%get3A_1381] {strides = array<i32>} : memref<512xf32, #tpu.memory_space<vmem>>, vector<16xf32>,
        %get3A_1383 = vector.shape_cast %get3A_1382 : vector<16xf32> to vector<16xf32>
        %mul3A_1384 = arith.mulf %get3A_1378, %get3A_1383 : vector<16xf32>
        %swap3A_1385 = arith.index_cast %add3A_1359 : i32 to index
        %swap3A_1386 = arith.constant 16 : index
        %swap3A_1387 = tpu.vector_load %arg9[%swap3A_1385, %swap3A_1386] {strides = array<i32>} : memref<80x144xf32, #tpu.memory_space<vmem>>, vector<1x16xf32>,
        %swap3A_1388 = vector.shape_cast %swap3A_1387 : vector<1x16xf32> to vector<16xf32>
        %swap3A_1389 = vector.shape_cast %mul3A_1384 : vector<16xf32> to vector<1x16xf32>
        tpu.vector_store %arg9[%swap3A_1385, %swap3A_1386], %swap3A_1389 {strides = array<i32>} : memref<80x144xf32, #tpu.memory_space<vmem>>, vector<1x16xf32>,
        %get3A_1390 = arith.index_cast %add3A_1359 : i32 to index
        %get3A_1391 = arith.constant 32 : index
        %get3A_1392 = tpu.vector_load %arg8[%get3A_1390, %get3A_1391] {strides = array<i32>} : memref<80x128xf32, #tpu.memory_space<vmem>>, vector<1x16xf32>,
        %get3A_1393 = vector.shape_cast %get3A_1392 : vector<1x16xf32> to vector<16xf32>
        %add3A_1394 = arith.constant 32 : i32
        %add3A_1395 = arith.addi %squeeze3A_1355, %add3A_1394 : i32
        %get3A_1396 = arith.index_cast %add3A_1395 : i32 to index
        %get3A_1397 = tpu.vector_load %arg7[%get3A_1396] {strides = array<i32>} : memref<512xf32, #tpu.memory_space<vmem>>, vector<16xf32>,
        %get3A_1398 = vector.shape_cast %get3A_1397 : vector<16xf32> to vector<16xf32>
        %mul3A_1399 = arith.mulf %get3A_1393, %get3A_1398 : vector<16xf32>
        %swap3A_1400 = arith.index_cast %add3A_1359 : i32 to index
        %swap3A_1401 = arith.constant 32 : index
        %swap3A_1402 = tpu.vector_load %arg9[%swap3A_1400, %swap3A_1401] {strides = array<i32>} : memref<80x144xf32, #tpu.memory_space<vmem>>, vector<1x16xf32>,
        %swap3A_1403 = vector.shape_cast %swap3A_1402 : vector<1x16xf32> to vector<16xf32>
        %swap3A_1404 = vector.shape_cast %mul3A_1399 : vector<16xf32> to vector<1x16xf32>
        tpu.vector_store %arg9[%swap3A_1400, %swap3A_1401], %swap3A_1404 {strides = array<i32>} : memref<80x144xf32, #tpu.memory_space<vmem>>, vector<1x16xf32>,
        %get3A_1405 = arith.index_cast %add3A_1359 : i32 to index
        %get3A_1406 = arith.constant 48 : index
        %get3A_1407 = tpu.vector_load %arg8[%get3A_1405, %get3A_1406] {strides = array<i32>} : memref<80x128xf32, #tpu.memory_space<vmem>>, vector<1x16xf32>,
        %get3A_1408 = vector.shape_cast %get3A_1407 : vector<1x16xf32> to vector<16xf32>
        %add3A_1409 = arith.constant 48 : i32
        %add3A_1410 = arith.addi %squeeze3A_1355, %add3A_1409 : i32
        %get3A_1411 = arith.index_cast %add3A_1410 : i32 to index
        %get3A_1412 = tpu.vector_load %arg7[%get3A_1411] {strides = array<i32>} : memref<512xf32, #tpu.memory_space<vmem>>, vector<16xf32>,
        %get3A_1413 = vector.shape_cast %get3A_1412 : vector<16xf32> to vector<16xf32>
        %mul3A_1414 = arith.mulf %get3A_1408, %get3A_1413 : vector<16xf32>
        %swap3A_1415 = arith.index_cast %add3A_1359 : i32 to index
        %swap3A_1416 = arith.constant 48 : index
        %swap3A_1417 = tpu.vector_load %arg9[%swap3A_1415, %swap3A_1416] {strides = array<i32>} : memref<80x144xf32, #tpu.memory_space<vmem>>, vector<1x16xf32>,
        %swap3A_1418 = vector.shape_cast %swap3A_1417 : vector<1x16xf32> to vector<16xf32>
        %swap3A_1419 = vector.shape_cast %mul3A_1414 : vector<16xf32> to vector<1x16xf32>
        tpu.vector_store %arg9[%swap3A_1415, %swap3A_1416], %swap3A_1419 {strides = array<i32>} : memref<80x144xf32, #tpu.memory_space<vmem>>, vector<1x16xf32>,
        %get3A_1420 = arith.index_cast %add3A_1359 : i32 to index
        %get3A_1421 = arith.constant 64 : index
        %get3A_1422 = tpu.vector_load %arg8[%get3A_1420, %get3A_1421] {strides = array<i32>} : memref<80x128xf32, #tpu.memory_space<vmem>>, vector<1x16xf32>,
        %get3A_1423 = vector.shape_cast %get3A_1422 : vector<1x16xf32> to vector<16xf32>
        %add3A_1424 = arith.constant 64 : i32
        %add3A_1425 = arith.addi %squeeze3A_1355, %add3A_1424 : i32
        %get3A_1426 = arith.index_cast %add3A_1425 : i32 to index
        %get3A_1427 = tpu.vector_load %arg7[%get3A_1426] {strides = array<i32>} : memref<512xf32, #tpu.memory_space<vmem>>, vector<16xf32>,
        %get3A_1428 = vector.shape_cast %get3A_1427 : vector<16xf32> to vector<16xf32>
        %mul3A_1429 = arith.mulf %get3A_1423, %get3A_1428 : vector<16xf32>
        %swap3A_1430 = arith.index_cast %add3A_1359 : i32 to index
        %swap3A_1431 = arith.constant 64 : index
        %swap3A_1432 = tpu.vector_load %arg9[%swap3A_1430, %swap3A_1431] {strides = array<i32>} : memref<80x144xf32, #tpu.memory_space<vmem>>, vector<1x16xf32>,
        %swap3A_1433 = vector.shape_cast %swap3A_1432 : vector<1x16xf32> to vector<16xf32>
        %swap3A_1434 = vector.shape_cast %mul3A_1429 : vector<16xf32> to vector<1x16xf32>
        tpu.vector_store %arg9[%swap3A_1430, %swap3A_1431], %swap3A_1434 {strides = array<i32>} : memref<80x144xf32, #tpu.memory_space<vmem>>, vector<1x16xf32>,
        %get3A_1435 = arith.index_cast %add3A_1359 : i32 to index
        %get3A_1436 = arith.constant 80 : index
        %get3A_1437 = tpu.vector_load %arg8[%get3A_1435, %get3A_1436] {strides = array<i32>} : memref<80x128xf32, #tpu.memory_space<vmem>>, vector<1x16xf32>,
        %get3A_1438 = vector.shape_cast %get3A_1437 : vector<1x16xf32> to vector<16xf32>
        %add3A_1439 = arith.constant 80 : i32
        %add3A_1440 = arith.addi %squeeze3A_1355, %add3A_1439 : i32
        %get3A_1441 = arith.index_cast %add3A_1440 : i32 to index
        %get3A_1442 = tpu.vector_load %arg7[%get3A_1441] {strides = array<i32>} : memref<512xf32, #tpu.memory_space<vmem>>, vector<16xf32>,
        %get3A_1443 = vector.shape_cast %get3A_1442 : vector<16xf32> to vector<16xf32>
        %mul3A_1444 = arith.mulf %get3A_1438, %get3A_1443 : vector<16xf32>
        %swap3A_1445 = arith.index_cast %add3A_1359 : i32 to index
        %swap3A_1446 = arith.constant 80 : index
        %swap3A_1447 = tpu.vector_load %arg9[%swap3A_1445, %swap3A_1446] {strides = array<i32>} : memref<80x144xf32, #tpu.memory_space<vmem>>, vector<1x16xf32>,
        %swap3A_1448 = vector.shape_cast %swap3A_1447 : vector<1x16xf32> to vector<16xf32>
        %swap3A_1449 = vector.shape_cast %mul3A_1444 : vector<16xf32> to vector<1x16xf32>
        tpu.vector_store %arg9[%swap3A_1445, %swap3A_1446], %swap3A_1449 {strides = array<i32>} : memref<80x144xf32, #tpu.memory_space<vmem>>, vector<1x16xf32>,
        %get3A_1450 = arith.index_cast %add3A_1359 : i32 to index
        %get3A_1451 = arith.constant 96 : index
        %get3A_1452 = tpu.vector_load %arg8[%get3A_1450, %get3A_1451] {strides = array<i32>} : memref<80x128xf32, #tpu.memory_space<vmem>>, vector<1x16xf32>,
        %get3A_1453 = vector.shape_cast %get3A_1452 : vector<1x16xf32> to vector<16xf32>
        %add3A_1454 = arith.constant 96 : i32
        %add3A_1455 = arith.addi %squeeze3A_1355, %add3A_1454 : i32
        %get3A_1456 = arith.index_cast %add3A_1455 : i32 to index
        %get3A_1457 = tpu.vector_load %arg7[%get3A_1456] {strides = array<i32>} : memref<512xf32, #tpu.memory_space<vmem>>, vector<16xf32>,
        %get3A_1458 = vector.shape_cast %get3A_1457 : vector<16xf32> to vector<16xf32>
        %mul3A_1459 = arith.mulf %get3A_1453, %get3A_1458 : vector<16xf32>
        %swap3A_1460 = arith.index_cast %add3A_1359 : i32 to index
        %swap3A_1461 = arith.constant 96 : index
        %swap3A_1462 = tpu.vector_load %arg9[%swap3A_1460, %swap3A_1461] {strides = array<i32>} : memref<80x144xf32, #tpu.memory_space<vmem>>, vector<1x16xf32>,
        %swap3A_1463 = vector.shape_cast %swap3A_1462 : vector<1x16xf32> to vector<16xf32>
        %swap3A_1464 = vector.shape_cast %mul3A_1459 : vector<16xf32> to vector<1x16xf32>
        tpu.vector_store %arg9[%swap3A_1460, %swap3A_1461], %swap3A_1464 {strides = array<i32>} : memref<80x144xf32, #tpu.memory_space<vmem>>, vector<1x16xf32>,
        %get3A_1465 = arith.index_cast %add3A_1359 : i32 to index
        %get3A_1466 = arith.constant 112 : index
        %get3A_1467 = tpu.vector_load %arg8[%get3A_1465, %get3A_1466] {strides = array<i32>} : memref<80x128xf32, #tpu.memory_space<vmem>>, vector<1x16xf32>,
        %get3A_1468 = vector.shape_cast %get3A_1467 : vector<1x16xf32> to vector<16xf32>
        %add3A_1469 = arith.constant 112 : i32
        %add3A_1470 = arith.addi %squeeze3A_1355, %add3A_1469 : i32
        %get3A_1471 = arith.index_cast %add3A_1470 : i32 to index
        %get3A_1472 = tpu.vector_load %arg7[%get3A_1471] {strides = array<i32>} : memref<512xf32, #tpu.memory_space<vmem>>, vector<16xf32>,
        %get3A_1473 = vector.shape_cast %get3A_1472 : vector<16xf32> to vector<16xf32>
        %mul3A_1474 = arith.mulf %get3A_1468, %get3A_1473 : vector<16xf32>
        %swap3A_1475 = arith.index_cast %add3A_1359 : i32 to index
        %swap3A_1476 = arith.constant 112 : index
        %swap3A_1477 = tpu.vector_load %arg9[%swap3A_1475, %swap3A_1476] {strides = array<i32>} : memref<80x144xf32, #tpu.memory_space<vmem>>, vector<1x16xf32>,
        %swap3A_1478 = vector.shape_cast %swap3A_1477 : vector<1x16xf32> to vector<16xf32>
        %swap3A_1479 = vector.shape_cast %mul3A_1474 : vector<16xf32> to vector<1x16xf32>
        tpu.vector_store %arg9[%swap3A_1475, %swap3A_1476], %swap3A_1479 {strides = array<i32>} : memref<80x144xf32, #tpu.memory_space<vmem>>, vector<1x16xf32>,
        %slice3A_1480 = vector.extract_strided_slice %mul3A_96 {offsets = [11], sizes = [1], strides = [1]} : vector<16xi32> to vector<1xi32>
        %squeeze3A_1481 = vector.extract %slice3A_1480[0] : i32 from vector<1xi32>
        %mul3A_1482 = arith.constant 16 : i32
        %mul3A_1483 = arith.muli %scan3A_84, %mul3A_1482 : i32
        %add3A_1484 = arith.constant 11 : i32
        %add3A_1485 = arith.addi %mul3A_1483, %add3A_1484 : i32
        %get3A_1486 = arith.index_cast %add3A_1485 : i32 to index
        %get3A_1487 = arith.constant 0 : index
        %get3A_1488 = tpu.vector_load %arg8[%get3A_1486, %get3A_1487] {strides = array<i32>} : memref<80x128xf32, #tpu.memory_space<vmem>>, vector<1x16xf32>,
        %get3A_1489 = vector.shape_cast %get3A_1488 : vector<1x16xf32> to vector<16xf32>
        %add3A_1490 = arith.constant 0 : i32
        %add3A_1491 = arith.addi %squeeze3A_1481, %add3A_1490 : i32
        %get3A_1492 = arith.index_cast %add3A_1491 : i32 to index
        %get3A_1493 = tpu.vector_load %arg7[%get3A_1492] {strides = array<i32>} : memref<512xf32, #tpu.memory_space<vmem>>, vector<16xf32>,
        %get3A_1494 = vector.shape_cast %get3A_1493 : vector<16xf32> to vector<16xf32>
        %mul3A_1495 = arith.mulf %get3A_1489, %get3A_1494 : vector<16xf32>
        %swap3A_1496 = arith.index_cast %add3A_1485 : i32 to index
        %swap3A_1497 = arith.constant 0 : index
        %swap3A_1498 = tpu.vector_load %arg9[%swap3A_1496, %swap3A_1497] {strides = array<i32>} : memref<80x144xf32, #tpu.memory_space<vmem>>, vector<1x16xf32>,
        %swap3A_1499 = vector.shape_cast %swap3A_1498 : vector<1x16xf32> to vector<16xf32>
        %swap3A_1500 = vector.shape_cast %mul3A_1495 : vector<16xf32> to vector<1x16xf32>
        tpu.vector_store %arg9[%swap3A_1496, %swap3A_1497], %swap3A_1500 {strides = array<i32>} : memref<80x144xf32, #tpu.memory_space<vmem>>, vector<1x16xf32>,
        %get3A_1501 = arith.index_cast %add3A_1485 : i32 to index
        %get3A_1502 = arith.constant 16 : index
        %get3A_1503 = tpu.vector_load %arg8[%get3A_1501, %get3A_1502] {strides = array<i32>} : memref<80x128xf32, #tpu.memory_space<vmem>>, vector<1x16xf32>,
        %get3A_1504 = vector.shape_cast %get3A_1503 : vector<1x16xf32> to vector<16xf32>
        %add3A_1505 = arith.constant 16 : i32
        %add3A_1506 = arith.addi %squeeze3A_1481, %add3A_1505 : i32
        %get3A_1507 = arith.index_cast %add3A_1506 : i32 to index
        %get3A_1508 = tpu.vector_load %arg7[%get3A_1507] {strides = array<i32>} : memref<512xf32, #tpu.memory_space<vmem>>, vector<16xf32>,
        %get3A_1509 = vector.shape_cast %get3A_1508 : vector<16xf32> to vector<16xf32>
        %mul3A_1510 = arith.mulf %get3A_1504, %get3A_1509 : vector<16xf32>
        %swap3A_1511 = arith.index_cast %add3A_1485 : i32 to index
        %swap3A_1512 = arith.constant 16 : index
        %swap3A_1513 = tpu.vector_load %arg9[%swap3A_1511, %swap3A_1512] {strides = array<i32>} : memref<80x144xf32, #tpu.memory_space<vmem>>, vector<1x16xf32>,
        %swap3A_1514 = vector.shape_cast %swap3A_1513 : vector<1x16xf32> to vector<16xf32>
        %swap3A_1515 = vector.shape_cast %mul3A_1510 : vector<16xf32> to vector<1x16xf32>
        tpu.vector_store %arg9[%swap3A_1511, %swap3A_1512], %swap3A_1515 {strides = array<i32>} : memref<80x144xf32, #tpu.memory_space<vmem>>, vector<1x16xf32>,
        %get3A_1516 = arith.index_cast %add3A_1485 : i32 to index
        %get3A_1517 = arith.constant 32 : index
        %get3A_1518 = tpu.vector_load %arg8[%get3A_1516, %get3A_1517] {strides = array<i32>} : memref<80x128xf32, #tpu.memory_space<vmem>>, vector<1x16xf32>,
        %get3A_1519 = vector.shape_cast %get3A_1518 : vector<1x16xf32> to vector<16xf32>
        %add3A_1520 = arith.constant 32 : i32
        %add3A_1521 = arith.addi %squeeze3A_1481, %add3A_1520 : i32
        %get3A_1522 = arith.index_cast %add3A_1521 : i32 to index
        %get3A_1523 = tpu.vector_load %arg7[%get3A_1522] {strides = array<i32>} : memref<512xf32, #tpu.memory_space<vmem>>, vector<16xf32>,
        %get3A_1524 = vector.shape_cast %get3A_1523 : vector<16xf32> to vector<16xf32>
        %mul3A_1525 = arith.mulf %get3A_1519, %get3A_1524 : vector<16xf32>
        %swap3A_1526 = arith.index_cast %add3A_1485 : i32 to index
        %swap3A_1527 = arith.constant 32 : index
        %swap3A_1528 = tpu.vector_load %arg9[%swap3A_1526, %swap3A_1527] {strides = array<i32>} : memref<80x144xf32, #tpu.memory_space<vmem>>, vector<1x16xf32>,
        %swap3A_1529 = vector.shape_cast %swap3A_1528 : vector<1x16xf32> to vector<16xf32>
        %swap3A_1530 = vector.shape_cast %mul3A_1525 : vector<16xf32> to vector<1x16xf32>
        tpu.vector_store %arg9[%swap3A_1526, %swap3A_1527], %swap3A_1530 {strides = array<i32>} : memref<80x144xf32, #tpu.memory_space<vmem>>, vector<1x16xf32>,
        %get3A_1531 = arith.index_cast %add3A_1485 : i32 to index
        %get3A_1532 = arith.constant 48 : index
        %get3A_1533 = tpu.vector_load %arg8[%get3A_1531, %get3A_1532] {strides = array<i32>} : memref<80x128xf32, #tpu.memory_space<vmem>>, vector<1x16xf32>,
        %get3A_1534 = vector.shape_cast %get3A_1533 : vector<1x16xf32> to vector<16xf32>
        %add3A_1535 = arith.constant 48 : i32
        %add3A_1536 = arith.addi %squeeze3A_1481, %add3A_1535 : i32
        %get3A_1537 = arith.index_cast %add3A_1536 : i32 to index
        %get3A_1538 = tpu.vector_load %arg7[%get3A_1537] {strides = array<i32>} : memref<512xf32, #tpu.memory_space<vmem>>, vector<16xf32>,
        %get3A_1539 = vector.shape_cast %get3A_1538 : vector<16xf32> to vector<16xf32>
        %mul3A_1540 = arith.mulf %get3A_1534, %get3A_1539 : vector<16xf32>
        %swap3A_1541 = arith.index_cast %add3A_1485 : i32 to index
        %swap3A_1542 = arith.constant 48 : index
        %swap3A_1543 = tpu.vector_load %arg9[%swap3A_1541, %swap3A_1542] {strides = array<i32>} : memref<80x144xf32, #tpu.memory_space<vmem>>, vector<1x16xf32>,
        %swap3A_1544 = vector.shape_cast %swap3A_1543 : vector<1x16xf32> to vector<16xf32>
        %swap3A_1545 = vector.shape_cast %mul3A_1540 : vector<16xf32> to vector<1x16xf32>
        tpu.vector_store %arg9[%swap3A_1541, %swap3A_1542], %swap3A_1545 {strides = array<i32>} : memref<80x144xf32, #tpu.memory_space<vmem>>, vector<1x16xf32>,
        %get3A_1546 = arith.index_cast %add3A_1485 : i32 to index
        %get3A_1547 = arith.constant 64 : index
        %get3A_1548 = tpu.vector_load %arg8[%get3A_1546, %get3A_1547] {strides = array<i32>} : memref<80x128xf32, #tpu.memory_space<vmem>>, vector<1x16xf32>,
        %get3A_1549 = vector.shape_cast %get3A_1548 : vector<1x16xf32> to vector<16xf32>
        %add3A_1550 = arith.constant 64 : i32
        %add3A_1551 = arith.addi %squeeze3A_1481, %add3A_1550 : i32
        %get3A_1552 = arith.index_cast %add3A_1551 : i32 to index
        %get3A_1553 = tpu.vector_load %arg7[%get3A_1552] {strides = array<i32>} : memref<512xf32, #tpu.memory_space<vmem>>, vector<16xf32>,
        %get3A_1554 = vector.shape_cast %get3A_1553 : vector<16xf32> to vector<16xf32>
        %mul3A_1555 = arith.mulf %get3A_1549, %get3A_1554 : vector<16xf32>
        %swap3A_1556 = arith.index_cast %add3A_1485 : i32 to index
        %swap3A_1557 = arith.constant 64 : index
        %swap3A_1558 = tpu.vector_load %arg9[%swap3A_1556, %swap3A_1557] {strides = array<i32>} : memref<80x144xf32, #tpu.memory_space<vmem>>, vector<1x16xf32>,
        %swap3A_1559 = vector.shape_cast %swap3A_1558 : vector<1x16xf32> to vector<16xf32>
        %swap3A_1560 = vector.shape_cast %mul3A_1555 : vector<16xf32> to vector<1x16xf32>
        tpu.vector_store %arg9[%swap3A_1556, %swap3A_1557], %swap3A_1560 {strides = array<i32>} : memref<80x144xf32, #tpu.memory_space<vmem>>, vector<1x16xf32>,
        %get3A_1561 = arith.index_cast %add3A_1485 : i32 to index
        %get3A_1562 = arith.constant 80 : index
        %get3A_1563 = tpu.vector_load %arg8[%get3A_1561, %get3A_1562] {strides = array<i32>} : memref<80x128xf32, #tpu.memory_space<vmem>>, vector<1x16xf32>,
        %get3A_1564 = vector.shape_cast %get3A_1563 : vector<1x16xf32> to vector<16xf32>
        %add3A_1565 = arith.constant 80 : i32
        %add3A_1566 = arith.addi %squeeze3A_1481, %add3A_1565 : i32
        %get3A_1567 = arith.index_cast %add3A_1566 : i32 to index
        %get3A_1568 = tpu.vector_load %arg7[%get3A_1567] {strides = array<i32>} : memref<512xf32, #tpu.memory_space<vmem>>, vector<16xf32>,
        %get3A_1569 = vector.shape_cast %get3A_1568 : vector<16xf32> to vector<16xf32>
        %mul3A_1570 = arith.mulf %get3A_1564, %get3A_1569 : vector<16xf32>
        %swap3A_1571 = arith.index_cast %add3A_1485 : i32 to index
        %swap3A_1572 = arith.constant 80 : index
        %swap3A_1573 = tpu.vector_load %arg9[%swap3A_1571, %swap3A_1572] {strides = array<i32>} : memref<80x144xf32, #tpu.memory_space<vmem>>, vector<1x16xf32>,
        %swap3A_1574 = vector.shape_cast %swap3A_1573 : vector<1x16xf32> to vector<16xf32>
        %swap3A_1575 = vector.shape_cast %mul3A_1570 : vector<16xf32> to vector<1x16xf32>
        tpu.vector_store %arg9[%swap3A_1571, %swap3A_1572], %swap3A_1575 {strides = array<i32>} : memref<80x144xf32, #tpu.memory_space<vmem>>, vector<1x16xf32>,
        %get3A_1576 = arith.index_cast %add3A_1485 : i32 to index
        %get3A_1577 = arith.constant 96 : index
        %get3A_1578 = tpu.vector_load %arg8[%get3A_1576, %get3A_1577] {strides = array<i32>} : memref<80x128xf32, #tpu.memory_space<vmem>>, vector<1x16xf32>,
        %get3A_1579 = vector.shape_cast %get3A_1578 : vector<1x16xf32> to vector<16xf32>
        %add3A_1580 = arith.constant 96 : i32
        %add3A_1581 = arith.addi %squeeze3A_1481, %add3A_1580 : i32
        %get3A_1582 = arith.index_cast %add3A_1581 : i32 to index
        %get3A_1583 = tpu.vector_load %arg7[%get3A_1582] {strides = array<i32>} : memref<512xf32, #tpu.memory_space<vmem>>, vector<16xf32>,
        %get3A_1584 = vector.shape_cast %get3A_1583 : vector<16xf32> to vector<16xf32>
        %mul3A_1585 = arith.mulf %get3A_1579, %get3A_1584 : vector<16xf32>
        %swap3A_1586 = arith.index_cast %add3A_1485 : i32 to index
        %swap3A_1587 = arith.constant 96 : index
        %swap3A_1588 = tpu.vector_load %arg9[%swap3A_1586, %swap3A_1587] {strides = array<i32>} : memref<80x144xf32, #tpu.memory_space<vmem>>, vector<1x16xf32>,
        %swap3A_1589 = vector.shape_cast %swap3A_1588 : vector<1x16xf32> to vector<16xf32>
        %swap3A_1590 = vector.shape_cast %mul3A_1585 : vector<16xf32> to vector<1x16xf32>
        tpu.vector_store %arg9[%swap3A_1586, %swap3A_1587], %swap3A_1590 {strides = array<i32>} : memref<80x144xf32, #tpu.memory_space<vmem>>, vector<1x16xf32>,
        %get3A_1591 = arith.index_cast %add3A_1485 : i32 to index
        %get3A_1592 = arith.constant 112 : index
        %get3A_1593 = tpu.vector_load %arg8[%get3A_1591, %get3A_1592] {strides = array<i32>} : memref<80x128xf32, #tpu.memory_space<vmem>>, vector<1x16xf32>,
        %get3A_1594 = vector.shape_cast %get3A_1593 : vector<1x16xf32> to vector<16xf32>
        %add3A_1595 = arith.constant 112 : i32
        %add3A_1596 = arith.addi %squeeze3A_1481, %add3A_1595 : i32
        %get3A_1597 = arith.index_cast %add3A_1596 : i32 to index
        %get3A_1598 = tpu.vector_load %arg7[%get3A_1597] {strides = array<i32>} : memref<512xf32, #tpu.memory_space<vmem>>, vector<16xf32>,
        %get3A_1599 = vector.shape_cast %get3A_1598 : vector<16xf32> to vector<16xf32>
        %mul3A_1600 = arith.mulf %get3A_1594, %get3A_1599 : vector<16xf32>
        %swap3A_1601 = arith.index_cast %add3A_1485 : i32 to index
        %swap3A_1602 = arith.constant 112 : index
        %swap3A_1603 = tpu.vector_load %arg9[%swap3A_1601, %swap3A_1602] {strides = array<i32>} : memref<80x144xf32, #tpu.memory_space<vmem>>, vector<1x16xf32>,
        %swap3A_1604 = vector.shape_cast %swap3A_1603 : vector<1x16xf32> to vector<16xf32>
        %swap3A_1605 = vector.shape_cast %mul3A_1600 : vector<16xf32> to vector<1x16xf32>
        tpu.vector_store %arg9[%swap3A_1601, %swap3A_1602], %swap3A_1605 {strides = array<i32>} : memref<80x144xf32, #tpu.memory_space<vmem>>, vector<1x16xf32>,
        %slice3A_1606 = vector.extract_strided_slice %mul3A_96 {offsets = [12], sizes = [1], strides = [1]} : vector<16xi32> to vector<1xi32>
        %squeeze3A_1607 = vector.extract %slice3A_1606[0] : i32 from vector<1xi32>
        %mul3A_1608 = arith.constant 16 : i32
        %mul3A_1609 = arith.muli %scan3A_84, %mul3A_1608 : i32
        %add3A_1610 = arith.constant 12 : i32
        %add3A_1611 = arith.addi %mul3A_1609, %add3A_1610 : i32
        %get3A_1612 = arith.index_cast %add3A_1611 : i32 to index
        %get3A_1613 = arith.constant 0 : index
        %get3A_1614 = tpu.vector_load %arg8[%get3A_1612, %get3A_1613] {strides = array<i32>} : memref<80x128xf32, #tpu.memory_space<vmem>>, vector<1x16xf32>,
        %get3A_1615 = vector.shape_cast %get3A_1614 : vector<1x16xf32> to vector<16xf32>
        %add3A_1616 = arith.constant 0 : i32
        %add3A_1617 = arith.addi %squeeze3A_1607, %add3A_1616 : i32
        %get3A_1618 = arith.index_cast %add3A_1617 : i32 to index
        %get3A_1619 = tpu.vector_load %arg7[%get3A_1618] {strides = array<i32>} : memref<512xf32, #tpu.memory_space<vmem>>, vector<16xf32>,
        %get3A_1620 = vector.shape_cast %get3A_1619 : vector<16xf32> to vector<16xf32>
        %mul3A_1621 = arith.mulf %get3A_1615, %get3A_1620 : vector<16xf32>
        %swap3A_1622 = arith.index_cast %add3A_1611 : i32 to index
        %swap3A_1623 = arith.constant 0 : index
        %swap3A_1624 = tpu.vector_load %arg9[%swap3A_1622, %swap3A_1623] {strides = array<i32>} : memref<80x144xf32, #tpu.memory_space<vmem>>, vector<1x16xf32>,
        %swap3A_1625 = vector.shape_cast %swap3A_1624 : vector<1x16xf32> to vector<16xf32>
        %swap3A_1626 = vector.shape_cast %mul3A_1621 : vector<16xf32> to vector<1x16xf32>
        tpu.vector_store %arg9[%swap3A_1622, %swap3A_1623], %swap3A_1626 {strides = array<i32>} : memref<80x144xf32, #tpu.memory_space<vmem>>, vector<1x16xf32>,
        %get3A_1627 = arith.index_cast %add3A_1611 : i32 to index
        %get3A_1628 = arith.constant 16 : index
        %get3A_1629 = tpu.vector_load %arg8[%get3A_1627, %get3A_1628] {strides = array<i32>} : memref<80x128xf32, #tpu.memory_space<vmem>>, vector<1x16xf32>,
        %get3A_1630 = vector.shape_cast %get3A_1629 : vector<1x16xf32> to vector<16xf32>
        %add3A_1631 = arith.constant 16 : i32
        %add3A_1632 = arith.addi %squeeze3A_1607, %add3A_1631 : i32
        %get3A_1633 = arith.index_cast %add3A_1632 : i32 to index
        %get3A_1634 = tpu.vector_load %arg7[%get3A_1633] {strides = array<i32>} : memref<512xf32, #tpu.memory_space<vmem>>, vector<16xf32>,
        %get3A_1635 = vector.shape_cast %get3A_1634 : vector<16xf32> to vector<16xf32>
        %mul3A_1636 = arith.mulf %get3A_1630, %get3A_1635 : vector<16xf32>
        %swap3A_1637 = arith.index_cast %add3A_1611 : i32 to index
        %swap3A_1638 = arith.constant 16 : index
        %swap3A_1639 = tpu.vector_load %arg9[%swap3A_1637, %swap3A_1638] {strides = array<i32>} : memref<80x144xf32, #tpu.memory_space<vmem>>, vector<1x16xf32>,
        %swap3A_1640 = vector.shape_cast %swap3A_1639 : vector<1x16xf32> to vector<16xf32>
        %swap3A_1641 = vector.shape_cast %mul3A_1636 : vector<16xf32> to vector<1x16xf32>
        tpu.vector_store %arg9[%swap3A_1637, %swap3A_1638], %swap3A_1641 {strides = array<i32>} : memref<80x144xf32, #tpu.memory_space<vmem>>, vector<1x16xf32>,
        %get3A_1642 = arith.index_cast %add3A_1611 : i32 to index
        %get3A_1643 = arith.constant 32 : index
        %get3A_1644 = tpu.vector_load %arg8[%get3A_1642, %get3A_1643] {strides = array<i32>} : memref<80x128xf32, #tpu.memory_space<vmem>>, vector<1x16xf32>,
        %get3A_1645 = vector.shape_cast %get3A_1644 : vector<1x16xf32> to vector<16xf32>
        %add3A_1646 = arith.constant 32 : i32
        %add3A_1647 = arith.addi %squeeze3A_1607, %add3A_1646 : i32
        %get3A_1648 = arith.index_cast %add3A_1647 : i32 to index
        %get3A_1649 = tpu.vector_load %arg7[%get3A_1648] {strides = array<i32>} : memref<512xf32, #tpu.memory_space<vmem>>, vector<16xf32>,
        %get3A_1650 = vector.shape_cast %get3A_1649 : vector<16xf32> to vector<16xf32>
        %mul3A_1651 = arith.mulf %get3A_1645, %get3A_1650 : vector<16xf32>
        %swap3A_1652 = arith.index_cast %add3A_1611 : i32 to index
        %swap3A_1653 = arith.constant 32 : index
        %swap3A_1654 = tpu.vector_load %arg9[%swap3A_1652, %swap3A_1653] {strides = array<i32>} : memref<80x144xf32, #tpu.memory_space<vmem>>, vector<1x16xf32>,
        %swap3A_1655 = vector.shape_cast %swap3A_1654 : vector<1x16xf32> to vector<16xf32>
        %swap3A_1656 = vector.shape_cast %mul3A_1651 : vector<16xf32> to vector<1x16xf32>
        tpu.vector_store %arg9[%swap3A_1652, %swap3A_1653], %swap3A_1656 {strides = array<i32>} : memref<80x144xf32, #tpu.memory_space<vmem>>, vector<1x16xf32>,
        %get3A_1657 = arith.index_cast %add3A_1611 : i32 to index
        %get3A_1658 = arith.constant 48 : index
        %get3A_1659 = tpu.vector_load %arg8[%get3A_1657, %get3A_1658] {strides = array<i32>} : memref<80x128xf32, #tpu.memory_space<vmem>>, vector<1x16xf32>,
        %get3A_1660 = vector.shape_cast %get3A_1659 : vector<1x16xf32> to vector<16xf32>
        %add3A_1661 = arith.constant 48 : i32
        %add3A_1662 = arith.addi %squeeze3A_1607, %add3A_1661 : i32
        %get3A_1663 = arith.index_cast %add3A_1662 : i32 to index
        %get3A_1664 = tpu.vector_load %arg7[%get3A_1663] {strides = array<i32>} : memref<512xf32, #tpu.memory_space<vmem>>, vector<16xf32>,
        %get3A_1665 = vector.shape_cast %get3A_1664 : vector<16xf32> to vector<16xf32>
        %mul3A_1666 = arith.mulf %get3A_1660, %get3A_1665 : vector<16xf32>
        %swap3A_1667 = arith.index_cast %add3A_1611 : i32 to index
        %swap3A_1668 = arith.constant 48 : index
        %swap3A_1669 = tpu.vector_load %arg9[%swap3A_1667, %swap3A_1668] {strides = array<i32>} : memref<80x144xf32, #tpu.memory_space<vmem>>, vector<1x16xf32>,
        %swap3A_1670 = vector.shape_cast %swap3A_1669 : vector<1x16xf32> to vector<16xf32>
        %swap3A_1671 = vector.shape_cast %mul3A_1666 : vector<16xf32> to vector<1x16xf32>
        tpu.vector_store %arg9[%swap3A_1667, %swap3A_1668], %swap3A_1671 {strides = array<i32>} : memref<80x144xf32, #tpu.memory_space<vmem>>, vector<1x16xf32>,
        %get3A_1672 = arith.index_cast %add3A_1611 : i32 to index
        %get3A_1673 = arith.constant 64 : index
        %get3A_1674 = tpu.vector_load %arg8[%get3A_1672, %get3A_1673] {strides = array<i32>} : memref<80x128xf32, #tpu.memory_space<vmem>>, vector<1x16xf32>,
        %get3A_1675 = vector.shape_cast %get3A_1674 : vector<1x16xf32> to vector<16xf32>
        %add3A_1676 = arith.constant 64 : i32
        %add3A_1677 = arith.addi %squeeze3A_1607, %add3A_1676 : i32
        %get3A_1678 = arith.index_cast %add3A_1677 : i32 to index
        %get3A_1679 = tpu.vector_load %arg7[%get3A_1678] {strides = array<i32>} : memref<512xf32, #tpu.memory_space<vmem>>, vector<16xf32>,
        %get3A_1680 = vector.shape_cast %get3A_1679 : vector<16xf32> to vector<16xf32>
        %mul3A_1681 = arith.mulf %get3A_1675, %get3A_1680 : vector<16xf32>
        %swap3A_1682 = arith.index_cast %add3A_1611 : i32 to index
        %swap3A_1683 = arith.constant 64 : index
        %swap3A_1684 = tpu.vector_load %arg9[%swap3A_1682, %swap3A_1683] {strides = array<i32>} : memref<80x144xf32, #tpu.memory_space<vmem>>, vector<1x16xf32>,
        %swap3A_1685 = vector.shape_cast %swap3A_1684 : vector<1x16xf32> to vector<16xf32>
        %swap3A_1686 = vector.shape_cast %mul3A_1681 : vector<16xf32> to vector<1x16xf32>
        tpu.vector_store %arg9[%swap3A_1682, %swap3A_1683], %swap3A_1686 {strides = array<i32>} : memref<80x144xf32, #tpu.memory_space<vmem>>, vector<1x16xf32>,
        %get3A_1687 = arith.index_cast %add3A_1611 : i32 to index
        %get3A_1688 = arith.constant 80 : index
        %get3A_1689 = tpu.vector_load %arg8[%get3A_1687, %get3A_1688] {strides = array<i32>} : memref<80x128xf32, #tpu.memory_space<vmem>>, vector<1x16xf32>,
        %get3A_1690 = vector.shape_cast %get3A_1689 : vector<1x16xf32> to vector<16xf32>
        %add3A_1691 = arith.constant 80 : i32
        %add3A_1692 = arith.addi %squeeze3A_1607, %add3A_1691 : i32
        %get3A_1693 = arith.index_cast %add3A_1692 : i32 to index
        %get3A_1694 = tpu.vector_load %arg7[%get3A_1693] {strides = array<i32>} : memref<512xf32, #tpu.memory_space<vmem>>, vector<16xf32>,
        %get3A_1695 = vector.shape_cast %get3A_1694 : vector<16xf32> to vector<16xf32>
        %mul3A_1696 = arith.mulf %get3A_1690, %get3A_1695 : vector<16xf32>
        %swap3A_1697 = arith.index_cast %add3A_1611 : i32 to index
        %swap3A_1698 = arith.constant 80 : index
        %swap3A_1699 = tpu.vector_load %arg9[%swap3A_1697, %swap3A_1698] {strides = array<i32>} : memref<80x144xf32, #tpu.memory_space<vmem>>, vector<1x16xf32>,
        %swap3A_1700 = vector.shape_cast %swap3A_1699 : vector<1x16xf32> to vector<16xf32>
        %swap3A_1701 = vector.shape_cast %mul3A_1696 : vector<16xf32> to vector<1x16xf32>
        tpu.vector_store %arg9[%swap3A_1697, %swap3A_1698], %swap3A_1701 {strides = array<i32>} : memref<80x144xf32, #tpu.memory_space<vmem>>, vector<1x16xf32>,
        %get3A_1702 = arith.index_cast %add3A_1611 : i32 to index
        %get3A_1703 = arith.constant 96 : index
        %get3A_1704 = tpu.vector_load %arg8[%get3A_1702, %get3A_1703] {strides = array<i32>} : memref<80x128xf32, #tpu.memory_space<vmem>>, vector<1x16xf32>,
        %get3A_1705 = vector.shape_cast %get3A_1704 : vector<1x16xf32> to vector<16xf32>
        %add3A_1706 = arith.constant 96 : i32
        %add3A_1707 = arith.addi %squeeze3A_1607, %add3A_1706 : i32
        %get3A_1708 = arith.index_cast %add3A_1707 : i32 to index
        %get3A_1709 = tpu.vector_load %arg7[%get3A_1708] {strides = array<i32>} : memref<512xf32, #tpu.memory_space<vmem>>, vector<16xf32>,
        %get3A_1710 = vector.shape_cast %get3A_1709 : vector<16xf32> to vector<16xf32>
        %mul3A_1711 = arith.mulf %get3A_1705, %get3A_1710 : vector<16xf32>
        %swap3A_1712 = arith.index_cast %add3A_1611 : i32 to index
        %swap3A_1713 = arith.constant 96 : index
        %swap3A_1714 = tpu.vector_load %arg9[%swap3A_1712, %swap3A_1713] {strides = array<i32>} : memref<80x144xf32, #tpu.memory_space<vmem>>, vector<1x16xf32>,
        %swap3A_1715 = vector.shape_cast %swap3A_1714 : vector<1x16xf32> to vector<16xf32>
        %swap3A_1716 = vector.shape_cast %mul3A_1711 : vector<16xf32> to vector<1x16xf32>
        tpu.vector_store %arg9[%swap3A_1712, %swap3A_1713], %swap3A_1716 {strides = array<i32>} : memref<80x144xf32, #tpu.memory_space<vmem>>, vector<1x16xf32>,
        %get3A_1717 = arith.index_cast %add3A_1611 : i32 to index
        %get3A_1718 = arith.constant 112 : index
        %get3A_1719 = tpu.vector_load %arg8[%get3A_1717, %get3A_1718] {strides = array<i32>} : memref<80x128xf32, #tpu.memory_space<vmem>>, vector<1x16xf32>,
        %get3A_1720 = vector.shape_cast %get3A_1719 : vector<1x16xf32> to vector<16xf32>
        %add3A_1721 = arith.constant 112 : i32
        %add3A_1722 = arith.addi %squeeze3A_1607, %add3A_1721 : i32
        %get3A_1723 = arith.index_cast %add3A_1722 : i32 to index
        %get3A_1724 = tpu.vector_load %arg7[%get3A_1723] {strides = array<i32>} : memref<512xf32, #tpu.memory_space<vmem>>, vector<16xf32>,
        %get3A_1725 = vector.shape_cast %get3A_1724 : vector<16xf32> to vector<16xf32>
        %mul3A_1726 = arith.mulf %get3A_1720, %get3A_1725 : vector<16xf32>
        %swap3A_1727 = arith.index_cast %add3A_1611 : i32 to index
        %swap3A_1728 = arith.constant 112 : index
        %swap3A_1729 = tpu.vector_load %arg9[%swap3A_1727, %swap3A_1728] {strides = array<i32>} : memref<80x144xf32, #tpu.memory_space<vmem>>, vector<1x16xf32>,
        %swap3A_1730 = vector.shape_cast %swap3A_1729 : vector<1x16xf32> to vector<16xf32>
        %swap3A_1731 = vector.shape_cast %mul3A_1726 : vector<16xf32> to vector<1x16xf32>
        tpu.vector_store %arg9[%swap3A_1727, %swap3A_1728], %swap3A_1731 {strides = array<i32>} : memref<80x144xf32, #tpu.memory_space<vmem>>, vector<1x16xf32>,
        %slice3A_1732 = vector.extract_strided_slice %mul3A_96 {offsets = [13], sizes = [1], strides = [1]} : vector<16xi32> to vector<1xi32>
        %squeeze3A_1733 = vector.extract %slice3A_1732[0] : i32 from vector<1xi32>
        %mul3A_1734 = arith.constant 16 : i32
        %mul3A_1735 = arith.muli %scan3A_84, %mul3A_1734 : i32
        %add3A_1736 = arith.constant 13 : i32
        %add3A_1737 = arith.addi %mul3A_1735, %add3A_1736 : i32
        %get3A_1738 = arith.index_cast %add3A_1737 : i32 to index
        %get3A_1739 = arith.constant 0 : index
        %get3A_1740 = tpu.vector_load %arg8[%get3A_1738, %get3A_1739] {strides = array<i32>} : memref<80x128xf32, #tpu.memory_space<vmem>>, vector<1x16xf32>,
        %get3A_1741 = vector.shape_cast %get3A_1740 : vector<1x16xf32> to vector<16xf32>
        %add3A_1742 = arith.constant 0 : i32
        %add3A_1743 = arith.addi %squeeze3A_1733, %add3A_1742 : i32
        %get3A_1744 = arith.index_cast %add3A_1743 : i32 to index
        %get3A_1745 = tpu.vector_load %arg7[%get3A_1744] {strides = array<i32>} : memref<512xf32, #tpu.memory_space<vmem>>, vector<16xf32>,
        %get3A_1746 = vector.shape_cast %get3A_1745 : vector<16xf32> to vector<16xf32>
        %mul3A_1747 = arith.mulf %get3A_1741, %get3A_1746 : vector<16xf32>
        %swap3A_1748 = arith.index_cast %add3A_1737 : i32 to index
        %swap3A_1749 = arith.constant 0 : index
        %swap3A_1750 = tpu.vector_load %arg9[%swap3A_1748, %swap3A_1749] {strides = array<i32>} : memref<80x144xf32, #tpu.memory_space<vmem>>, vector<1x16xf32>,
        %swap3A_1751 = vector.shape_cast %swap3A_1750 : vector<1x16xf32> to vector<16xf32>
        %swap3A_1752 = vector.shape_cast %mul3A_1747 : vector<16xf32> to vector<1x16xf32>
        tpu.vector_store %arg9[%swap3A_1748, %swap3A_1749], %swap3A_1752 {strides = array<i32>} : memref<80x144xf32, #tpu.memory_space<vmem>>, vector<1x16xf32>,
        %get3A_1753 = arith.index_cast %add3A_1737 : i32 to index
        %get3A_1754 = arith.constant 16 : index
        %get3A_1755 = tpu.vector_load %arg8[%get3A_1753, %get3A_1754] {strides = array<i32>} : memref<80x128xf32, #tpu.memory_space<vmem>>, vector<1x16xf32>,
        %get3A_1756 = vector.shape_cast %get3A_1755 : vector<1x16xf32> to vector<16xf32>
        %add3A_1757 = arith.constant 16 : i32
        %add3A_1758 = arith.addi %squeeze3A_1733, %add3A_1757 : i32
        %get3A_1759 = arith.index_cast %add3A_1758 : i32 to index
        %get3A_1760 = tpu.vector_load %arg7[%get3A_1759] {strides = array<i32>} : memref<512xf32, #tpu.memory_space<vmem>>, vector<16xf32>,
        %get3A_1761 = vector.shape_cast %get3A_1760 : vector<16xf32> to vector<16xf32>
        %mul3A_1762 = arith.mulf %get3A_1756, %get3A_1761 : vector<16xf32>
        %swap3A_1763 = arith.index_cast %add3A_1737 : i32 to index
        %swap3A_1764 = arith.constant 16 : index
        %swap3A_1765 = tpu.vector_load %arg9[%swap3A_1763, %swap3A_1764] {strides = array<i32>} : memref<80x144xf32, #tpu.memory_space<vmem>>, vector<1x16xf32>,
        %swap3A_1766 = vector.shape_cast %swap3A_1765 : vector<1x16xf32> to vector<16xf32>
        %swap3A_1767 = vector.shape_cast %mul3A_1762 : vector<16xf32> to vector<1x16xf32>
        tpu.vector_store %arg9[%swap3A_1763, %swap3A_1764], %swap3A_1767 {strides = array<i32>} : memref<80x144xf32, #tpu.memory_space<vmem>>, vector<1x16xf32>,
        %get3A_1768 = arith.index_cast %add3A_1737 : i32 to index
        %get3A_1769 = arith.constant 32 : index
        %get3A_1770 = tpu.vector_load %arg8[%get3A_1768, %get3A_1769] {strides = array<i32>} : memref<80x128xf32, #tpu.memory_space<vmem>>, vector<1x16xf32>,
        %get3A_1771 = vector.shape_cast %get3A_1770 : vector<1x16xf32> to vector<16xf32>
        %add3A_1772 = arith.constant 32 : i32
        %add3A_1773 = arith.addi %squeeze3A_1733, %add3A_1772 : i32
        %get3A_1774 = arith.index_cast %add3A_1773 : i32 to index
        %get3A_1775 = tpu.vector_load %arg7[%get3A_1774] {strides = array<i32>} : memref<512xf32, #tpu.memory_space<vmem>>, vector<16xf32>,
        %get3A_1776 = vector.shape_cast %get3A_1775 : vector<16xf32> to vector<16xf32>
        %mul3A_1777 = arith.mulf %get3A_1771, %get3A_1776 : vector<16xf32>
        %swap3A_1778 = arith.index_cast %add3A_1737 : i32 to index
        %swap3A_1779 = arith.constant 32 : index
        %swap3A_1780 = tpu.vector_load %arg9[%swap3A_1778, %swap3A_1779] {strides = array<i32>} : memref<80x144xf32, #tpu.memory_space<vmem>>, vector<1x16xf32>,
        %swap3A_1781 = vector.shape_cast %swap3A_1780 : vector<1x16xf32> to vector<16xf32>
        %swap3A_1782 = vector.shape_cast %mul3A_1777 : vector<16xf32> to vector<1x16xf32>
        tpu.vector_store %arg9[%swap3A_1778, %swap3A_1779], %swap3A_1782 {strides = array<i32>} : memref<80x144xf32, #tpu.memory_space<vmem>>, vector<1x16xf32>,
        %get3A_1783 = arith.index_cast %add3A_1737 : i32 to index
        %get3A_1784 = arith.constant 48 : index
        %get3A_1785 = tpu.vector_load %arg8[%get3A_1783, %get3A_1784] {strides = array<i32>} : memref<80x128xf32, #tpu.memory_space<vmem>>, vector<1x16xf32>,
        %get3A_1786 = vector.shape_cast %get3A_1785 : vector<1x16xf32> to vector<16xf32>
        %add3A_1787 = arith.constant 48 : i32
        %add3A_1788 = arith.addi %squeeze3A_1733, %add3A_1787 : i32
        %get3A_1789 = arith.index_cast %add3A_1788 : i32 to index
        %get3A_1790 = tpu.vector_load %arg7[%get3A_1789] {strides = array<i32>} : memref<512xf32, #tpu.memory_space<vmem>>, vector<16xf32>,
        %get3A_1791 = vector.shape_cast %get3A_1790 : vector<16xf32> to vector<16xf32>
        %mul3A_1792 = arith.mulf %get3A_1786, %get3A_1791 : vector<16xf32>
        %swap3A_1793 = arith.index_cast %add3A_1737 : i32 to index
        %swap3A_1794 = arith.constant 48 : index
        %swap3A_1795 = tpu.vector_load %arg9[%swap3A_1793, %swap3A_1794] {strides = array<i32>} : memref<80x144xf32, #tpu.memory_space<vmem>>, vector<1x16xf32>,
        %swap3A_1796 = vector.shape_cast %swap3A_1795 : vector<1x16xf32> to vector<16xf32>
        %swap3A_1797 = vector.shape_cast %mul3A_1792 : vector<16xf32> to vector<1x16xf32>
        tpu.vector_store %arg9[%swap3A_1793, %swap3A_1794], %swap3A_1797 {strides = array<i32>} : memref<80x144xf32, #tpu.memory_space<vmem>>, vector<1x16xf32>,
        %get3A_1798 = arith.index_cast %add3A_1737 : i32 to index
        %get3A_1799 = arith.constant 64 : index
        %get3A_1800 = tpu.vector_load %arg8[%get3A_1798, %get3A_1799] {strides = array<i32>} : memref<80x128xf32, #tpu.memory_space<vmem>>, vector<1x16xf32>,
        %get3A_1801 = vector.shape_cast %get3A_1800 : vector<1x16xf32> to vector<16xf32>
        %add3A_1802 = arith.constant 64 : i32
        %add3A_1803 = arith.addi %squeeze3A_1733, %add3A_1802 : i32
        %get3A_1804 = arith.index_cast %add3A_1803 : i32 to index
        %get3A_1805 = tpu.vector_load %arg7[%get3A_1804] {strides = array<i32>} : memref<512xf32, #tpu.memory_space<vmem>>, vector<16xf32>,
        %get3A_1806 = vector.shape_cast %get3A_1805 : vector<16xf32> to vector<16xf32>
        %mul3A_1807 = arith.mulf %get3A_1801, %get3A_1806 : vector<16xf32>
        %swap3A_1808 = arith.index_cast %add3A_1737 : i32 to index
        %swap3A_1809 = arith.constant 64 : index
        %swap3A_1810 = tpu.vector_load %arg9[%swap3A_1808, %swap3A_1809] {strides = array<i32>} : memref<80x144xf32, #tpu.memory_space<vmem>>, vector<1x16xf32>,
        %swap3A_1811 = vector.shape_cast %swap3A_1810 : vector<1x16xf32> to vector<16xf32>
        %swap3A_1812 = vector.shape_cast %mul3A_1807 : vector<16xf32> to vector<1x16xf32>
        tpu.vector_store %arg9[%swap3A_1808, %swap3A_1809], %swap3A_1812 {strides = array<i32>} : memref<80x144xf32, #tpu.memory_space<vmem>>, vector<1x16xf32>,
        %get3A_1813 = arith.index_cast %add3A_1737 : i32 to index
        %get3A_1814 = arith.constant 80 : index
        %get3A_1815 = tpu.vector_load %arg8[%get3A_1813, %get3A_1814] {strides = array<i32>} : memref<80x128xf32, #tpu.memory_space<vmem>>, vector<1x16xf32>,
        %get3A_1816 = vector.shape_cast %get3A_1815 : vector<1x16xf32> to vector<16xf32>
        %add3A_1817 = arith.constant 80 : i32
        %add3A_1818 = arith.addi %squeeze3A_1733, %add3A_1817 : i32
        %get3A_1819 = arith.index_cast %add3A_1818 : i32 to index
        %get3A_1820 = tpu.vector_load %arg7[%get3A_1819] {strides = array<i32>} : memref<512xf32, #tpu.memory_space<vmem>>, vector<16xf32>,
        %get3A_1821 = vector.shape_cast %get3A_1820 : vector<16xf32> to vector<16xf32>
        %mul3A_1822 = arith.mulf %get3A_1816, %get3A_1821 : vector<16xf32>
        %swap3A_1823 = arith.index_cast %add3A_1737 : i32 to index
        %swap3A_1824 = arith.constant 80 : index
        %swap3A_1825 = tpu.vector_load %arg9[%swap3A_1823, %swap3A_1824] {strides = array<i32>} : memref<80x144xf32, #tpu.memory_space<vmem>>, vector<1x16xf32>,
        %swap3A_1826 = vector.shape_cast %swap3A_1825 : vector<1x16xf32> to vector<16xf32>
        %swap3A_1827 = vector.shape_cast %mul3A_1822 : vector<16xf32> to vector<1x16xf32>
        tpu.vector_store %arg9[%swap3A_1823, %swap3A_1824], %swap3A_1827 {strides = array<i32>} : memref<80x144xf32, #tpu.memory_space<vmem>>, vector<1x16xf32>,
        %get3A_1828 = arith.index_cast %add3A_1737 : i32 to index
        %get3A_1829 = arith.constant 96 : index
        %get3A_1830 = tpu.vector_load %arg8[%get3A_1828, %get3A_1829] {strides = array<i32>} : memref<80x128xf32, #tpu.memory_space<vmem>>, vector<1x16xf32>,
        %get3A_1831 = vector.shape_cast %get3A_1830 : vector<1x16xf32> to vector<16xf32>
        %add3A_1832 = arith.constant 96 : i32
        %add3A_1833 = arith.addi %squeeze3A_1733, %add3A_1832 : i32
        %get3A_1834 = arith.index_cast %add3A_1833 : i32 to index
        %get3A_1835 = tpu.vector_load %arg7[%get3A_1834] {strides = array<i32>} : memref<512xf32, #tpu.memory_space<vmem>>, vector<16xf32>,
        %get3A_1836 = vector.shape_cast %get3A_1835 : vector<16xf32> to vector<16xf32>
        %mul3A_1837 = arith.mulf %get3A_1831, %get3A_1836 : vector<16xf32>
        %swap3A_1838 = arith.index_cast %add3A_1737 : i32 to index
        %swap3A_1839 = arith.constant 96 : index
        %swap3A_1840 = tpu.vector_load %arg9[%swap3A_1838, %swap3A_1839] {strides = array<i32>} : memref<80x144xf32, #tpu.memory_space<vmem>>, vector<1x16xf32>,
        %swap3A_1841 = vector.shape_cast %swap3A_1840 : vector<1x16xf32> to vector<16xf32>
        %swap3A_1842 = vector.shape_cast %mul3A_1837 : vector<16xf32> to vector<1x16xf32>
        tpu.vector_store %arg9[%swap3A_1838, %swap3A_1839], %swap3A_1842 {strides = array<i32>} : memref<80x144xf32, #tpu.memory_space<vmem>>, vector<1x16xf32>,
        %get3A_1843 = arith.index_cast %add3A_1737 : i32 to index
        %get3A_1844 = arith.constant 112 : index
        %get3A_1845 = tpu.vector_load %arg8[%get3A_1843, %get3A_1844] {strides = array<i32>} : memref<80x128xf32, #tpu.memory_space<vmem>>, vector<1x16xf32>,
        %get3A_1846 = vector.shape_cast %get3A_1845 : vector<1x16xf32> to vector<16xf32>
        %add3A_1847 = arith.constant 112 : i32
        %add3A_1848 = arith.addi %squeeze3A_1733, %add3A_1847 : i32
        %get3A_1849 = arith.index_cast %add3A_1848 : i32 to index
        %get3A_1850 = tpu.vector_load %arg7[%get3A_1849] {strides = array<i32>} : memref<512xf32, #tpu.memory_space<vmem>>, vector<16xf32>,
        %get3A_1851 = vector.shape_cast %get3A_1850 : vector<16xf32> to vector<16xf32>
        %mul3A_1852 = arith.mulf %get3A_1846, %get3A_1851 : vector<16xf32>
        %swap3A_1853 = arith.index_cast %add3A_1737 : i32 to index
        %swap3A_1854 = arith.constant 112 : index
        %swap3A_1855 = tpu.vector_load %arg9[%swap3A_1853, %swap3A_1854] {strides = array<i32>} : memref<80x144xf32, #tpu.memory_space<vmem>>, vector<1x16xf32>,
        %swap3A_1856 = vector.shape_cast %swap3A_1855 : vector<1x16xf32> to vector<16xf32>
        %swap3A_1857 = vector.shape_cast %mul3A_1852 : vector<16xf32> to vector<1x16xf32>
        tpu.vector_store %arg9[%swap3A_1853, %swap3A_1854], %swap3A_1857 {strides = array<i32>} : memref<80x144xf32, #tpu.memory_space<vmem>>, vector<1x16xf32>,
        %slice3A_1858 = vector.extract_strided_slice %mul3A_96 {offsets = [14], sizes = [1], strides = [1]} : vector<16xi32> to vector<1xi32>
        %squeeze3A_1859 = vector.extract %slice3A_1858[0] : i32 from vector<1xi32>
        %mul3A_1860 = arith.constant 16 : i32
        %mul3A_1861 = arith.muli %scan3A_84, %mul3A_1860 : i32
        %add3A_1862 = arith.constant 14 : i32
        %add3A_1863 = arith.addi %mul3A_1861, %add3A_1862 : i32
        %get3A_1864 = arith.index_cast %add3A_1863 : i32 to index
        %get3A_1865 = arith.constant 0 : index
        %get3A_1866 = tpu.vector_load %arg8[%get3A_1864, %get3A_1865] {strides = array<i32>} : memref<80x128xf32, #tpu.memory_space<vmem>>, vector<1x16xf32>,
        %get3A_1867 = vector.shape_cast %get3A_1866 : vector<1x16xf32> to vector<16xf32>
        %add3A_1868 = arith.constant 0 : i32
        %add3A_1869 = arith.addi %squeeze3A_1859, %add3A_1868 : i32
        %get3A_1870 = arith.index_cast %add3A_1869 : i32 to index
        %get3A_1871 = tpu.vector_load %arg7[%get3A_1870] {strides = array<i32>} : memref<512xf32, #tpu.memory_space<vmem>>, vector<16xf32>,
        %get3A_1872 = vector.shape_cast %get3A_1871 : vector<16xf32> to vector<16xf32>
        %mul3A_1873 = arith.mulf %get3A_1867, %get3A_1872 : vector<16xf32>
        %swap3A_1874 = arith.index_cast %add3A_1863 : i32 to index
        %swap3A_1875 = arith.constant 0 : index
        %swap3A_1876 = tpu.vector_load %arg9[%swap3A_1874, %swap3A_1875] {strides = array<i32>} : memref<80x144xf32, #tpu.memory_space<vmem>>, vector<1x16xf32>,
        %swap3A_1877 = vector.shape_cast %swap3A_1876 : vector<1x16xf32> to vector<16xf32>
        %swap3A_1878 = vector.shape_cast %mul3A_1873 : vector<16xf32> to vector<1x16xf32>
        tpu.vector_store %arg9[%swap3A_1874, %swap3A_1875], %swap3A_1878 {strides = array<i32>} : memref<80x144xf32, #tpu.memory_space<vmem>>, vector<1x16xf32>,
        %get3A_1879 = arith.index_cast %add3A_1863 : i32 to index
        %get3A_1880 = arith.constant 16 : index
        %get3A_1881 = tpu.vector_load %arg8[%get3A_1879, %get3A_1880] {strides = array<i32>} : memref<80x128xf32, #tpu.memory_space<vmem>>, vector<1x16xf32>,
        %get3A_1882 = vector.shape_cast %get3A_1881 : vector<1x16xf32> to vector<16xf32>
        %add3A_1883 = arith.constant 16 : i32
        %add3A_1884 = arith.addi %squeeze3A_1859, %add3A_1883 : i32
        %get3A_1885 = arith.index_cast %add3A_1884 : i32 to index
        %get3A_1886 = tpu.vector_load %arg7[%get3A_1885] {strides = array<i32>} : memref<512xf32, #tpu.memory_space<vmem>>, vector<16xf32>,
        %get3A_1887 = vector.shape_cast %get3A_1886 : vector<16xf32> to vector<16xf32>
        %mul3A_1888 = arith.mulf %get3A_1882, %get3A_1887 : vector<16xf32>
        %swap3A_1889 = arith.index_cast %add3A_1863 : i32 to index
        %swap3A_1890 = arith.constant 16 : index
        %swap3A_1891 = tpu.vector_load %arg9[%swap3A_1889, %swap3A_1890] {strides = array<i32>} : memref<80x144xf32, #tpu.memory_space<vmem>>, vector<1x16xf32>,
        %swap3A_1892 = vector.shape_cast %swap3A_1891 : vector<1x16xf32> to vector<16xf32>
        %swap3A_1893 = vector.shape_cast %mul3A_1888 : vector<16xf32> to vector<1x16xf32>
        tpu.vector_store %arg9[%swap3A_1889, %swap3A_1890], %swap3A_1893 {strides = array<i32>} : memref<80x144xf32, #tpu.memory_space<vmem>>, vector<1x16xf32>,
        %get3A_1894 = arith.index_cast %add3A_1863 : i32 to index
        %get3A_1895 = arith.constant 32 : index
        %get3A_1896 = tpu.vector_load %arg8[%get3A_1894, %get3A_1895] {strides = array<i32>} : memref<80x128xf32, #tpu.memory_space<vmem>>, vector<1x16xf32>,
        %get3A_1897 = vector.shape_cast %get3A_1896 : vector<1x16xf32> to vector<16xf32>
        %add3A_1898 = arith.constant 32 : i32
        %add3A_1899 = arith.addi %squeeze3A_1859, %add3A_1898 : i32
        %get3A_1900 = arith.index_cast %add3A_1899 : i32 to index
        %get3A_1901 = tpu.vector_load %arg7[%get3A_1900] {strides = array<i32>} : memref<512xf32, #tpu.memory_space<vmem>>, vector<16xf32>,
        %get3A_1902 = vector.shape_cast %get3A_1901 : vector<16xf32> to vector<16xf32>
        %mul3A_1903 = arith.mulf %get3A_1897, %get3A_1902 : vector<16xf32>
        %swap3A_1904 = arith.index_cast %add3A_1863 : i32 to index
        %swap3A_1905 = arith.constant 32 : index
        %swap3A_1906 = tpu.vector_load %arg9[%swap3A_1904, %swap3A_1905] {strides = array<i32>} : memref<80x144xf32, #tpu.memory_space<vmem>>, vector<1x16xf32>,
        %swap3A_1907 = vector.shape_cast %swap3A_1906 : vector<1x16xf32> to vector<16xf32>
        %swap3A_1908 = vector.shape_cast %mul3A_1903 : vector<16xf32> to vector<1x16xf32>
        tpu.vector_store %arg9[%swap3A_1904, %swap3A_1905], %swap3A_1908 {strides = array<i32>} : memref<80x144xf32, #tpu.memory_space<vmem>>, vector<1x16xf32>,
        %get3A_1909 = arith.index_cast %add3A_1863 : i32 to index
        %get3A_1910 = arith.constant 48 : index
        %get3A_1911 = tpu.vector_load %arg8[%get3A_1909, %get3A_1910] {strides = array<i32>} : memref<80x128xf32, #tpu.memory_space<vmem>>, vector<1x16xf32>,
        %get3A_1912 = vector.shape_cast %get3A_1911 : vector<1x16xf32> to vector<16xf32>
        %add3A_1913 = arith.constant 48 : i32
        %add3A_1914 = arith.addi %squeeze3A_1859, %add3A_1913 : i32
        %get3A_1915 = arith.index_cast %add3A_1914 : i32 to index
        %get3A_1916 = tpu.vector_load %arg7[%get3A_1915] {strides = array<i32>} : memref<512xf32, #tpu.memory_space<vmem>>, vector<16xf32>,
        %get3A_1917 = vector.shape_cast %get3A_1916 : vector<16xf32> to vector<16xf32>
        %mul3A_1918 = arith.mulf %get3A_1912, %get3A_1917 : vector<16xf32>
        %swap3A_1919 = arith.index_cast %add3A_1863 : i32 to index
        %swap3A_1920 = arith.constant 48 : index
        %swap3A_1921 = tpu.vector_load %arg9[%swap3A_1919, %swap3A_1920] {strides = array<i32>} : memref<80x144xf32, #tpu.memory_space<vmem>>, vector<1x16xf32>,
        %swap3A_1922 = vector.shape_cast %swap3A_1921 : vector<1x16xf32> to vector<16xf32>
        %swap3A_1923 = vector.shape_cast %mul3A_1918 : vector<16xf32> to vector<1x16xf32>
        tpu.vector_store %arg9[%swap3A_1919, %swap3A_1920], %swap3A_1923 {strides = array<i32>} : memref<80x144xf32, #tpu.memory_space<vmem>>, vector<1x16xf32>,
        %get3A_1924 = arith.index_cast %add3A_1863 : i32 to index
        %get3A_1925 = arith.constant 64 : index
        %get3A_1926 = tpu.vector_load %arg8[%get3A_1924, %get3A_1925] {strides = array<i32>} : memref<80x128xf32, #tpu.memory_space<vmem>>, vector<1x16xf32>,
        %get3A_1927 = vector.shape_cast %get3A_1926 : vector<1x16xf32> to vector<16xf32>
        %add3A_1928 = arith.constant 64 : i32
        %add3A_1929 = arith.addi %squeeze3A_1859, %add3A_1928 : i32
        %get3A_1930 = arith.index_cast %add3A_1929 : i32 to index
        %get3A_1931 = tpu.vector_load %arg7[%get3A_1930] {strides = array<i32>} : memref<512xf32, #tpu.memory_space<vmem>>, vector<16xf32>,
        %get3A_1932 = vector.shape_cast %get3A_1931 : vector<16xf32> to vector<16xf32>
        %mul3A_1933 = arith.mulf %get3A_1927, %get3A_1932 : vector<16xf32>
        %swap3A_1934 = arith.index_cast %add3A_1863 : i32 to index
        %swap3A_1935 = arith.constant 64 : index
        %swap3A_1936 = tpu.vector_load %arg9[%swap3A_1934, %swap3A_1935] {strides = array<i32>} : memref<80x144xf32, #tpu.memory_space<vmem>>, vector<1x16xf32>,
        %swap3A_1937 = vector.shape_cast %swap3A_1936 : vector<1x16xf32> to vector<16xf32>
        %swap3A_1938 = vector.shape_cast %mul3A_1933 : vector<16xf32> to vector<1x16xf32>
        tpu.vector_store %arg9[%swap3A_1934, %swap3A_1935], %swap3A_1938 {strides = array<i32>} : memref<80x144xf32, #tpu.memory_space<vmem>>, vector<1x16xf32>,
        %get3A_1939 = arith.index_cast %add3A_1863 : i32 to index
        %get3A_1940 = arith.constant 80 : index
        %get3A_1941 = tpu.vector_load %arg8[%get3A_1939, %get3A_1940] {strides = array<i32>} : memref<80x128xf32, #tpu.memory_space<vmem>>, vector<1x16xf32>,
        %get3A_1942 = vector.shape_cast %get3A_1941 : vector<1x16xf32> to vector<16xf32>
        %add3A_1943 = arith.constant 80 : i32
        %add3A_1944 = arith.addi %squeeze3A_1859, %add3A_1943 : i32
        %get3A_1945 = arith.index_cast %add3A_1944 : i32 to index
        %get3A_1946 = tpu.vector_load %arg7[%get3A_1945] {strides = array<i32>} : memref<512xf32, #tpu.memory_space<vmem>>, vector<16xf32>,
        %get3A_1947 = vector.shape_cast %get3A_1946 : vector<16xf32> to vector<16xf32>
        %mul3A_1948 = arith.mulf %get3A_1942, %get3A_1947 : vector<16xf32>
        %swap3A_1949 = arith.index_cast %add3A_1863 : i32 to index
        %swap3A_1950 = arith.constant 80 : index
        %swap3A_1951 = tpu.vector_load %arg9[%swap3A_1949, %swap3A_1950] {strides = array<i32>} : memref<80x144xf32, #tpu.memory_space<vmem>>, vector<1x16xf32>,
        %swap3A_1952 = vector.shape_cast %swap3A_1951 : vector<1x16xf32> to vector<16xf32>
        %swap3A_1953 = vector.shape_cast %mul3A_1948 : vector<16xf32> to vector<1x16xf32>
        tpu.vector_store %arg9[%swap3A_1949, %swap3A_1950], %swap3A_1953 {strides = array<i32>} : memref<80x144xf32, #tpu.memory_space<vmem>>, vector<1x16xf32>,
        %get3A_1954 = arith.index_cast %add3A_1863 : i32 to index
        %get3A_1955 = arith.constant 96 : index
        %get3A_1956 = tpu.vector_load %arg8[%get3A_1954, %get3A_1955] {strides = array<i32>} : memref<80x128xf32, #tpu.memory_space<vmem>>, vector<1x16xf32>,
        %get3A_1957 = vector.shape_cast %get3A_1956 : vector<1x16xf32> to vector<16xf32>
        %add3A_1958 = arith.constant 96 : i32
        %add3A_1959 = arith.addi %squeeze3A_1859, %add3A_1958 : i32
        %get3A_1960 = arith.index_cast %add3A_1959 : i32 to index
        %get3A_1961 = tpu.vector_load %arg7[%get3A_1960] {strides = array<i32>} : memref<512xf32, #tpu.memory_space<vmem>>, vector<16xf32>,
        %get3A_1962 = vector.shape_cast %get3A_1961 : vector<16xf32> to vector<16xf32>
        %mul3A_1963 = arith.mulf %get3A_1957, %get3A_1962 : vector<16xf32>
        %swap3A_1964 = arith.index_cast %add3A_1863 : i32 to index
        %swap3A_1965 = arith.constant 96 : index
        %swap3A_1966 = tpu.vector_load %arg9[%swap3A_1964, %swap3A_1965] {strides = array<i32>} : memref<80x144xf32, #tpu.memory_space<vmem>>, vector<1x16xf32>,
        %swap3A_1967 = vector.shape_cast %swap3A_1966 : vector<1x16xf32> to vector<16xf32>
        %swap3A_1968 = vector.shape_cast %mul3A_1963 : vector<16xf32> to vector<1x16xf32>
        tpu.vector_store %arg9[%swap3A_1964, %swap3A_1965], %swap3A_1968 {strides = array<i32>} : memref<80x144xf32, #tpu.memory_space<vmem>>, vector<1x16xf32>,
        %get3A_1969 = arith.index_cast %add3A_1863 : i32 to index
        %get3A_1970 = arith.constant 112 : index
        %get3A_1971 = tpu.vector_load %arg8[%get3A_1969, %get3A_1970] {strides = array<i32>} : memref<80x128xf32, #tpu.memory_space<vmem>>, vector<1x16xf32>,
        %get3A_1972 = vector.shape_cast %get3A_1971 : vector<1x16xf32> to vector<16xf32>
        %add3A_1973 = arith.constant 112 : i32
        %add3A_1974 = arith.addi %squeeze3A_1859, %add3A_1973 : i32
        %get3A_1975 = arith.index_cast %add3A_1974 : i32 to index
        %get3A_1976 = tpu.vector_load %arg7[%get3A_1975] {strides = array<i32>} : memref<512xf32, #tpu.memory_space<vmem>>, vector<16xf32>,
        %get3A_1977 = vector.shape_cast %get3A_1976 : vector<16xf32> to vector<16xf32>
        %mul3A_1978 = arith.mulf %get3A_1972, %get3A_1977 : vector<16xf32>
        %swap3A_1979 = arith.index_cast %add3A_1863 : i32 to index
        %swap3A_1980 = arith.constant 112 : index
        %swap3A_1981 = tpu.vector_load %arg9[%swap3A_1979, %swap3A_1980] {strides = array<i32>} : memref<80x144xf32, #tpu.memory_space<vmem>>, vector<1x16xf32>,
        %swap3A_1982 = vector.shape_cast %swap3A_1981 : vector<1x16xf32> to vector<16xf32>
        %swap3A_1983 = vector.shape_cast %mul3A_1978 : vector<16xf32> to vector<1x16xf32>
        tpu.vector_store %arg9[%swap3A_1979, %swap3A_1980], %swap3A_1983 {strides = array<i32>} : memref<80x144xf32, #tpu.memory_space<vmem>>, vector<1x16xf32>,
        %slice3A_1984 = vector.extract_strided_slice %mul3A_96 {offsets = [15], sizes = [1], strides = [1]} : vector<16xi32> to vector<1xi32>
        %squeeze3A_1985 = vector.extract %slice3A_1984[0] : i32 from vector<1xi32>
        %mul3A_1986 = arith.constant 16 : i32
        %mul3A_1987 = arith.muli %scan3A_84, %mul3A_1986 : i32
        %add3A_1988 = arith.constant 15 : i32
        %add3A_1989 = arith.addi %mul3A_1987, %add3A_1988 : i32
        %get3A_1990 = arith.index_cast %add3A_1989 : i32 to index
        %get3A_1991 = arith.constant 0 : index
        %get3A_1992 = tpu.vector_load %arg8[%get3A_1990, %get3A_1991] {strides = array<i32>} : memref<80x128xf32, #tpu.memory_space<vmem>>, vector<1x16xf32>,
        %get3A_1993 = vector.shape_cast %get3A_1992 : vector<1x16xf32> to vector<16xf32>
        %add3A_1994 = arith.constant 0 : i32
        %add3A_1995 = arith.addi %squeeze3A_1985, %add3A_1994 : i32
        %get3A_1996 = arith.index_cast %add3A_1995 : i32 to index
        %get3A_1997 = tpu.vector_load %arg7[%get3A_1996] {strides = array<i32>} : memref<512xf32, #tpu.memory_space<vmem>>, vector<16xf32>,
        %get3A_1998 = vector.shape_cast %get3A_1997 : vector<16xf32> to vector<16xf32>
        %mul3A_1999 = arith.mulf %get3A_1993, %get3A_1998 : vector<16xf32>
        %swap3A_2000 = arith.index_cast %add3A_1989 : i32 to index
        %swap3A_2001 = arith.constant 0 : index
        %swap3A_2002 = tpu.vector_load %arg9[%swap3A_2000, %swap3A_2001] {strides = array<i32>} : memref<80x144xf32, #tpu.memory_space<vmem>>, vector<1x16xf32>,
        %swap3A_2003 = vector.shape_cast %swap3A_2002 : vector<1x16xf32> to vector<16xf32>
        %swap3A_2004 = vector.shape_cast %mul3A_1999 : vector<16xf32> to vector<1x16xf32>
        tpu.vector_store %arg9[%swap3A_2000, %swap3A_2001], %swap3A_2004 {strides = array<i32>} : memref<80x144xf32, #tpu.memory_space<vmem>>, vector<1x16xf32>,
        %get3A_2005 = arith.index_cast %add3A_1989 : i32 to index
        %get3A_2006 = arith.constant 16 : index
        %get3A_2007 = tpu.vector_load %arg8[%get3A_2005, %get3A_2006] {strides = array<i32>} : memref<80x128xf32, #tpu.memory_space<vmem>>, vector<1x16xf32>,
        %get3A_2008 = vector.shape_cast %get3A_2007 : vector<1x16xf32> to vector<16xf32>
        %add3A_2009 = arith.constant 16 : i32
        %add3A_2010 = arith.addi %squeeze3A_1985, %add3A_2009 : i32
        %get3A_2011 = arith.index_cast %add3A_2010 : i32 to index
        %get3A_2012 = tpu.vector_load %arg7[%get3A_2011] {strides = array<i32>} : memref<512xf32, #tpu.memory_space<vmem>>, vector<16xf32>,
        %get3A_2013 = vector.shape_cast %get3A_2012 : vector<16xf32> to vector<16xf32>
        %mul3A_2014 = arith.mulf %get3A_2008, %get3A_2013 : vector<16xf32>
        %swap3A_2015 = arith.index_cast %add3A_1989 : i32 to index
        %swap3A_2016 = arith.constant 16 : index
        %swap3A_2017 = tpu.vector_load %arg9[%swap3A_2015, %swap3A_2016] {strides = array<i32>} : memref<80x144xf32, #tpu.memory_space<vmem>>, vector<1x16xf32>,
        %swap3A_2018 = vector.shape_cast %swap3A_2017 : vector<1x16xf32> to vector<16xf32>
        %swap3A_2019 = vector.shape_cast %mul3A_2014 : vector<16xf32> to vector<1x16xf32>
        tpu.vector_store %arg9[%swap3A_2015, %swap3A_2016], %swap3A_2019 {strides = array<i32>} : memref<80x144xf32, #tpu.memory_space<vmem>>, vector<1x16xf32>,
        %get3A_2020 = arith.index_cast %add3A_1989 : i32 to index
        %get3A_2021 = arith.constant 32 : index
        %get3A_2022 = tpu.vector_load %arg8[%get3A_2020, %get3A_2021] {strides = array<i32>} : memref<80x128xf32, #tpu.memory_space<vmem>>, vector<1x16xf32>,
        %get3A_2023 = vector.shape_cast %get3A_2022 : vector<1x16xf32> to vector<16xf32>
        %add3A_2024 = arith.constant 32 : i32
        %add3A_2025 = arith.addi %squeeze3A_1985, %add3A_2024 : i32
        %get3A_2026 = arith.index_cast %add3A_2025 : i32 to index
        %get3A_2027 = tpu.vector_load %arg7[%get3A_2026] {strides = array<i32>} : memref<512xf32, #tpu.memory_space<vmem>>, vector<16xf32>,
        %get3A_2028 = vector.shape_cast %get3A_2027 : vector<16xf32> to vector<16xf32>
        %mul3A_2029 = arith.mulf %get3A_2023, %get3A_2028 : vector<16xf32>
        %swap3A_2030 = arith.index_cast %add3A_1989 : i32 to index
        %swap3A_2031 = arith.constant 32 : index
        %swap3A_2032 = tpu.vector_load %arg9[%swap3A_2030, %swap3A_2031] {strides = array<i32>} : memref<80x144xf32, #tpu.memory_space<vmem>>, vector<1x16xf32>,
        %swap3A_2033 = vector.shape_cast %swap3A_2032 : vector<1x16xf32> to vector<16xf32>
        %swap3A_2034 = vector.shape_cast %mul3A_2029 : vector<16xf32> to vector<1x16xf32>
        tpu.vector_store %arg9[%swap3A_2030, %swap3A_2031], %swap3A_2034 {strides = array<i32>} : memref<80x144xf32, #tpu.memory_space<vmem>>, vector<1x16xf32>,
        %get3A_2035 = arith.index_cast %add3A_1989 : i32 to index
        %get3A_2036 = arith.constant 48 : index
        %get3A_2037 = tpu.vector_load %arg8[%get3A_2035, %get3A_2036] {strides = array<i32>} : memref<80x128xf32, #tpu.memory_space<vmem>>, vector<1x16xf32>,
        %get3A_2038 = vector.shape_cast %get3A_2037 : vector<1x16xf32> to vector<16xf32>
        %add3A_2039 = arith.constant 48 : i32
        %add3A_2040 = arith.addi %squeeze3A_1985, %add3A_2039 : i32
        %get3A_2041 = arith.index_cast %add3A_2040 : i32 to index
        %get3A_2042 = tpu.vector_load %arg7[%get3A_2041] {strides = array<i32>} : memref<512xf32, #tpu.memory_space<vmem>>, vector<16xf32>,
        %get3A_2043 = vector.shape_cast %get3A_2042 : vector<16xf32> to vector<16xf32>
        %mul3A_2044 = arith.mulf %get3A_2038, %get3A_2043 : vector<16xf32>
        %swap3A_2045 = arith.index_cast %add3A_1989 : i32 to index
        %swap3A_2046 = arith.constant 48 : index
        %swap3A_2047 = tpu.vector_load %arg9[%swap3A_2045, %swap3A_2046] {strides = array<i32>} : memref<80x144xf32, #tpu.memory_space<vmem>>, vector<1x16xf32>,
        %swap3A_2048 = vector.shape_cast %swap3A_2047 : vector<1x16xf32> to vector<16xf32>
        %swap3A_2049 = vector.shape_cast %mul3A_2044 : vector<16xf32> to vector<1x16xf32>
        tpu.vector_store %arg9[%swap3A_2045, %swap3A_2046], %swap3A_2049 {strides = array<i32>} : memref<80x144xf32, #tpu.memory_space<vmem>>, vector<1x16xf32>,
        %get3A_2050 = arith.index_cast %add3A_1989 : i32 to index
        %get3A_2051 = arith.constant 64 : index
        %get3A_2052 = tpu.vector_load %arg8[%get3A_2050, %get3A_2051] {strides = array<i32>} : memref<80x128xf32, #tpu.memory_space<vmem>>, vector<1x16xf32>,
        %get3A_2053 = vector.shape_cast %get3A_2052 : vector<1x16xf32> to vector<16xf32>
        %add3A_2054 = arith.constant 64 : i32
        %add3A_2055 = arith.addi %squeeze3A_1985, %add3A_2054 : i32
        %get3A_2056 = arith.index_cast %add3A_2055 : i32 to index
        %get3A_2057 = tpu.vector_load %arg7[%get3A_2056] {strides = array<i32>} : memref<512xf32, #tpu.memory_space<vmem>>, vector<16xf32>,
        %get3A_2058 = vector.shape_cast %get3A_2057 : vector<16xf32> to vector<16xf32>
        %mul3A_2059 = arith.mulf %get3A_2053, %get3A_2058 : vector<16xf32>
        %swap3A_2060 = arith.index_cast %add3A_1989 : i32 to index
        %swap3A_2061 = arith.constant 64 : index
        %swap3A_2062 = tpu.vector_load %arg9[%swap3A_2060, %swap3A_2061] {strides = array<i32>} : memref<80x144xf32, #tpu.memory_space<vmem>>, vector<1x16xf32>,
        %swap3A_2063 = vector.shape_cast %swap3A_2062 : vector<1x16xf32> to vector<16xf32>
        %swap3A_2064 = vector.shape_cast %mul3A_2059 : vector<16xf32> to vector<1x16xf32>
        tpu.vector_store %arg9[%swap3A_2060, %swap3A_2061], %swap3A_2064 {strides = array<i32>} : memref<80x144xf32, #tpu.memory_space<vmem>>, vector<1x16xf32>,
        %get3A_2065 = arith.index_cast %add3A_1989 : i32 to index
        %get3A_2066 = arith.constant 80 : index
        %get3A_2067 = tpu.vector_load %arg8[%get3A_2065, %get3A_2066] {strides = array<i32>} : memref<80x128xf32, #tpu.memory_space<vmem>>, vector<1x16xf32>,
        %get3A_2068 = vector.shape_cast %get3A_2067 : vector<1x16xf32> to vector<16xf32>
        %add3A_2069 = arith.constant 80 : i32
        %add3A_2070 = arith.addi %squeeze3A_1985, %add3A_2069 : i32
        %get3A_2071 = arith.index_cast %add3A_2070 : i32 to index
        %get3A_2072 = tpu.vector_load %arg7[%get3A_2071] {strides = array<i32>} : memref<512xf32, #tpu.memory_space<vmem>>, vector<16xf32>,
        %get3A_2073 = vector.shape_cast %get3A_2072 : vector<16xf32> to vector<16xf32>
        %mul3A_2074 = arith.mulf %get3A_2068, %get3A_2073 : vector<16xf32>
        %swap3A_2075 = arith.index_cast %add3A_1989 : i32 to index
        %swap3A_2076 = arith.constant 80 : index
        %swap3A_2077 = tpu.vector_load %arg9[%swap3A_2075, %swap3A_2076] {strides = array<i32>} : memref<80x144xf32, #tpu.memory_space<vmem>>, vector<1x16xf32>,
        %swap3A_2078 = vector.shape_cast %swap3A_2077 : vector<1x16xf32> to vector<16xf32>
        %swap3A_2079 = vector.shape_cast %mul3A_2074 : vector<16xf32> to vector<1x16xf32>
        tpu.vector_store %arg9[%swap3A_2075, %swap3A_2076], %swap3A_2079 {strides = array<i32>} : memref<80x144xf32, #tpu.memory_space<vmem>>, vector<1x16xf32>,
        %get3A_2080 = arith.index_cast %add3A_1989 : i32 to index
        %get3A_2081 = arith.constant 96 : index
        %get3A_2082 = tpu.vector_load %arg8[%get3A_2080, %get3A_2081] {strides = array<i32>} : memref<80x128xf32, #tpu.memory_space<vmem>>, vector<1x16xf32>,
        %get3A_2083 = vector.shape_cast %get3A_2082 : vector<1x16xf32> to vector<16xf32>
        %add3A_2084 = arith.constant 96 : i32
        %add3A_2085 = arith.addi %squeeze3A_1985, %add3A_2084 : i32
        %get3A_2086 = arith.index_cast %add3A_2085 : i32 to index
        %get3A_2087 = tpu.vector_load %arg7[%get3A_2086] {strides = array<i32>} : memref<512xf32, #tpu.memory_space<vmem>>, vector<16xf32>,
        %get3A_2088 = vector.shape_cast %get3A_2087 : vector<16xf32> to vector<16xf32>
        %mul3A_2089 = arith.mulf %get3A_2083, %get3A_2088 : vector<16xf32>
        %swap3A_2090 = arith.index_cast %add3A_1989 : i32 to index
        %swap3A_2091 = arith.constant 96 : index
        %swap3A_2092 = tpu.vector_load %arg9[%swap3A_2090, %swap3A_2091] {strides = array<i32>} : memref<80x144xf32, #tpu.memory_space<vmem>>, vector<1x16xf32>,
        %swap3A_2093 = vector.shape_cast %swap3A_2092 : vector<1x16xf32> to vector<16xf32>
        %swap3A_2094 = vector.shape_cast %mul3A_2089 : vector<16xf32> to vector<1x16xf32>
        tpu.vector_store %arg9[%swap3A_2090, %swap3A_2091], %swap3A_2094 {strides = array<i32>} : memref<80x144xf32, #tpu.memory_space<vmem>>, vector<1x16xf32>,
        %get3A_2095 = arith.index_cast %add3A_1989 : i32 to index
        %get3A_2096 = arith.constant 112 : index
        %get3A_2097 = tpu.vector_load %arg8[%get3A_2095, %get3A_2096] {strides = array<i32>} : memref<80x128xf32, #tpu.memory_space<vmem>>, vector<1x16xf32>,
        %get3A_2098 = vector.shape_cast %get3A_2097 : vector<1x16xf32> to vector<16xf32>
        %add3A_2099 = arith.constant 112 : i32
        %add3A_2100 = arith.addi %squeeze3A_1985, %add3A_2099 : i32
        %get3A_2101 = arith.index_cast %add3A_2100 : i32 to index
        %get3A_2102 = tpu.vector_load %arg7[%get3A_2101] {strides = array<i32>} : memref<512xf32, #tpu.memory_space<vmem>>, vector<16xf32>,
        %get3A_2103 = vector.shape_cast %get3A_2102 : vector<16xf32> to vector<16xf32>
        %mul3A_2104 = arith.mulf %get3A_2098, %get3A_2103 : vector<16xf32>
        %swap3A_2105 = arith.index_cast %add3A_1989 : i32 to index
        %swap3A_2106 = arith.constant 112 : index
        %swap3A_2107 = tpu.vector_load %arg9[%swap3A_2105, %swap3A_2106] {strides = array<i32>} : memref<80x144xf32, #tpu.memory_space<vmem>>, vector<1x16xf32>,
        %swap3A_2108 = vector.shape_cast %swap3A_2107 : vector<1x16xf32> to vector<16xf32>
        %swap3A_2109 = vector.shape_cast %mul3A_2104 : vector<16xf32> to vector<1x16xf32>
        tpu.vector_store %arg9[%swap3A_2105, %swap3A_2106], %swap3A_2109 {strides = array<i32>} : memref<80x144xf32, #tpu.memory_space<vmem>>, vector<1x16xf32>,
      }
      %scan3A_82 = arith.constant 5 : i32
      "tpu.region"() ({
        %run_scoped3A = tpu.sem_alloc : memref<!tpu.dma_semaphore, #tpu.memory_space<semaphore_mem>>
        %dma_start3A_84 = arith.constant 0 : i32
        %dma_start3A_85 = arith.constant 0 : i32
        %dma_start3A_86 = tpu.memref_slice %arg12[%dma_start3A_84, %dma_start3A_85] : memref<10000x144xf32, #tpu.memory_space<vmem_shared>> -> memref<10000x144xf32, #tpu.memory_space<vmem_shared>>
        tpu.enqueue_indirect_dma source(%arg9 : memref<80x144xf32, #tpu.memory_space<vmem>>) target(%dma_start3A_86 : memref<10000x144xf32, #tpu.memory_space<vmem_shared>>) offsets(%arg11 : memref<80xi32, #tpu.memory_space<vmem>>) semaphore(%run_scoped3A : memref<!tpu.dma_semaphore, #tpu.memory_space<semaphore_mem>>) {add = true}
        %dma_wait3A_87 = arith.constant 0 : i32
        %dma_wait3A_88 = arith.constant 0 : i32
        %dma_wait3A_89 = tpu.memref_slice %arg12[%dma_wait3A_87, %dma_wait3A_88] : memref<10000x144xf32, #tpu.memory_space<vmem_shared>> -> memref<10000x144xf32, #tpu.memory_space<vmem_shared>>
        tpu.wait_indirect_dma semaphore(%run_scoped3A : memref<!tpu.dma_semaphore, #tpu.memory_space<semaphore_mem>>) src(%arg9 : memref<80x144xf32, #tpu.memory_space<vmem>>) dst(%dma_wait3A_89 : memref<10000x144xf32, #tpu.memory_space<vmem_shared>>)
        tpu.yield
      }) : () -> ()
      %scan3A_83 = arith.constant 0 : i32
      scf.yield %scan3A_83 : i32
    }
    %scan3A_59 = arith.constant 125 : i32
    %barrier3A_60 = arith.constant 0 : index
    tpu.barrier barrier_id(%barrier3A_60)
    %mul3A_61 = arith.constant 625 : i32
    %mul3A_62 = arith.muli %arg1, %mul3A_61 : i32
    %mul3A_63 = arith.constant 625 : i32
    %mul3A_64 = arith.muli %arg1, %mul3A_63 : i32
    "tpu.region"() ({
      %run_scoped3A = tpu.sem_alloc : memref<!tpu.dma_semaphore, #tpu.memory_space<semaphore_mem>>
      %dma_start3A = arith.constant 0 : i32
      %dma_start3A_65 = tpu.memref_slice %arg5[%arg0, %mul3A_64, %dma_start3A] : memref<2x10000x144xf32, #tpu.memory_space<hbm>> -> memref<1x625x144xf32, #tpu.memory_space<hbm>>
      %dma_start3A_66 = tpu.memref_squeeze %dma_start3A_65 : memref<1x625x144xf32, #tpu.memory_space<hbm>> -> memref<625x144xf32, #tpu.memory_space<hbm>>
      %dma_start3A_67 = arith.constant 0 : i32
      %dma_start3A_68 = tpu.memref_slice %arg12[%mul3A_62, %dma_start3A_67] : memref<10000x144xf32, #tpu.memory_space<vmem_shared>> -> memref<625x144xf32, #tpu.memory_space<vmem_shared>>
      tpu.enqueue_dma source(%dma_start3A_68 : memref<625x144xf32, #tpu.memory_space<vmem_shared>>) target(%dma_start3A_66 : memref<625x144xf32, #tpu.memory_space<hbm>>) target_semaphore(%run_scoped3A : memref<!tpu.dma_semaphore, #tpu.memory_space<semaphore_mem>>)
      %dma_wait3A = arith.constant 0 : i32
      %dma_wait3A_69 = tpu.memref_slice %arg5[%arg0, %mul3A_64, %dma_wait3A] : memref<2x10000x144xf32, #tpu.memory_space<hbm>> -> memref<1x625x144xf32, #tpu.memory_space<hbm>>
      %dma_wait3A_70 = tpu.memref_squeeze %dma_wait3A_69 : memref<1x625x144xf32, #tpu.memory_space<hbm>> -> memref<625x144xf32, #tpu.memory_space<hbm>>
      %dma_wait3A_71 = arith.constant 0 : i32
      %dma_wait3A_72 = tpu.memref_slice %arg12[%mul3A_62, %dma_wait3A_71] : memref<10000x144xf32, #tpu.memory_space<vmem_shared>> -> memref<625x144xf32, #tpu.memory_space<vmem_shared>>
      tpu.wait_dma2 semaphore(%run_scoped3A : memref<!tpu.dma_semaphore, #tpu.memory_space<semaphore_mem>>) src(%dma_wait3A_72 : memref<625x144xf32, #tpu.memory_space<vmem_shared>>) dst(%dma_wait3A_70 : memref<625x144xf32, #tpu.memory_space<hbm>>)
      tpu.yield
    }) : () -> ()
    return
  }
}

module attributes {stable_mosaic.version = 14 : i64} {
  func.func @_user_body(%arg0: i32, %arg1: memref<256x10000xf32, #tpu.memory_space<vmem>>, %arg2: memref<10000x128xf32, #tpu.memory_space<vmem>>, %arg3: memref<256x128xf32, #tpu.memory_space<vmem>>, %arg4: memref<4x128xf32, #tpu.memory_space<vmem>>, %arg5: memref<4x128xf32, #tpu.memory_space<vmem>>, %arg6: memref<4x4xf32, #tpu.memory_space<vmem>>, %arg7: memref<256x128xf32, #tpu.memory_space<vmem>>) attributes {dimension_semantics = [#tpu.dimension_semantics<arbitrary>], iteration_bounds = array<i64: 16>, scalar_prefetch = 0 : i64, scratch_operands = 0 : i64, tpu.core_type = #tpu.core_type<tc>, window_params = [{transform_indices = @transform_0, window_bounds = array<i64: 256, 10000>}, {pipeline_mode = #tpu.pipeline_mode<synchronous>, transform_indices = @transform_1, window_bounds = array<i64: 10000, 128>}, {transform_indices = @transform_2, window_bounds = array<i64: 256, 128>}, {pipeline_mode = #tpu.pipeline_mode<synchronous>, transform_indices = @transform_3, window_bounds = array<i64: 4, 128>}, {pipeline_mode = #tpu.pipeline_mode<synchronous>, transform_indices = @transform_4, window_bounds = array<i64: 4, 128>}, {pipeline_mode = #tpu.pipeline_mode<synchronous>, transform_indices = @transform_5, window_bounds = array<i64: 4, 4>}, {transform_indices = @transform_6, window_bounds = array<i64: 256, 128>}]} {
    %get3A = arith.constant 0 : index
    %get3A_0 = arith.constant 0 : index
    %get3A_1 = vector.load %arg1[%get3A, %get3A_0] : memref<256x10000xf32, #tpu.memory_space<vmem>>, vector<256x10000xf32>
    %get3A_2 = arith.constant 0 : index
    %get3A_3 = arith.constant 0 : index
    %get3A_4 = vector.load %arg2[%get3A_2, %get3A_3] : memref<10000x128xf32, #tpu.memory_space<vmem>>, vector<10000x128xf32>
    %dot_general3A = arith.constant dense<0.000000e+00> : vector<256x128xf32>
    %dot_general3A_5 = tpu.matmul %get3A_1, %get3A_4, %dot_general3A {dimension_numbers = #tpu.dot_dimension_numbers<[1], [0], [0], [1], [0, 0, 1, 1], [], []>, transpose_lhs_hint = false} : vector<256x10000xf32>, vector<10000x128xf32>, vector<256x128xf32> -> vector<256x128xf32>
    %get3A_6 = arith.constant 0 : index
    %get3A_7 = arith.constant 0 : index
    %get3A_8 = vector.load %arg3[%get3A_6, %get3A_7] : memref<256x128xf32, #tpu.memory_space<vmem>>, vector<256x128xf32>
    %get3A_9 = arith.constant 0 : index
    %get3A_10 = arith.constant 0 : index
    %get3A_11 = vector.load %arg4[%get3A_9, %get3A_10] : memref<4x128xf32, #tpu.memory_space<vmem>>, vector<4x128xf32>
    %dot_general3A_12 = arith.constant dense<0.000000e+00> : vector<256x4xf32>
    %dot_general3A_13 = tpu.matmul %get3A_8, %get3A_11, %dot_general3A_12 {dimension_numbers = #tpu.dot_dimension_numbers<[1], [1], [0], [0], [0, 0, 1, 0], [], []>, transpose_lhs_hint = false} : vector<256x128xf32>, vector<4x128xf32>, vector<256x4xf32> -> vector<256x4xf32>
    %reduce_max3A = arith.constant dense<0xFF800000> : vector<256xf32>
    %reduce_max3A_14 = vector.multi_reduction <maximumf>, %dot_general3A_13, %reduce_max3A [1] : vector<256x4xf32> to vector<256xf32>
    %max3A = arith.constant 0xFF800000 : f32
    %max3A_15 = vector.broadcast %max3A : f32 to vector<256xf32>
    %max3A_16 = arith.maximumf %max3A_15, %reduce_max3A_14 : vector<256xf32>
    %broadcast_in_dim3A = vector.shape_cast %max3A_16 : vector<256xf32> to vector<256x1xf32>
    %sub3A = vector.broadcast %broadcast_in_dim3A : vector<256x1xf32> to vector<256x4xf32>
    %sub3A_17 = arith.subf %dot_general3A_13, %sub3A : vector<256x4xf32>
    %exp3A = math.exp %sub3A_17 : vector<256x4xf32>
    %reduce_sum3A = arith.constant dense<0.000000e+00> : vector<256xf32>
    %reduce_sum3A_18 = vector.multi_reduction <add>, %exp3A, %reduce_sum3A [1] : vector<256x4xf32> to vector<256xf32>
    %broadcast_in_dim3A_19 = vector.shape_cast %reduce_sum3A_18 : vector<256xf32> to vector<256x1xf32>
    %div3A = vector.broadcast %broadcast_in_dim3A_19 : vector<256x1xf32> to vector<256x4xf32>
    %div3A_20 = arith.divf %exp3A, %div3A : vector<256x4xf32>
    %get3A_21 = arith.constant 0 : index
    %get3A_22 = arith.constant 0 : index
    %get3A_23 = vector.load %arg6[%get3A_21, %get3A_22] : memref<4x4xf32, #tpu.memory_space<vmem>>, vector<4x4xf32>
    %reduce_max3A_24 = arith.constant dense<0xFF800000> : vector<4xf32>
    %reduce_max3A_25 = vector.multi_reduction <maximumf>, %get3A_23, %reduce_max3A_24 [1] : vector<4x4xf32> to vector<4xf32>
    %max3A_26 = arith.constant 0xFF800000 : f32
    %max3A_27 = vector.broadcast %max3A_26 : f32 to vector<4xf32>
    %max3A_28 = arith.maximumf %max3A_27, %reduce_max3A_25 : vector<4xf32>
    %broadcast_in_dim3A_29 = vector.shape_cast %max3A_28 : vector<4xf32> to vector<4x1xf32>
    %sub3A_30 = vector.broadcast %broadcast_in_dim3A_29 : vector<4x1xf32> to vector<4x4xf32>
    %sub3A_31 = arith.subf %get3A_23, %sub3A_30 : vector<4x4xf32>
    %exp3A_32 = math.exp %sub3A_31 : vector<4x4xf32>
    %reduce_sum3A_33 = arith.constant dense<0.000000e+00> : vector<4xf32>
    %reduce_sum3A_34 = vector.multi_reduction <add>, %exp3A_32, %reduce_sum3A_33 [1] : vector<4x4xf32> to vector<4xf32>
    %broadcast_in_dim3A_35 = vector.shape_cast %reduce_sum3A_34 : vector<4xf32> to vector<4x1xf32>
    %div3A_36 = vector.broadcast %broadcast_in_dim3A_35 : vector<4x1xf32> to vector<4x4xf32>
    %div3A_37 = arith.divf %exp3A_32, %div3A_36 : vector<4x4xf32>
    %get3A_38 = arith.constant 0 : index
    %get3A_39 = arith.constant 0 : index
    %get3A_40 = vector.load %arg5[%get3A_38, %get3A_39] : memref<4x128xf32, #tpu.memory_space<vmem>>, vector<4x128xf32>
    %dot_general3A_41 = arith.constant dense<0.000000e+00> : vector<4x128xf32>
    %dot_general3A_42 = tpu.matmul %div3A_37, %get3A_40, %dot_general3A_41 {dimension_numbers = #tpu.dot_dimension_numbers<[1], [0], [0], [1], [0, 0, 1, 1], [], []>, transpose_lhs_hint = false} : vector<4x4xf32>, vector<4x128xf32>, vector<4x128xf32> -> vector<4x128xf32>
    %dot_general3A_43 = arith.constant dense<0.000000e+00> : vector<256x128xf32>
    %dot_general3A_44 = tpu.matmul %div3A_20, %dot_general3A_42, %dot_general3A_43 {dimension_numbers = #tpu.dot_dimension_numbers<[1], [0], [0], [1], [0, 0, 1, 1], [], []>, transpose_lhs_hint = false} : vector<256x4xf32>, vector<4x128xf32>, vector<256x128xf32> -> vector<256x128xf32>
    %add3A = arith.constant 1.000000e+00 : f32
    %add3A_45 = vector.broadcast %add3A : f32 to vector<256x128xf32>
    %add3A_46 = arith.addf %add3A_45, %dot_general3A_44 : vector<256x128xf32>
    %mul3A = arith.mulf %dot_general3A_5, %add3A_46 : vector<256x128xf32>
    %swap3A = arith.constant 0 : index
    %swap3A_47 = arith.constant 0 : index
    %swap3A_48 = vector.load %arg7[%swap3A, %swap3A_47] : memref<256x128xf32, #tpu.memory_space<vmem>>, vector<256x128xf32>
    tpu.vector_store %arg7[%swap3A, %swap3A_47], %mul3A {strides = array<i32>} : memref<256x128xf32, #tpu.memory_space<vmem>>, vector<256x128xf32>,
    return
  }
  func.func @transform_0(%arg0: i32) -> (i32, i32) {
    %c0_i32 = arith.constant 0 : i32
    %c0_i32_0 = arith.constant 0 : i32
    return %arg0, %c0_i32 : i32, i32
  }
  func.func @transform_1(%arg0: i32) -> (i32, i32) {
    %c0_i32 = arith.constant 0 : i32
    %c0_i32_0 = arith.constant 0 : i32
    %c0_i32_1 = arith.constant 0 : i32
    return %c0_i32, %c0_i32_0 : i32, i32
  }
  func.func @transform_2(%arg0: i32) -> (i32, i32) {
    %c0_i32 = arith.constant 0 : i32
    %c0_i32_0 = arith.constant 0 : i32
    return %arg0, %c0_i32 : i32, i32
  }
  func.func @transform_3(%arg0: i32) -> (i32, i32) {
    %c0_i32 = arith.constant 0 : i32
    %c0_i32_0 = arith.constant 0 : i32
    %c0_i32_1 = arith.constant 0 : i32
    return %c0_i32, %c0_i32_0 : i32, i32
  }
  func.func @transform_4(%arg0: i32) -> (i32, i32) {
    %c0_i32 = arith.constant 0 : i32
    %c0_i32_0 = arith.constant 0 : i32
    %c0_i32_1 = arith.constant 0 : i32
    return %c0_i32, %c0_i32_0 : i32, i32
  }
  func.func @transform_5(%arg0: i32) -> (i32, i32) {
    %c0_i32 = arith.constant 0 : i32
    %c0_i32_0 = arith.constant 0 : i32
    %c0_i32_1 = arith.constant 0 : i32
    return %c0_i32, %c0_i32_0 : i32, i32
  }
  func.func @transform_6(%arg0: i32) -> (i32, i32) {
    %c0_i32 = arith.constant 0 : i32
    %c0_i32_0 = arith.constant 0 : i32
    return %arg0, %c0_i32 : i32, i32
  }
}

module attributes {stable_mosaic.version = 14 : i64} {
  func.func @_entity_finalize_body(%arg0: memref<2x10000x144xf32, #tpu.memory_space<vmem>>, %arg1: memref<10000x128xf32, #tpu.memory_space<vmem>>) attributes {dimension_semantics = [], scalar_prefetch = 0 : i64, scratch_operands = 0 : i64, tpu.core_type = #tpu.core_type<tc>} {
    %get3A = arith.constant 0 : index
    %get3A_0 = arith.constant 0 : index
    %get3A_1 = arith.constant 0 : index
    %get3A_2 = vector.load %arg0[%get3A, %get3A_0, %get3A_1] : memref<2x10000x144xf32, #tpu.memory_space<vmem>>, vector<1x10000x144xf32>
    %get3A_3 = vector.shape_cast %get3A_2 : vector<1x10000x144xf32> to vector<10000x144xf32>
    %get3A_4 = arith.constant 1 : index
    %get3A_5 = arith.constant 0 : index
    %get3A_6 = arith.constant 0 : index
    %get3A_7 = vector.load %arg0[%get3A_4, %get3A_5, %get3A_6] : memref<2x10000x144xf32, #tpu.memory_space<vmem>>, vector<1x10000x144xf32>
    %get3A_8 = vector.shape_cast %get3A_7 : vector<1x10000x144xf32> to vector<10000x144xf32>
    %add3A = arith.addf %get3A_3, %get3A_8 : vector<10000x144xf32>
    %slice3A = vector.extract_strided_slice %add3A {offsets = [0, 128], sizes = [10000, 1], strides = [1, 1]} : vector<10000x144xf32> to vector<10000x1xf32>
    %max3A = arith.constant 1.000000e+00 : f32
    %max3A_9 = vector.broadcast %max3A : f32 to vector<10000x1xf32>
    %max3A_10 = arith.maximumf %slice3A, %max3A_9 : vector<10000x1xf32>
    %slice3A_11 = vector.extract_strided_slice %add3A {offsets = [0, 0], sizes = [10000, 128], strides = [1, 1]} : vector<10000x144xf32> to vector<10000x128xf32>
    %div3A = vector.broadcast %max3A_10 : vector<10000x1xf32> to vector<10000x128xf32>
    %div3A_12 = arith.divf %slice3A_11, %div3A : vector<10000x128xf32>
    %swap3A = arith.constant 0 : index
    %swap3A_13 = arith.constant 0 : index
    %swap3A_14 = vector.load %arg1[%swap3A, %swap3A_13] : memref<10000x128xf32, #tpu.memory_space<vmem>>, vector<10000x128xf32>
    tpu.vector_store %arg1[%swap3A, %swap3A_13], %div3A_12 {strides = array<i32>} : memref<10000x128xf32, #tpu.memory_space<vmem>>, vector<10000x128xf32>,
    return
  }
}

</mosaic_0001>

<sc_bundles>
// kernel: kernel.5.cloned.1.call-start
scs
__scs_entry_jumppad:
0x0: {  	(pc) =	sbr.rel $0x88, $3  }
0x1: {  	(tag) =	ssettag $0x0;
	lr =	simm.s32 $0x1  }
0x2: {  	[smem:$0x3F99] =	sst lr;
	_ =	strace $0xD0000000  }
0x3: {  	_ = 	snop  }
0x4: {  	_ = 	snop  }
0x5: {  	_ = 	snop  }
0x6: {  	_ = 	snop  }
0x7: {  	_ = 	snop  }
__scs_overlays_trampoline_lowered:
0x8: {  	[smem:$0x3FA8] =	sst s0  }
0x9: {  	[smem:$0x3FA9] =	sst s1  }
0xa: {  	[smem:$0x3FAA] =	sst s2  }
0xb: {  	[smem:$0x3FAB] =	sst s3  }
0xc: {  	[smem:$0x3FAC] =	sst s4  }
0xd: {  	[smem:$0x3FAD] =	sst s5  }
0xe: {  	[smem:$0x3FAE] =	sst s6  }
0xf: {  	[smem:$0x3FAF] =	sst s7  }
0x10: {  	[smem:$0x3FB0] =	sst s8  }
0x11: {  	[smem:$0x3FB1] =	sst s9;
	s0 =	simm.s32 @!p0 $0x0  }
0x12: {  	s1 =	sld [smem:$0x3F97];
	s0 =	simm.s32 @p0 $0x1  }
0x13: {  	[smem:$0x3FB2] =	sst s0;
	s0 =	simm.s32 @!p1 $0x0  }
0x14: {  	s2 =	sld [smem:$0x3F96];
	s0 =	simm.s32 @p1 $0x1  }
0x15: {  	[smem:$0x3FB3] =	sst s0;
	s0 =	simm.s32 @!p2 $0x0  }
0x16: {  	s3 =	sld [smem:$0x3FDB];
	s0 =	simm.s32 @p2 $0x1  }
0x17: {  	s4 =	simm.s32 $0x1BF5;
	[smem:$0x3FB5] =	sst s0  }
0x18: {  	s0 =	sld [smem:$0x3F98];
	_ =	swait.ge [sflag:s4], $0x0  }
0x19: {  	s7 =	sld [smem:$0x3F99]  }
0x1a: {  	s8 =	sadd.s32 $0xFFFFE003, lr  }
0x1b: {  	s9 =	sadd.s32 $0xFFFFFEF7, lr;
	s5 =	simm.s32 $0xFFFFFFFF;
	p2 =	slt.u32 s8, $0xFFFFF086  }
0x1c: {  	p1 =	slt.u32 s9, $0xF7A;
	s5 =	simm.s32 @!p2 $0x0  }
0x1d: {  	s5 =	simm.s32 @p1 $0x1;
	p0 =	seq.s32 s7, s2  }
0x1e: {  	s7 =	smul.u32 @!p0 $0xF7A, s2;
	p2 =	seq.s32 @!p0 s5, $0x0  }
0x1f: {  	s9 =	smul.u32 $0xF7A, s1;
	s8 =	simm.s32 @!p0 $0x1BF5;
	p2 =	por !p2, p0  }
0x20: {  	[sflag:s8] =	ssyncset.s32 @!p0 $0xFFFFF086;
	s6 =	sadd.s32 @!p0 s3, s7;
	s7 =	simm.s32 @!p0 $0x108  }
0x21: {  	s3 =	sadd.s32 s3, s9;
	s6 =	sadd.s32 @!p0 $0x88, s6;
	s7 =	simm.s32 @p2 $0x1082  }
0x22: {  	[simem:s7], [sflag:s8] =	dma.local @!p0 [hbm:s6], $0xF7A  }
0x23: {  	s9 =	sor.u32 $0xD0000000, s2;
	s6 =	simm.s32 $0x108;
	_ =	swait.ge @!p0 [sflag:s8], $0x0  }
0x24: {  	s3 =	sadd.s32 $0x88, s3;
	s6 =	simm.s32 @!p1 $0x1082;
	[sflag:s4] =	ssyncset.s32 $0xFFFFF086  }
0x25: {  	[simem:s6], [sflag:s4] =	dma.local [hbm:s3], $0xF7A  }
0x26: {  	[smem:$0x3F99] =	sst s1;
	(tag) =	ssettag s2;
	_ =	strace s9  }
0x27: {  	s1 =	sld [smem:$0x3FA9]  }
0x28: {  	s2 =	sld [smem:$0x3FAA]  }
0x29: {  	s4 =	sld [smem:$0x3FAC]  }
0x2a: {  	p0 =	seq.s32 s5, $0x0;
	s5 =	sld [smem:$0x3FAD]  }
0x2b: {  	s6 =	sld [smem:$0x3FAE]  }
0x2c: {  	s7 =	sld [smem:$0x3FAF]  }
0x2d: {  	s3 =	simm.s32 $0x108;
	s8 =	sld [smem:$0x3FB0]  }
0x2e: {  	s3 =	simm.s32 @!p0 $0x1082;
	s9 =	sld [smem:$0x3FB1]  }
0x2f: {  	lr =	sadd.s32 s0, s3;
	s0 =	sld [smem:$0x3FA8]  }
0x30: {  	s3 =	sld [smem:$0x3FAB]  }
0x31: {  	[smem:$0x3FB4] =	sst s10  }
0x32: {  	s10 =	sld [smem:$0x3FB2];
	_ =	sdelay $0x3  }
0x33: {  	p0 =	seq.s32 s10, $0x1;
	s10 =	sld [smem:$0x3FB4];
	_ =	sdelay $0x3  }
0x34: {  	[smem:$0x3FB4] =	sst s10  }
0x35: {  	s10 =	sld [smem:$0x3FB3];
	_ =	sdelay $0x3  }
0x36: {  	p1 =	seq.s32 s10, $0x1;
	s10 =	sld [smem:$0x3FB4];
	_ =	sdelay $0x3  }
0x37: {  	[smem:$0x3FB4] =	sst s10  }
0x38: {  	s10 =	sld [smem:$0x3FB5]  }
0x39: {  	_ = 	snop;
	(pc) =	sbr.ind lr, $3  }
0x3a: {  	_ = 	snop  }
0x3b: {  	_ = 	snop  }
0x3c: {  	p2 =	seq.s32 s10, $0x1;
	s10 =	sld [smem:$0x3FB4]  }
0x3d: {  	_ =	shalt  }
0x3e: {  	_ =	shalt  }
0x3f: {  	_ =	shalt  }
0x40: {  	_ =	shalt  }
0x41: {  	_ =	shalt  }
0x42: {  	_ =	shalt  }
0x43: {  	_ =	shalt  }
0x44: {  	_ =	shalt  }
0x45: {  	_ =	shalt  }
0x46: {  	_ =	shalt  }
0x47: {  	_ =	shalt  }
0x48: {  	_ =	shalt  }
0x49: {  	_ =	shalt  }
0x4a: {  	_ =	shalt  }
0x4b: {  	_ =	shalt  }
0x4c: {  	_ =	shalt  }
0x4d: {  	_ =	shalt  }
0x4e: {  	_ =	shalt  }
0x4f: {  	_ =	shalt  }
0x50: {  	_ =	shalt  }
0x51: {  	_ =	shalt  }
0x52: {  	_ =	shalt  }
0x53: {  	_ =	shalt  }
0x54: {  	_ =	shalt  }
0x55: {  	_ =	shalt  }
0x56: {  	_ =	shalt  }
0x57: {  	_ =	shalt  }
0x58: {  	_ =	shalt  }
0x59: {  	_ =	shalt  }
0x5a: {  	_ =	shalt  }
0x5b: {  	_ =	shalt  }
0x5c: {  	_ =	shalt  }
0x5d: {  	_ =	shalt  }
0x5e: {  	_ =	shalt  }
0x5f: {  	_ =	shalt  }
0x60: {  	_ =	shalt  }
0x61: {  	_ =	shalt  }
0x62: {  	_ =	shalt  }
0x63: {  	_ =	shalt  }
0x64: {  	_ =	shalt  }
0x65: {  	_ =	shalt  }
0x66: {  	_ =	shalt  }
0x67: {  	_ =	shalt  }
0x68: {  	_ =	shalt  }
0x69: {  	_ =	shalt  }
0x6a: {  	_ =	shalt  }
0x6b: {  	_ =	shalt  }
0x6c: {  	_ =	shalt  }
0x6d: {  	_ =	shalt  }
0x6e: {  	_ =	shalt  }
0x6f: {  	_ =	shalt  }
0x70: {  	_ =	shalt  }
0x71: {  	_ =	shalt  }
0x72: {  	_ =	shalt  }
0x73: {  	_ =	shalt  }
0x74: {  	_ =	shalt  }
0x75: {  	_ =	shalt  }
0x76: {  	_ =	shalt  }
0x77: {  	_ =	shalt  }
0x78: {  	_ =	shalt  }
0x79: {  	_ =	shalt  }
0x7a: {  	_ =	shalt  }
0x7b: {  	_ =	shalt  }
0x7c: {  	_ =	shalt  }
0x7d: {  	_ =	shalt  }
0x7e: {  	_ =	shalt  }
0x7f: {  	_ =	shalt  }
0x80: {  	_ =	shalt  }
0x81: {  	_ =	shalt  }
0x82: {  	_ =	shalt  }
0x83: {  	_ =	shalt  }
0x84: {  	_ =	shalt  }
0x85: {  	_ =	shalt  }
0x86: {  	_ =	shalt  }
0x87: {  	_ =	shalt  }
.Lfunc_end0:
.L_simem_size_0:
called_computation_lowered:
.L_overlay_start_0:
0x88: {  	s2 =	sld [smem:$0x3FD9]  }
0x89: {  	s3 =	sld [smem:$0x3FFE];
	_ =	sdelay $0x1  }
0x8a: {  	s1 =	srdreg.scid  }
0x8b: {  	s0 =	sand.u32 $0x1, s1  }
0x8c: {  	s14 =	sshll.u32 s0, $0xA;
	s2 =	sadd.s32 s3, s2  }
0x8d: {  	s2 =	sadd.s32 s2, s14  }
0x8e: {  	[smem:$0x3FC0] =	sst s2  }
0x8f: {  	_ = 	snop  }
0x90: {  	s2 =	sld [smem:$0x3FD0];
	_ =	sdelay $0x1  }
0x91: {  	s15 =	sld [smem:$0x3FC9]  }
0x92: {  	s5 =	simm.s32 $0xA;
	s6 =	simm.s32 $0x10;
	s4 =	sld [smem:$0x3FC3]  }
0x93: {  	[smem:s6], [sflag:s5] =	dma.local [hbm:s2], $0x1  }
0x94: {  	_ =	swait.eq [sflag:s5], $0x1  }
0x95: {  	[sflag:s5] =	ssyncset.done $0x0  }
0x96: {  	[sflag:s5] =	ssyncadd.s32 $0xFFFFFFFF  }
0x97: {  	s16 =	sld [smem:$0x10];
	(tm) =	ssettm $0x1  }
0x98: {  	s17 =	sld [smem:$0x3FFB];
	_ =	sdelay $0x3  }
0x99: {  	_ =	strace s17  }
0x9a: {  	s5 =	sld [smem:$0x3FFC];
	_ =	sdelay $0x3  }
0x9b: {  	_ =	strace s5  }
0x9c: {  	s5 =	sld [smem:$0x3FFD];
	_ =	sdelay $0x3  }
0x9d: {  	_ =	strace s5  }
0x9e: {  	_ =	strace $0x8FFFFFFF  }
0x9f: {  	s18 =	sld [smem:$0x3FDB];
	_ =	sdelay $0x1  }
0xa0: {  	s19 =	simm.s32 $_scs_section_size  }
0xa1: {  	s7 =	simm.s32 $_size__tile_overlayer_lowered;
	s8 =	simm.s32 $_tile_overlayer_lowered  }
0xa2: {  	s22 =	simm.s32 $0x1BFF;
	s21 =	sshll.u32 s8, $0x1;
	s5 =	sadd.s32 s19, s18  }
0xa3: {  	s9 =	simm.s32 $0x0;
	s20 =	sshll.u32 s7, $0x1;
	s7 =	sadd.s32 s21, s5  }
0xa4: {  	[timem:s9], [sflag:s22] =	dma.local [hbm:s7], s20  }
0xa5: {  	_ =	swait.ge [sflag:s22], s20  }
0xa6: {  	s6 =	ssub.s32 $0x0, s20;
	[sflag:s22] =	ssyncset.done $0x0  }
0xa7: {  	[sflag:s22] =	ssyncadd.s32 s6;
	_ =	sdelay $0x1  }
0xa8: {  	s23 =	simm.s32 $0x1B8B  }
0xa9: {  	_ =	swait.ge [sflag:s23], $0x1  }
0xaa: {  	[sflag:s23] =	ssyncset.done $0x0  }
0xab: {  	s25 =	simm.s32 $0x1B8E;
	s24 =	sld [smem:$0x3FFE];
	[sflag:s23] =	ssyncadd.s32 $0xFFFFFFFF  }
0xac: {  	s26 =	simm.s32 $execute0_lowered;
	[smem:$0x3FD2] =	sst s25  }
0xad: {  	s7 =	sshll.u32 s26, $0x1;
	_ =	strace $0x80000046;
	[dreg:$0x1] =	wrdreg $0xFFFFFFFF  }
0xae: {  	s28 =	simm.s32 $_size_execute0_lowered;
	s5 =	sadd.s32 s5, s7;
	[dreg:$0x0] =	wrdreg $0x0  }
0xaf: {  	s7 =	sshll.u32 s28, $0x1;
	[dreg:$0x2] =	wrdreg s5  }
0xb0: {  	[dreg:$0x3] =	wrdreg s7  }
0xb1: {  	[dreg:$0x4] =	wrdreg $0xC0  }
0xb2: {  	_ =	task [dreg:s9], $0x5FFFF  }
0xb3: {  	[dreg:$0x1] =	wrdreg $0xFFFFFFFF  }
0xb4: {  	[dreg:$0x0] =	wrdreg $0x60  }
0xb5: {  	[dreg:$0x2] =	wrdreg s15  }
0xb6: {  	[dreg:$0x3] =	wrdreg s16  }
0xb7: {  	[dreg:$0x4] =	wrdreg s4  }
0xb8: {  	[dreg:$0x5] =	wrdreg s24  }
0xb9: {  	[dreg:$0x6] =	wrdreg $0x7EB00  }
0xba: {  	[dreg:$0x7] =	wrdreg $0x9  }
0xbb: {  	_ =	task.clear_ibuf [dreg:s9], $0x8FFFF;
	_ =	strace $0x90000046  }
0xbc: {  	s29 =	simm.s32 $0x9;
	_ =	strace $0x80000048  }
0xbd: {  	_ =	swait.ge [sflag:s29], $0x1  }
0xbe: {  	[sflag:s29] =	ssyncadd.s32 $0xFFFFFFFF  }
0xbf: {  	_ =	strace $0x90000048  }
0xc0: {  	_ =	sfence  }
0xc1: {  	s30 =	sld [smem:$0x0];
	_ =	sdelay $0x2  }
0xc2: {  	s31 =	sshll.u32 s1, $0xD;
	s1 =	sshrl.u32 s1, $0x2  }
0xc3: {  	s3 =	sand.u32 $0x4000, s31;
	s1 =	sadd.s32 s1, s30  }
0xc4: {  	s0 =	sor.u32 s3, s0;
	s1 =	sshll.u32 s1, $0x11  }
0xc5: {  	s0 =	sor.u32 s1, s0  }
0xc6: {  	s0 =	sadd.s32 $0x8F2B, s0  }
0xc7: {  	[sflag:s0] =	ssyncadd.remote.s32 $0x1  }
0xc8: {  	_ =	sfence.sel $0xFFFF  }
0xc9: {  	[dreg:$0x0] =	wrdreg $0xFFFFFFFF;
	(pc) =	sbr.abs _section_cstart, $3  }
0xca: {  	[dreg:$0x1] =	wrdreg $0xFFFFFFFF  }
0xcb: {  	_ =	task.clear_ibuf [dreg:s9], $0x2FFFF;
	_ =	strace $0x9FFFFFFF  }
0xcc: {  	(tm) =	ssettm $0x7FFFFFFF  }
0xcd: {  	_ =	shalt  }
tec
execute0_lowered:
.L_overlay_start_1:
0x0: {  	(tag) =	ssettag $0x1  }
0x1: {  	s1 =	rddreg [dreg:$0x0]  }
0x2: {  	s14 =	rddreg [dreg:$0x1]  }
0x3: {  	s2 =	srdreg.scid;
	s3 =	rddreg [dreg:$0x2]  }
0x4: {  	s0 =	stileid.u32;
	s8 =	rddreg [dreg:$0x3]  }
0x5: {  	s4 =	rddreg [dreg:$0x4];
	s5 =	simm.s32 $0x0;
	s18 =	simm.s32 $0x2  }
0x6: {  	s19 =	simm.s32 $0x2710;
	s20 =	simm.s32 $0x50;
	s21 =	simm.s32 $0x7E10  }
0x7: {  	s22 =	simm.s32 $0x2910;
	s23 =	simm.s32 $0x1;
	s7 =	smul.u32 $0x15F90, s0  }
0x8: {  	s24 =	simm.s32 $0x7E60;
	s6 =	sand.u32 $0x1, s2;
	s10 =	smul.u32 $0x57E40, s0  }
0x9: {  	s25 =	simm.s32 $0x0;
	[smem:$0x7FF] =	sst s5;
	s9 =	smul.u32 $0x15F900, s6  }
0xa: {  	_ =	strace $0x80000047;
	s30 =	ssub.s32 $0x2, s6;
	s6 =	sshll.u32 s6, $0x4  }
0xb: {  	s31 =	sshrl.u32 s30, $0x1;
	s10 =	sshrl.u32 s10, $0x2;
	s11 =	sor.u32 s0, s6  }
0xc: {  	s6 =	sadd.s32 s7, s4;
	s9 =	sadd.s32 s7, s9;
	s16 =	ssub.s32 s30, s31  }
0xd: {  	s13 =	sadd.s32 s10, s4;
	s17 =	smul.u32 $0x4E2, s11;
	s9 =	sshrl.u32 s9, $0x3  }
0xe: {  	s7 =	sadd.s32 $0x2D00, s13;
	s10 =	sadd.s32 $0xB400, s13;
	s11 =	sadd.s32 $0xE100, s13  }
0xf: {  	s12 =	sadd.s32 $0x10E00, s13;
	s16 =	smax.u32 s16, $0x1;
	s15 =	sadd.s32 s9, s8  }
0x10: {  	v0 =	vimm.f32 $0.0e+00;
	vm0 =	vcmask $0x300;
	s8 =	sadd.s32 $0x5A00, s13;
	s9 =	sadd.s32 $0x8700, s13;
	s13 =	sadd.s32 $0x13B00, s13  }
0x11: {  	v1 =	vsel vm0, $0x3F800000, v0;
	s14 =	sadd.s32 s14, s17;
	s17 =	simm.s32 $0x5110;
	s15 =	sadd.s32 $0x1200, s15  }
.LBB2_1:
0x12: {  	s26 =	simm.s32 $0x0;
	s28 =	simm.s32 $0x240  }
.LBB2_2:
0x13: {  	p0 =	sne.s32 s28, $0xB1C0;
	[tilespmem:s26+$0x5190] =	vst v0  }
0x14: {  	[tilespmem:s26+$0x5110] =	vst v0  }
0x15: {  	[tilespmem:s26+$0x5120] =	vst v0  }
0x16: {  	[tilespmem:s26+$0x5130] =	vst v0  }
.Ltmp0:
0x17: {  	[tilespmem:s26+$0x5140] =	vst v0;
	(pc) =	sbr.rel @p0 .LBB2_2-.Ltmp0, $4  }
0x18: {  	[tilespmem:s26+$0x5150] =	vst v0  }
0x19: {  	[tilespmem:s26+$0x5160] =	vst v0  }
0x1a: {  	[tilespmem:s26+$0x5170] =	vst v0  }
0x1b: {  	[tilespmem:s26+$0x5180] =	vst v0;
	s26 =	sshra.s32 s28, $0x2;
	s28 =	sadd.s32 $0x240, s28  }
0x1c: {  	[tilespmem:s26+$0x5190] =	vst v0  }
0x1d: {  	[tilespmem:s26+$0x5110] =	vst v0  }
0x1e: {  	[tilespmem:s26+$0x5120] =	vst v0  }
0x1f: {  	[tilespmem:s26+$0x5130] =	vst v0  }
0x20: {  	[tilespmem:s26+$0x5140] =	vst v0  }
0x21: {  	[tilespmem:s26+$0x5150] =	vst v0  }
0x22: {  	[tilespmem:s26+$0x5160] =	vst v0  }
0x23: {  	[tilespmem:s26+$0x5170] =	vst v0  }
0x24: {  	[tilespmem:s26+$0x5180] =	vst v0  }
0x25: {  	[spmem:s6] =	stream.linear.scatter [tilespmem:s17], [sflag:$0x2], $0x2D00, $0x38;
	[tilespmem:$0x1DE40] =	vst v63  }
0x26: {  	_ =	swait.ge [sflag:s18], $0x2D00  }
0x27: {  	[sflag:s18] =	ssyncset.done $0x0  }
0x28: {  	[sflag:s18] =	ssyncadd.s32 $0xFFFFD300  }
0x29: {  	[spmem:s7] =	stream.linear.scatter [tilespmem:s17], [sflag:$0x2], $0x2D00, $0x38;
	[tilespmem:$0x1DE40] =	vst v63  }
0x2a: {  	_ =	swait.ge [sflag:s18], $0x2D00  }
0x2b: {  	[sflag:s18] =	ssyncset.done $0x0  }
0x2c: {  	[sflag:s18] =	ssyncadd.s32 $0xFFFFD300  }
0x2d: {  	[spmem:s8] =	stream.linear.scatter [tilespmem:s17], [sflag:$0x2], $0x2D00, $0x38;
	[tilespmem:$0x1DE40] =	vst v63  }
0x2e: {  	_ =	swait.ge [sflag:s18], $0x2D00  }
0x2f: {  	[sflag:s18] =	ssyncset.done $0x0  }
0x30: {  	[sflag:s18] =	ssyncadd.s32 $0xFFFFD300  }
0x31: {  	[spmem:s9] =	stream.linear.scatter [tilespmem:s17], [sflag:$0x2], $0x2D00, $0x38;
	[tilespmem:$0x1DE40] =	vst v63  }
0x32: {  	_ =	swait.ge [sflag:s18], $0x2D00  }
0x33: {  	[sflag:s18] =	ssyncset.done $0x0  }
0x34: {  	[sflag:s18] =	ssyncadd.s32 $0xFFFFD300  }
0x35: {  	[spmem:s10] =	stream.linear.scatter [tilespmem:s17], [sflag:$0x2], $0x2D00, $0x38;
	[tilespmem:$0x1DE40] =	vst v63  }
0x36: {  	_ =	swait.ge [sflag:s18], $0x2D00  }
0x37: {  	[sflag:s18] =	ssyncset.done $0x0  }
0x38: {  	[sflag:s18] =	ssyncadd.s32 $0xFFFFD300  }
0x39: {  	[spmem:s11] =	stream.linear.scatter [tilespmem:s17], [sflag:$0x2], $0x2D00, $0x38;
	[tilespmem:$0x1DE40] =	vst v63  }
0x3a: {  	_ =	swait.ge [sflag:s18], $0x2D00  }
0x3b: {  	[sflag:s18] =	ssyncset.done $0x0  }
0x3c: {  	[sflag:s18] =	ssyncadd.s32 $0xFFFFD300  }
0x3d: {  	[spmem:s12] =	stream.linear.scatter [tilespmem:s17], [sflag:$0x2], $0x2D00, $0x38;
	[tilespmem:$0x1DE40] =	vst v63  }
0x3e: {  	_ =	swait.ge [sflag:s18], $0x2D00  }
0x3f: {  	[sflag:s18] =	ssyncset.done $0x0  }
0x40: {  	[sflag:s18] =	ssyncadd.s32 $0xFFFFD300  }
0x41: {  	[spmem:s13] =	stream.linear.scatter [tilespmem:s17], [sflag:$0x2], $0x2490, $0x38;
	[tilespmem:$0x1DE40] =	vst v63  }
0x42: {  	_ =	swait.ge [sflag:s18], $0x2490  }
0x43: {  	[sflag:s18] =	ssyncset.done $0x0  }
0x44: {  	[sflag:s18] =	ssyncadd.s32 $0xFFFFDB70  }
0x45: {  	[tilespmem:s5], [sflag:$0x2] =	stream.linear.gather [hbm4b:s14+s5], $0x2710, $0x38;
	[tilespmem:$0x1DE40] =	vst v63  }
0x46: {  	_ =	swait.ge [sflag:s18], $0x2710  }
0x47: {  	[sflag:s18] =	ssyncset.done $0x0  }
0x48: {  	[sflag:s18] =	ssyncadd.s32 $0xFFFFD8F0  }
0x49: {  	[tilespmem:s19], [sflag:$0x2] =	stream.linear.gather [hbm4b:s3+s5], $0x200, $0x38;
	[tilespmem:$0x1DE40] =	vst v63  }
0x4a: {  	_ =	swait.ge [sflag:s18], $0x200  }
0x4b: {  	[sflag:s18] =	ssyncset.done $0x0  }
0x4c: {  	s26 =	simm.s32 $0x440;
	s28 =	simm.s32 $0x80;
	[sflag:s18] =	ssyncadd.s32 $0xFFFFFE00  }
.LBB2_4:
0x4d: {  	p0 =	sne.s32 s26, $0xB3C0;
	[tilespmem:s28+$0x5110] =	vst v1;
	s28 =	smov.u32 s26;
	s26 =	sadd.s32 $0x240, s26  }
.Ltmp1:
0x4e: {  	(pc) =	sbr.rel @p0 .LBB2_4-.Ltmp1, $2  }
0x4f: {  	_ =	sdelay $0x2  }
0x50: {  	s28 =	sshra.s32 s28, $0x2  }
0x51: {  	[tilespmem:s28+$0x5110] =	vst v1  }
0x52: {  	s26 =	simm.s32 $0x0;
	[bflag:$0x0] =	sbarrier.arrive $0xFFFF  }
.LBB2_6:
0x53: {  	s28 =	smul.u32 $0x140, s26;
	_ =	sdelay $0x1  }
0x54: {  	s28 =	sshra.s32 s28, $0x2  }
0x55: {  	v2 =	vld [tilespmem:s28+$0x0];
	_ =	sdelay $0x4  }
0x56: {  	v3 =	vshrl.u32 v2, $0xE;
	v2 =	vand.u32 $0x3FFF, v2  }
0x57: {  	v3 =	vand.u32 $0x3FFF, v3;
	[tilespmem:$0x7E60] =	vst v2  }
0x58: {  	[tilespmem:$0x7E10] =	vst v3  }
0x59: {  	v2 =	vld [tilespmem:s28+$0x10];
	_ =	sdelay $0x4  }
0x5a: {  	v3 =	vshrl.u32 v2, $0xE;
	v2 =	vand.u32 $0x3FFF, v2  }
0x5b: {  	v3 =	vand.u32 $0x3FFF, v3;
	[tilespmem:$0x7E70] =	vst v2  }
0x5c: {  	[tilespmem:$0x7E20] =	vst v3  }
0x5d: {  	v2 =	vld [tilespmem:s28+$0x20];
	_ =	sdelay $0x4  }
0x5e: {  	v3 =	vshrl.u32 v2, $0xE;
	v2 =	vand.u32 $0x3FFF, v2  }
0x5f: {  	v3 =	vand.u32 $0x3FFF, v3;
	[tilespmem:$0x7E80] =	vst v2  }
0x60: {  	[tilespmem:$0x7E30] =	vst v3  }
0x61: {  	v2 =	vld [tilespmem:s28+$0x30];
	_ =	sdelay $0x4  }
0x62: {  	v3 =	vshrl.u32 v2, $0xE;
	v2 =	vand.u32 $0x3FFF, v2  }
0x63: {  	v3 =	vand.u32 $0x3FFF, v3;
	[tilespmem:$0x7E90] =	vst v2  }
0x64: {  	[tilespmem:$0x7E40] =	vst v3  }
0x65: {  	v2 =	vld [tilespmem:s28+$0x40];
	_ =	sdelay $0x4  }
0x66: {  	v3 =	vshrl.u32 v2, $0xE;
	v2 =	vand.u32 $0x3FFF, v2  }
0x67: {  	v3 =	vand.u32 $0x3FFF, v3;
	[tilespmem:$0x7EA0] =	vst v2  }
0x68: {  	[tilespmem:$0x7E50] =	vst v3  }
0x69: {  	v2 =	vmov s28;
	[tilespmem:s22], [sflag:$0x1] =	stream.indirect.gather [hbm4b:s1+s20], $0x80, s21, s20, $0xb8;
	[tilespmem:$0x1DE40] =	vst v63  }
0x6a: {  	_ =	swait.ge [sflag:s23], $0x2800  }
0x6b: {  	[sflag:s23] =	ssyncset.done $0x0  }
0x6c: {  	s28 =	simm.s32 $0x0;
	[sflag:s23] =	ssyncadd.s32 $0xFFFFD800  }
.LBB2_7:
0x6d: {  	s29 =	sshll.u32 s28, $0x4  }
0x6e: {  	v3 =	vld.idx.msk [tilespmem:v2+s29+$0x0 ss:$0x1], $0xffff;
	_ =	sdelay $0x4  }
0x6f: {  	v3 =	vshrl.u32 v3, $0x15  }
0x70: {  	v3 =	vand.u32 $0x180, v3  }
0x71: {  	(v2sf) =	vpush v3, $0x0;
	_ =	sdelay $0xc  }
0x72: {  	s30 =	sshll.u32 s28, $0xB  }
0x73: {  	s30 =	sand.u32 $0x3FFFF800, s30  }
0x74: {  	v4 =	vld [tilespmem:s30+$0x2910];
	s31 =	spop (v2sf)  }
0x75: {  	v5 =	vld [tilespmem:s31+$0x2710];
	_ =	sdelay $0x3  }
0x76: {  	s2 =	smul.u32 $0x2400, s28  }
0x77: {  	v4 =	vmul.f32 v5, v4  }
0x78: {  	s2 =	sshra.s32 s2, $0x2  }
0x79: {  	[tilespmem:s2+$0x5110] =	vst v4  }
0x7a: {  	v4 =	vld [tilespmem:s30+$0x2920]  }
0x7b: {  	v49 =	vld [tilespmem:s31+$0x2720];
	_ =	sdelay $0x4  }
0x7c: {  	v4 =	vmul.f32 v49, v4;
	_ =	sdelay $0x1  }
0x7d: {  	[tilespmem:s2+$0x5120] =	vst v4  }
0x7e: {  	v4 =	vld [tilespmem:s30+$0x2930]  }
0x7f: {  	v50 =	vld [tilespmem:s31+$0x2730];
	_ =	sdelay $0x4  }
0x80: {  	v4 =	vmul.f32 v50, v4;
	_ =	sdelay $0x1  }
0x81: {  	[tilespmem:s2+$0x5130] =	vst v4  }
0x82: {  	v4 =	vld [tilespmem:s30+$0x2940]  }
0x83: {  	v51 =	vld [tilespmem:s31+$0x2740];
	_ =	sdelay $0x4  }
0x84: {  	v4 =	vmul.f32 v51, v4;
	_ =	sdelay $0x1  }
0x85: {  	[tilespmem:s2+$0x5140] =	vst v4  }
0x86: {  	v4 =	vld [tilespmem:s30+$0x2950]  }
0x87: {  	v52 =	vld [tilespmem:s31+$0x2750];
	_ =	sdelay $0x4  }
0x88: {  	v4 =	vmul.f32 v52, v4;
	_ =	sdelay $0x1  }
0x89: {  	[tilespmem:s2+$0x5150] =	vst v4  }
0x8a: {  	v4 =	vld [tilespmem:s30+$0x2960]  }
0x8b: {  	v53 =	vld [tilespmem:s31+$0x2760];
	_ =	sdelay $0x4  }
0x8c: {  	v4 =	vmul.f32 v53, v4;
	_ =	sdelay $0x1  }
0x8d: {  	[tilespmem:s2+$0x5160] =	vst v4  }
0x8e: {  	v4 =	vld [tilespmem:s30+$0x2970]  }
0x8f: {  	v54 =	vld [tilespmem:s31+$0x2770];
	_ =	sdelay $0x1  }
0x90: {  	(v2sf) =	vpush v3, $0x1;
	_ =	sdelay $0x2  }
0x91: {  	v4 =	vmul.f32 v54, v4;
	_ =	sdelay $0x1  }
0x92: {  	[tilespmem:s2+$0x5170] =	vst v4  }
0x93: {  	v4 =	vld [tilespmem:s30+$0x2980]  }
0x94: {  	v55 =	vld [tilespmem:s31+$0x2780];
	_ =	sdelay $0x4  }
0x95: {  	s30 =	sor.u32 $0x1, s29;
	v4 =	vmul.f32 v55, v4  }
0x96: {  	s31 =	sshll.u32 s30, $0x7  }
0x97: {  	[tilespmem:s2+$0x5180] =	vst v4;
	s2 =	sand.u32 $0x3FFFF880, s31  }
0x98: {  	s31 =	spop (v2sf);
	v4 =	vld [tilespmem:s2+$0x2910]  }
0x99: {  	v56 =	vld [tilespmem:s31+$0x2710];
	_ =	sdelay $0x3  }
0x9a: {  	s30 =	smul.u32 $0x240, s30  }
0x9b: {  	v4 =	vmul.f32 v56, v4  }
0x9c: {  	s30 =	sshra.s32 s30, $0x2  }
0x9d: {  	[tilespmem:s30+$0x5110] =	vst v4  }
0x9e: {  	v4 =	vld [tilespmem:s2+$0x2920]  }
0x9f: {  	v57 =	vld [tilespmem:s31+$0x2720];
	_ =	sdelay $0x4  }
0xa0: {  	v4 =	vmul.f32 v57, v4;
	_ =	sdelay $0x1  }
0xa1: {  	[tilespmem:s30+$0x5120] =	vst v4  }
0xa2: {  	v4 =	vld [tilespmem:s2+$0x2930]  }
0xa3: {  	v58 =	vld [tilespmem:s31+$0x2730];
	_ =	sdelay $0x4  }
0xa4: {  	v4 =	vmul.f32 v58, v4;
	_ =	sdelay $0x1  }
0xa5: {  	[tilespmem:s30+$0x5130] =	vst v4  }
0xa6: {  	v4 =	vld [tilespmem:s2+$0x2940]  }
0xa7: {  	v59 =	vld [tilespmem:s31+$0x2740];
	_ =	sdelay $0x4  }
0xa8: {  	v4 =	vmul.f32 v59, v4;
	_ =	sdelay $0x1  }
0xa9: {  	[tilespmem:s30+$0x5140] =	vst v4  }
0xaa: {  	v4 =	vld [tilespmem:s2+$0x2950]  }
0xab: {  	v60 =	vld [tilespmem:s31+$0x2750];
	_ =	sdelay $0x4  }
0xac: {  	v4 =	vmul.f32 v60, v4;
	_ =	sdelay $0x1  }
0xad: {  	[tilespmem:s30+$0x5150] =	vst v4  }
0xae: {  	v4 =	vld [tilespmem:s2+$0x2960]  }
0xaf: {  	v61 =	vld [tilespmem:s31+$0x2760];
	_ =	sdelay $0x4  }
0xb0: {  	v4 =	vmul.f32 v61, v4;
	_ =	sdelay $0x1  }
0xb1: {  	[tilespmem:s30+$0x5160] =	vst v4  }
0xb2: {  	v4 =	vld [tilespmem:s2+$0x2970]  }
0xb3: {  	v62 =	vld [tilespmem:s31+$0x2770];
	_ =	sdelay $0x1  }
0xb4: {  	(v2sf) =	vpush v3, $0x2;
	_ =	sdelay $0x2  }
0xb5: {  	v4 =	vmul.f32 v62, v4;
	_ =	sdelay $0x1  }
0xb6: {  	[tilespmem:s30+$0x5170] =	vst v4  }
0xb7: {  	v4 =	vld [tilespmem:s2+$0x2980]  }
0xb8: {  	v63 =	vld [tilespmem:s31+$0x2780];
	_ =	sdelay $0x4  }
0xb9: {  	s2 =	sor.u32 $0x2, s29;
	v4 =	vmul.f32 v63, v4  }
0xba: {  	s31 =	sshll.u32 s2, $0x7  }
0xbb: {  	[tilespmem:s30+$0x5180] =	vst v4;
	s30 =	sand.u32 $0x3FFFF900, s31  }
0xbc: {  	s31 =	spop (v2sf);
	v4 =	vld [tilespmem:s30+$0x2910]  }
0xbd: {  	v8 =	vld [tilespmem:s31+$0x2710];
	_ =	sdelay $0x3  }
0xbe: {  	s2 =	smul.u32 $0x240, s2  }
0xbf: {  	v4 =	vmul.f32 v8, v4  }
0xc0: {  	s2 =	sshra.s32 s2, $0x2  }
0xc1: {  	[tilespmem:s2+$0x5110] =	vst v4  }
0xc2: {  	v4 =	vld [tilespmem:s30+$0x2920]  }
0xc3: {  	v9 =	vld [tilespmem:s31+$0x2720];
	_ =	sdelay $0x4  }
0xc4: {  	v4 =	vmul.f32 v9, v4;
	_ =	sdelay $0x1  }
0xc5: {  	[tilespmem:s2+$0x5120] =	vst v4  }
0xc6: {  	v4 =	vld [tilespmem:s30+$0x2930]  }
0xc7: {  	v10 =	vld [tilespmem:s31+$0x2730];
	_ =	sdelay $0x4  }
0xc8: {  	v4 =	vmul.f32 v10, v4;
	_ =	sdelay $0x1  }
0xc9: {  	[tilespmem:s2+$0x5130] =	vst v4  }
0xca: {  	v4 =	vld [tilespmem:s30+$0x2940]  }
0xcb: {  	v11 =	vld [tilespmem:s31+$0x2740];
	_ =	sdelay $0x4  }
0xcc: {  	v4 =	vmul.f32 v11, v4;
	_ =	sdelay $0x1  }
0xcd: {  	[tilespmem:s2+$0x5140] =	vst v4  }
0xce: {  	v4 =	vld [tilespmem:s30+$0x2950]  }
0xcf: {  	v12 =	vld [tilespmem:s31+$0x2750];
	_ =	sdelay $0x4  }
0xd0: {  	v4 =	vmul.f32 v12, v4;
	_ =	sdelay $0x1  }
0xd1: {  	[tilespmem:s2+$0x5150] =	vst v4  }
0xd2: {  	v4 =	vld [tilespmem:s30+$0x2960]  }
0xd3: {  	v13 =	vld [tilespmem:s31+$0x2760];
	_ =	sdelay $0x4  }
0xd4: {  	v4 =	vmul.f32 v13, v4;
	_ =	sdelay $0x1  }
0xd5: {  	[tilespmem:s2+$0x5160] =	vst v4  }
0xd6: {  	v4 =	vld [tilespmem:s30+$0x2970]  }
0xd7: {  	v14 =	vld [tilespmem:s31+$0x2770];
	_ =	sdelay $0x1  }
0xd8: {  	(v2sf) =	vpush v3, $0x3;
	_ =	sdelay $0x2  }
0xd9: {  	v4 =	vmul.f32 v14, v4;
	_ =	sdelay $0x1  }
0xda: {  	[tilespmem:s2+$0x5170] =	vst v4  }
0xdb: {  	v4 =	vld [tilespmem:s30+$0x2980]  }
0xdc: {  	v15 =	vld [tilespmem:s31+$0x2780];
	_ =	sdelay $0x4  }
0xdd: {  	s30 =	sor.u32 $0x3, s29;
	v4 =	vmul.f32 v15, v4  }
0xde: {  	s31 =	sshll.u32 s30, $0x7  }
0xdf: {  	[tilespmem:s2+$0x5180] =	vst v4;
	s2 =	sand.u32 $0x3FFFF980, s31  }
0xe0: {  	s31 =	spop (v2sf);
	v4 =	vld [tilespmem:s2+$0x2910]  }
0xe1: {  	v16 =	vld [tilespmem:s31+$0x2710];
	_ =	sdelay $0x3  }
0xe2: {  	s30 =	smul.u32 $0x240, s30  }
0xe3: {  	v4 =	vmul.f32 v16, v4  }
0xe4: {  	s30 =	sshra.s32 s30, $0x2  }
0xe5: {  	[tilespmem:s30+$0x5110] =	vst v4  }
0xe6: {  	v4 =	vld [tilespmem:s2+$0x2920]  }
0xe7: {  	v17 =	vld [tilespmem:s31+$0x2720];
	_ =	sdelay $0x4  }
0xe8: {  	v4 =	vmul.f32 v17, v4;
	_ =	sdelay $0x1  }
0xe9: {  	[tilespmem:s30+$0x5120] =	vst v4  }
0xea: {  	v4 =	vld [tilespmem:s2+$0x2930]  }
0xeb: {  	v18 =	vld [tilespmem:s31+$0x2730];
	_ =	sdelay $0x4  }
0xec: {  	v4 =	vmul.f32 v18, v4;
	_ =	sdelay $0x1  }
0xed: {  	[tilespmem:s30+$0x5130] =	vst v4  }
0xee: {  	v4 =	vld [tilespmem:s2+$0x2940]  }
0xef: {  	v19 =	vld [tilespmem:s31+$0x2740];
	_ =	sdelay $0x4  }
0xf0: {  	v4 =	vmul.f32 v19, v4;
	_ =	sdelay $0x1  }
0xf1: {  	[tilespmem:s30+$0x5140] =	vst v4  }
0xf2: {  	v4 =	vld [tilespmem:s2+$0x2950]  }
0xf3: {  	v20 =	vld [tilespmem:s31+$0x2750];
	_ =	sdelay $0x4  }
0xf4: {  	v4 =	vmul.f32 v20, v4;
	_ =	sdelay $0x1  }
0xf5: {  	[tilespmem:s30+$0x5150] =	vst v4  }
0xf6: {  	v4 =	vld [tilespmem:s2+$0x2960]  }
0xf7: {  	v21 =	vld [tilespmem:s31+$0x2760];
	_ =	sdelay $0x4  }
0xf8: {  	v4 =	vmul.f32 v21, v4;
	_ =	sdelay $0x1  }
0xf9: {  	[tilespmem:s30+$0x5160] =	vst v4  }
0xfa: {  	v4 =	vld [tilespmem:s2+$0x2970]  }
0xfb: {  	v22 =	vld [tilespmem:s31+$0x2770];
	_ =	sdelay $0x1  }
0xfc: {  	(v2sf) =	vpush v3, $0x4;
	_ =	sdelay $0x2  }
0xfd: {  	v4 =	vmul.f32 v22, v4;
	_ =	sdelay $0x1  }
0xfe: {  	[tilespmem:s30+$0x5170] =	vst v4  }
0xff: {  	v4 =	vld [tilespmem:s2+$0x2980]  }
0x100: {  	v23 =	vld [tilespmem:s31+$0x2780];
	_ =	sdelay $0x4  }
0x101: {  	s2 =	sor.u32 $0x4, s29;
	v4 =	vmul.f32 v23, v4  }
0x102: {  	s31 =	sshll.u32 s2, $0x7  }
0x103: {  	[tilespmem:s30+$0x5180] =	vst v4;
	s30 =	sand.u32 $0x3FFFFA00, s31  }
0x104: {  	s31 =	spop (v2sf);
	v4 =	vld [tilespmem:s30+$0x2910]  }
0x105: {  	v24 =	vld [tilespmem:s31+$0x2710];
	_ =	sdelay $0x3  }
0x106: {  	s2 =	smul.u32 $0x240, s2  }
0x107: {  	v4 =	vmul.f32 v24, v4  }
0x108: {  	s2 =	sshra.s32 s2, $0x2  }
0x109: {  	[tilespmem:s2+$0x5110] =	vst v4  }
0x10a: {  	v4 =	vld [tilespmem:s30+$0x2920]  }
0x10b: {  	v25 =	vld [tilespmem:s31+$0x2720];
	_ =	sdelay $0x4  }
0x10c: {  	v4 =	vmul.f32 v25, v4;
	_ =	sdelay $0x1  }
0x10d: {  	[tilespmem:s2+$0x5120] =	vst v4  }
0x10e: {  	v4 =	vld [tilespmem:s30+$0x2930]  }
0x10f: {  	v26 =	vld [tilespmem:s31+$0x2730];
	_ =	sdelay $0x4  }
0x110: {  	v4 =	vmul.f32 v26, v4;
	_ =	sdelay $0x1  }
0x111: {  	[tilespmem:s2+$0x5130] =	vst v4  }
0x112: {  	v4 =	vld [tilespmem:s30+$0x2940]  }
0x113: {  	v27 =	vld [tilespmem:s31+$0x2740];
	_ =	sdelay $0x4  }
0x114: {  	v4 =	vmul.f32 v27, v4;
	_ =	sdelay $0x1  }
0x115: {  	[tilespmem:s2+$0x5140] =	vst v4  }
0x116: {  	v4 =	vld [tilespmem:s30+$0x2950]  }
0x117: {  	v28 =	vld [tilespmem:s31+$0x2750];
	_ =	sdelay $0x4  }
0x118: {  	v4 =	vmul.f32 v28, v4;
	_ =	sdelay $0x1  }
0x119: {  	[tilespmem:s2+$0x5150] =	vst v4  }
0x11a: {  	v4 =	vld [tilespmem:s30+$0x2960]  }
0x11b: {  	v29 =	vld [tilespmem:s31+$0x2760];
	_ =	sdelay $0x4  }
0x11c: {  	v4 =	vmul.f32 v29, v4;
	_ =	sdelay $0x1  }
0x11d: {  	[tilespmem:s2+$0x5160] =	vst v4  }
0x11e: {  	v4 =	vld [tilespmem:s30+$0x2970]  }
0x11f: {  	v30 =	vld [tilespmem:s31+$0x2770];
	_ =	sdelay $0x1  }
0x120: {  	(v2sf) =	vpush v3, $0x5;
	_ =	sdelay $0x2  }
0x121: {  	v4 =	vmul.f32 v30, v4;
	_ =	sdelay $0x1  }
0x122: {  	[tilespmem:s2+$0x5170] =	vst v4  }
0x123: {  	v4 =	vld [tilespmem:s30+$0x2980]  }
0x124: {  	v31 =	vld [tilespmem:s31+$0x2780];
	_ =	sdelay $0x4  }
0x125: {  	s30 =	sor.u32 $0x5, s29;
	v4 =	vmul.f32 v31, v4  }
0x126: {  	s31 =	sshll.u32 s30, $0x7  }
0x127: {  	[tilespmem:s2+$0x5180] =	vst v4;
	s2 =	sand.u32 $0x3FFFFA80, s31  }
0x128: {  	s31 =	spop (v2sf);
	v4 =	vld [tilespmem:s2+$0x2910]  }
0x129: {  	v32 =	vld [tilespmem:s31+$0x2710];
	_ =	sdelay $0x3  }
0x12a: {  	s30 =	smul.u32 $0x240, s30  }
0x12b: {  	v4 =	vmul.f32 v32, v4  }
0x12c: {  	s30 =	sshra.s32 s30, $0x2  }
0x12d: {  	[tilespmem:s30+$0x5110] =	vst v4  }
0x12e: {  	v4 =	vld [tilespmem:s2+$0x2920]  }
0x12f: {  	v33 =	vld [tilespmem:s31+$0x2720];
	_ =	sdelay $0x4  }
0x130: {  	v4 =	vmul.f32 v33, v4;
	_ =	sdelay $0x1  }
0x131: {  	[tilespmem:s30+$0x5120] =	vst v4  }
0x132: {  	v4 =	vld [tilespmem:s2+$0x2930]  }
0x133: {  	v34 =	vld [tilespmem:s31+$0x2730];
	_ =	sdelay $0x4  }
0x134: {  	v4 =	vmul.f32 v34, v4;
	_ =	sdelay $0x1  }
0x135: {  	[tilespmem:s30+$0x5130] =	vst v4  }
0x136: {  	v4 =	vld [tilespmem:s2+$0x2940]  }
0x137: {  	v35 =	vld [tilespmem:s31+$0x2740];
	_ =	sdelay $0x4  }
0x138: {  	v4 =	vmul.f32 v35, v4;
	_ =	sdelay $0x1  }
0x139: {  	[tilespmem:s30+$0x5140] =	vst v4  }
0x13a: {  	v4 =	vld [tilespmem:s2+$0x2950]  }
0x13b: {  	v36 =	vld [tilespmem:s31+$0x2750];
	_ =	sdelay $0x4  }
0x13c: {  	v4 =	vmul.f32 v36, v4;
	_ =	sdelay $0x1  }
0x13d: {  	[tilespmem:s30+$0x5150] =	vst v4  }
0x13e: {  	v4 =	vld [tilespmem:s2+$0x2960]  }
0x13f: {  	v37 =	vld [tilespmem:s31+$0x2760];
	_ =	sdelay $0x4  }
0x140: {  	v4 =	vmul.f32 v37, v4;
	_ =	sdelay $0x1  }
0x141: {  	[tilespmem:s30+$0x5160] =	vst v4  }
0x142: {  	v4 =	vld [tilespmem:s2+$0x2970]  }
0x143: {  	v38 =	vld [tilespmem:s31+$0x2770];
	_ =	sdelay $0x1  }
0x144: {  	(v2sf) =	vpush v3, $0x6;
	_ =	sdelay $0x2  }
0x145: {  	v4 =	vmul.f32 v38, v4;
	_ =	sdelay $0x1  }
0x146: {  	[tilespmem:s30+$0x5170] =	vst v4  }
0x147: {  	v4 =	vld [tilespmem:s2+$0x2980]  }
0x148: {  	v39 =	vld [tilespmem:s31+$0x2780];
	_ =	sdelay $0x4  }
0x149: {  	s2 =	sor.u32 $0x6, s29;
	v4 =	vmul.f32 v39, v4  }
0x14a: {  	s31 =	sshll.u32 s2, $0x7  }
0x14b: {  	[tilespmem:s30+$0x5180] =	vst v4;
	s30 =	sand.u32 $0x3FFFFB00, s31  }
0x14c: {  	s31 =	spop (v2sf);
	v4 =	vld [tilespmem:s30+$0x2910]  }
0x14d: {  	v40 =	vld [tilespmem:s31+$0x2710];
	_ =	sdelay $0x3  }
0x14e: {  	s2 =	smul.u32 $0x240, s2  }
0x14f: {  	v4 =	vmul.f32 v40, v4  }
0x150: {  	s2 =	sshra.s32 s2, $0x2  }
0x151: {  	[tilespmem:s2+$0x5110] =	vst v4  }
0x152: {  	v4 =	vld [tilespmem:s30+$0x2920]  }
0x153: {  	v41 =	vld [tilespmem:s31+$0x2720];
	_ =	sdelay $0x4  }
0x154: {  	v4 =	vmul.f32 v41, v4;
	_ =	sdelay $0x1  }
0x155: {  	[tilespmem:s2+$0x5120] =	vst v4  }
0x156: {  	v4 =	vld [tilespmem:s30+$0x2930]  }
0x157: {  	v42 =	vld [tilespmem:s31+$0x2730];
	_ =	sdelay $0x4  }
0x158: {  	v4 =	vmul.f32 v42, v4;
	_ =	sdelay $0x1  }
0x159: {  	[tilespmem:s2+$0x5130] =	vst v4  }
0x15a: {  	v4 =	vld [tilespmem:s30+$0x2940]  }
0x15b: {  	v43 =	vld [tilespmem:s31+$0x2740];
	_ =	sdelay $0x4  }
0x15c: {  	v4 =	vmul.f32 v43, v4;
	_ =	sdelay $0x1  }
0x15d: {  	[tilespmem:s2+$0x5140] =	vst v4  }
0x15e: {  	v4 =	vld [tilespmem:s30+$0x2950]  }
0x15f: {  	v44 =	vld [tilespmem:s31+$0x2750];
	_ =	sdelay $0x4  }
0x160: {  	v4 =	vmul.f32 v44, v4;
	_ =	sdelay $0x1  }
0x161: {  	[tilespmem:s2+$0x5150] =	vst v4  }
0x162: {  	v4 =	vld [tilespmem:s30+$0x2960]  }
0x163: {  	v45 =	vld [tilespmem:s31+$0x2760];
	_ =	sdelay $0x4  }
0x164: {  	v4 =	vmul.f32 v45, v4;
	_ =	sdelay $0x1  }
0x165: {  	[tilespmem:s2+$0x5160] =	vst v4  }
0x166: {  	v4 =	vld [tilespmem:s30+$0x2970]  }
0x167: {  	v46 =	vld [tilespmem:s31+$0x2770];
	_ =	sdelay $0x1  }
0x168: {  	(v2sf) =	vpush v3, $0x7;
	_ =	sdelay $0x2  }
0x169: {  	v4 =	vmul.f32 v46, v4;
	_ =	sdelay $0x1  }
0x16a: {  	[tilespmem:s2+$0x5170] =	vst v4  }
0x16b: {  	v4 =	vld [tilespmem:s30+$0x2980]  }
0x16c: {  	v47 =	vld [tilespmem:s31+$0x2780];
	_ =	sdelay $0x4  }
0x16d: {  	s30 =	sor.u32 $0x7, s29;
	v4 =	vmul.f32 v47, v4  }
0x16e: {  	s31 =	sshll.u32 s30, $0x7  }
0x16f: {  	[tilespmem:s2+$0x5180] =	vst v4;
	s2 =	sand.u32 $0x3FFFFB80, s31  }
0x170: {  	s31 =	spop (v2sf);
	v4 =	vld [tilespmem:s2+$0x2910]  }
0x171: {  	v48 =	vld [tilespmem:s31+$0x2710];
	_ =	sdelay $0x3  }
0x172: {  	s30 =	smul.u32 $0x240, s30  }
0x173: {  	v4 =	vmul.f32 v48, v4  }
0x174: {  	s30 =	sshra.s32 s30, $0x2  }
0x175: {  	[tilespmem:s30+$0x5110] =	vst v4  }
0x176: {  	v4 =	vld [tilespmem:s2+$0x2920]  }
0x177: {  	v49 =	vld [tilespmem:s31+$0x2720];
	_ =	sdelay $0x4  }
0x178: {  	v4 =	vmul.f32 v49, v4;
	_ =	sdelay $0x1  }
0x179: {  	[tilespmem:s30+$0x5120] =	vst v4  }
0x17a: {  	v4 =	vld [tilespmem:s2+$0x2930]  }
0x17b: {  	v50 =	vld [tilespmem:s31+$0x2730];
	_ =	sdelay $0x4  }
0x17c: {  	v4 =	vmul.f32 v50, v4;
	_ =	sdelay $0x1  }
0x17d: {  	[tilespmem:s30+$0x5130] =	vst v4  }
0x17e: {  	v4 =	vld [tilespmem:s2+$0x2940]  }
0x17f: {  	v51 =	vld [tilespmem:s31+$0x2740];
	_ =	sdelay $0x4  }
0x180: {  	v4 =	vmul.f32 v51, v4;
	_ =	sdelay $0x1  }
0x181: {  	[tilespmem:s30+$0x5140] =	vst v4  }
0x182: {  	v4 =	vld [tilespmem:s2+$0x2950]  }
0x183: {  	v52 =	vld [tilespmem:s31+$0x2750];
	_ =	sdelay $0x4  }
0x184: {  	v4 =	vmul.f32 v52, v4;
	_ =	sdelay $0x1  }
0x185: {  	[tilespmem:s30+$0x5150] =	vst v4  }
0x186: {  	v4 =	vld [tilespmem:s2+$0x2960]  }
0x187: {  	v53 =	vld [tilespmem:s31+$0x2760];
	_ =	sdelay $0x4  }
0x188: {  	v4 =	vmul.f32 v53, v4;
	_ =	sdelay $0x1  }
0x189: {  	[tilespmem:s30+$0x5160] =	vst v4  }
0x18a: {  	v4 =	vld [tilespmem:s2+$0x2970]  }
0x18b: {  	v54 =	vld [tilespmem:s31+$0x2770];
	_ =	sdelay $0x1  }
0x18c: {  	(v2sf) =	vpush v3, $0x8;
	_ =	sdelay $0x2  }
0x18d: {  	v4 =	vmul.f32 v54, v4;
	_ =	sdelay $0x1  }
0x18e: {  	[tilespmem:s30+$0x5170] =	vst v4  }
0x18f: {  	v4 =	vld [tilespmem:s2+$0x2980]  }
0x190: {  	v55 =	vld [tilespmem:s31+$0x2780];
	_ =	sdelay $0x4  }
0x191: {  	s2 =	sor.u32 $0x8, s29;
	v4 =	vmul.f32 v55, v4  }
0x192: {  	s31 =	sshll.u32 s2, $0x7  }
0x193: {  	[tilespmem:s30+$0x5180] =	vst v4;
	s30 =	sand.u32 $0x3FFFFC00, s31  }
0x194: {  	s31 =	spop (v2sf);
	v4 =	vld [tilespmem:s30+$0x2910]  }
0x195: {  	v56 =	vld [tilespmem:s31+$0x2710];
	_ =	sdelay $0x3  }
0x196: {  	s2 =	smul.u32 $0x240, s2  }
0x197: {  	v4 =	vmul.f32 v56, v4  }
0x198: {  	s2 =	sshra.s32 s2, $0x2  }
0x199: {  	[tilespmem:s2+$0x5110] =	vst v4  }
0x19a: {  	v4 =	vld [tilespmem:s30+$0x2920]  }
0x19b: {  	v57 =	vld [tilespmem:s31+$0x2720];
	_ =	sdelay $0x4  }
0x19c: {  	v4 =	vmul.f32 v57, v4;
	_ =	sdelay $0x1  }
0x19d: {  	[tilespmem:s2+$0x5120] =	vst v4  }
0x19e: {  	v4 =	vld [tilespmem:s30+$0x2930]  }
0x19f: {  	v58 =	vld [tilespmem:s31+$0x2730];
	_ =	sdelay $0x4  }
0x1a0: {  	v4 =	vmul.f32 v58, v4;
	_ =	sdelay $0x1  }
0x1a1: {  	[tilespmem:s2+$0x5130] =	vst v4  }
0x1a2: {  	v4 =	vld [tilespmem:s30+$0x2940]  }
0x1a3: {  	v59 =	vld [tilespmem:s31+$0x2740];
	_ =	sdelay $0x4  }
0x1a4: {  	v4 =	vmul.f32 v59, v4;
	_ =	sdelay $0x1  }
0x1a5: {  	[tilespmem:s2+$0x5140] =	vst v4  }
0x1a6: {  	v4 =	vld [tilespmem:s30+$0x2950]  }
0x1a7: {  	v60 =	vld [tilespmem:s31+$0x2750];
	_ =	sdelay $0x4  }
0x1a8: {  	v4 =	vmul.f32 v60, v4;
	_ =	sdelay $0x1  }
0x1a9: {  	[tilespmem:s2+$0x5150] =	vst v4  }
0x1aa: {  	v4 =	vld [tilespmem:s30+$0x2960]  }
0x1ab: {  	v61 =	vld [tilespmem:s31+$0x2760];
	_ =	sdelay $0x4  }
0x1ac: {  	v4 =	vmul.f32 v61, v4;
	_ =	sdelay $0x1  }
0x1ad: {  	[tilespmem:s2+$0x5160] =	vst v4  }
0x1ae: {  	v4 =	vld [tilespmem:s30+$0x2970]  }
0x1af: {  	v62 =	vld [tilespmem:s31+$0x2770];
	_ =	sdelay $0x1  }
0x1b0: {  	(v2sf) =	vpush v3, $0x9;
	_ =	sdelay $0x2  }
0x1b1: {  	v4 =	vmul.f32 v62, v4;
	_ =	sdelay $0x1  }
0x1b2: {  	[tilespmem:s2+$0x5170] =	vst v4  }
0x1b3: {  	v4 =	vld [tilespmem:s30+$0x2980]  }
0x1b4: {  	v63 =	vld [tilespmem:s31+$0x2780];
	_ =	sdelay $0x4  }
0x1b5: {  	s30 =	sor.u32 $0x9, s29;
	v4 =	vmul.f32 v63, v4  }
0x1b6: {  	s31 =	sshll.u32 s30, $0x7  }
0x1b7: {  	[tilespmem:s2+$0x5180] =	vst v4;
	s2 =	sand.u32 $0x3FFFFC80, s31  }
0x1b8: {  	s31 =	spop (v2sf);
	v4 =	vld [tilespmem:s2+$0x2910]  }
0x1b9: {  	v8 =	vld [tilespmem:s31+$0x2710];
	_ =	sdelay $0x3  }
0x1ba: {  	s30 =	smul.u32 $0x240, s30  }
0x1bb: {  	v4 =	vmul.f32 v8, v4  }
0x1bc: {  	s30 =	sshra.s32 s30, $0x2  }
0x1bd: {  	[tilespmem:s30+$0x5110] =	vst v4  }
0x1be: {  	v4 =	vld [tilespmem:s2+$0x2920]  }
0x1bf: {  	v9 =	vld [tilespmem:s31+$0x2720];
	_ =	sdelay $0x4  }
0x1c0: {  	v4 =	vmul.f32 v9, v4;
	_ =	sdelay $0x1  }
0x1c1: {  	[tilespmem:s30+$0x5120] =	vst v4  }
0x1c2: {  	v4 =	vld [tilespmem:s2+$0x2930]  }
0x1c3: {  	v10 =	vld [tilespmem:s31+$0x2730];
	_ =	sdelay $0x4  }
0x1c4: {  	v4 =	vmul.f32 v10, v4;
	_ =	sdelay $0x1  }
0x1c5: {  	[tilespmem:s30+$0x5130] =	vst v4  }
0x1c6: {  	v4 =	vld [tilespmem:s2+$0x2940]  }
0x1c7: {  	v11 =	vld [tilespmem:s31+$0x2740];
	_ =	sdelay $0x4  }
0x1c8: {  	v4 =	vmul.f32 v11, v4;
	_ =	sdelay $0x1  }
0x1c9: {  	[tilespmem:s30+$0x5140] =	vst v4  }
0x1ca: {  	v4 =	vld [tilespmem:s2+$0x2950]  }
0x1cb: {  	v12 =	vld [tilespmem:s31+$0x2750];
	_ =	sdelay $0x4  }
0x1cc: {  	v4 =	vmul.f32 v12, v4;
	_ =	sdelay $0x1  }
0x1cd: {  	[tilespmem:s30+$0x5150] =	vst v4  }
0x1ce: {  	v4 =	vld [tilespmem:s2+$0x2960]  }
0x1cf: {  	v13 =	vld [tilespmem:s31+$0x2760];
	_ =	sdelay $0x4  }
0x1d0: {  	v4 =	vmul.f32 v13, v4;
	_ =	sdelay $0x1  }
0x1d1: {  	[tilespmem:s30+$0x5160] =	vst v4  }
0x1d2: {  	v4 =	vld [tilespmem:s2+$0x2970]  }
0x1d3: {  	v14 =	vld [tilespmem:s31+$0x2770];
	_ =	sdelay $0x1  }
0x1d4: {  	(v2sf) =	vpush v3, $0xA;
	_ =	sdelay $0x2  }
0x1d5: {  	v4 =	vmul.f32 v14, v4;
	_ =	sdelay $0x1  }
0x1d6: {  	[tilespmem:s30+$0x5170] =	vst v4  }
0x1d7: {  	v4 =	vld [tilespmem:s2+$0x2980]  }
0x1d8: {  	v15 =	vld [tilespmem:s31+$0x2780];
	_ =	sdelay $0x4  }
0x1d9: {  	s2 =	sor.u32 $0xA, s29;
	v4 =	vmul.f32 v15, v4  }
0x1da: {  	s31 =	sshll.u32 s2, $0x7  }
0x1db: {  	[tilespmem:s30+$0x5180] =	vst v4;
	s30 =	sand.u32 $0x3FFFFD00, s31  }
0x1dc: {  	s31 =	spop (v2sf);
	v4 =	vld [tilespmem:s30+$0x2910]  }
0x1dd: {  	v16 =	vld [tilespmem:s31+$0x2710];
	_ =	sdelay $0x3  }
0x1de: {  	s2 =	smul.u32 $0x240, s2  }
0x1df: {  	v4 =	vmul.f32 v16, v4  }
0x1e0: {  	s2 =	sshra.s32 s2, $0x2  }
0x1e1: {  	[tilespmem:s2+$0x5110] =	vst v4  }
0x1e2: {  	v4 =	vld [tilespmem:s30+$0x2920]  }
0x1e3: {  	v17 =	vld [tilespmem:s31+$0x2720];
	_ =	sdelay $0x4  }
0x1e4: {  	v4 =	vmul.f32 v17, v4;
	_ =	sdelay $0x1  }
0x1e5: {  	[tilespmem:s2+$0x5120] =	vst v4  }
0x1e6: {  	v4 =	vld [tilespmem:s30+$0x2930]  }
0x1e7: {  	v18 =	vld [tilespmem:s31+$0x2730];
	_ =	sdelay $0x4  }
0x1e8: {  	v4 =	vmul.f32 v18, v4;
	_ =	sdelay $0x1  }
0x1e9: {  	[tilespmem:s2+$0x5130] =	vst v4  }
0x1ea: {  	v4 =	vld [tilespmem:s30+$0x2940]  }
0x1eb: {  	v19 =	vld [tilespmem:s31+$0x2740];
	_ =	sdelay $0x4  }
0x1ec: {  	v4 =	vmul.f32 v19, v4;
	_ =	sdelay $0x1  }
0x1ed: {  	[tilespmem:s2+$0x5140] =	vst v4  }
0x1ee: {  	v4 =	vld [tilespmem:s30+$0x2950]  }
0x1ef: {  	v20 =	vld [tilespmem:s31+$0x2750];
	_ =	sdelay $0x4  }
0x1f0: {  	v4 =	vmul.f32 v20, v4;
	_ =	sdelay $0x1  }
0x1f1: {  	[tilespmem:s2+$0x5150] =	vst v4  }
0x1f2: {  	v4 =	vld [tilespmem:s30+$0x2960]  }
0x1f3: {  	v21 =	vld [tilespmem:s31+$0x2760];
	_ =	sdelay $0x4  }
0x1f4: {  	v4 =	vmul.f32 v21, v4;
	_ =	sdelay $0x1  }
0x1f5: {  	[tilespmem:s2+$0x5160] =	vst v4  }
0x1f6: {  	v4 =	vld [tilespmem:s30+$0x2970]  }
0x1f7: {  	v22 =	vld [tilespmem:s31+$0x2770];
	_ =	sdelay $0x1  }
0x1f8: {  	(v2sf) =	vpush v3, $0xB;
	_ =	sdelay $0x2  }
0x1f9: {  	v4 =	vmul.f32 v22, v4;
	_ =	sdelay $0x1  }
0x1fa: {  	[tilespmem:s2+$0x5170] =	vst v4  }
0x1fb: {  	v4 =	vld [tilespmem:s30+$0x2980]  }
0x1fc: {  	v23 =	vld [tilespmem:s31+$0x2780];
	_ =	sdelay $0x4  }
0x1fd: {  	s30 =	sor.u32 $0xB, s29;
	v4 =	vmul.f32 v23, v4  }
0x1fe: {  	s31 =	sshll.u32 s30, $0x7  }
0x1ff: {  	[tilespmem:s2+$0x5180] =	vst v4;
	s2 =	sand.u32 $0x3FFFFD80, s31  }
0x200: {  	s31 =	spop (v2sf);
	v4 =	vld [tilespmem:s2+$0x2910]  }
0x201: {  	v24 =	vld [tilespmem:s31+$0x2710];
	_ =	sdelay $0x3  }
0x202: {  	s30 =	smul.u32 $0x240, s30  }
0x203: {  	v4 =	vmul.f32 v24, v4  }
0x204: {  	s30 =	sshra.s32 s30, $0x2  }
0x205: {  	[tilespmem:s30+$0x5110] =	vst v4  }
0x206: {  	v4 =	vld [tilespmem:s2+$0x2920]  }
0x207: {  	v25 =	vld [tilespmem:s31+$0x2720];
	_ =	sdelay $0x4  }
0x208: {  	v4 =	vmul.f32 v25, v4;
	_ =	sdelay $0x1  }
0x209: {  	[tilespmem:s30+$0x5120] =	vst v4  }
0x20a: {  	v4 =	vld [tilespmem:s2+$0x2930]  }
0x20b: {  	v26 =	vld [tilespmem:s31+$0x2730];
	_ =	sdelay $0x4  }
0x20c: {  	v4 =	vmul.f32 v26, v4;
	_ =	sdelay $0x1  }
0x20d: {  	[tilespmem:s30+$0x5130] =	vst v4  }
0x20e: {  	v4 =	vld [tilespmem:s2+$0x2940]  }
0x20f: {  	v27 =	vld [tilespmem:s31+$0x2740];
	_ =	sdelay $0x4  }
0x210: {  	v4 =	vmul.f32 v27, v4;
	_ =	sdelay $0x1  }
0x211: {  	[tilespmem:s30+$0x5140] =	vst v4  }
0x212: {  	v4 =	vld [tilespmem:s2+$0x2950]  }
0x213: {  	v28 =	vld [tilespmem:s31+$0x2750];
	_ =	sdelay $0x4  }
0x214: {  	v4 =	vmul.f32 v28, v4;
	_ =	sdelay $0x1  }
0x215: {  	[tilespmem:s30+$0x5150] =	vst v4  }
0x216: {  	v4 =	vld [tilespmem:s2+$0x2960]  }
0x217: {  	v29 =	vld [tilespmem:s31+$0x2760];
	_ =	sdelay $0x4  }
0x218: {  	v4 =	vmul.f32 v29, v4;
	_ =	sdelay $0x1  }
0x219: {  	[tilespmem:s30+$0x5160] =	vst v4  }
0x21a: {  	v4 =	vld [tilespmem:s2+$0x2970]  }
0x21b: {  	v30 =	vld [tilespmem:s31+$0x2770];
	_ =	sdelay $0x1  }
0x21c: {  	(v2sf) =	vpush v3, $0xC;
	_ =	sdelay $0x2  }
0x21d: {  	v4 =	vmul.f32 v30, v4;
	_ =	sdelay $0x1  }
0x21e: {  	[tilespmem:s30+$0x5170] =	vst v4  }
0x21f: {  	v4 =	vld [tilespmem:s2+$0x2980]  }
0x220: {  	v31 =	vld [tilespmem:s31+$0x2780];
	_ =	sdelay $0x4  }
0x221: {  	s2 =	sor.u32 $0xC, s29;
	v4 =	vmul.f32 v31, v4  }
0x222: {  	s31 =	sshll.u32 s2, $0x7  }
0x223: {  	[tilespmem:s30+$0x5180] =	vst v4;
	s30 =	sand.u32 $0x3FFFFE00, s31  }
0x224: {  	s31 =	spop (v2sf);
	v4 =	vld [tilespmem:s30+$0x2910]  }
0x225: {  	v32 =	vld [tilespmem:s31+$0x2710];
	_ =	sdelay $0x3  }
0x226: {  	s2 =	smul.u32 $0x240, s2  }
0x227: {  	v4 =	vmul.f32 v32, v4  }
0x228: {  	s2 =	sshra.s32 s2, $0x2  }
0x229: {  	[tilespmem:s2+$0x5110] =	vst v4  }
0x22a: {  	v4 =	vld [tilespmem:s30+$0x2920]  }
0x22b: {  	v33 =	vld [tilespmem:s31+$0x2720];
	_ =	sdelay $0x4  }
0x22c: {  	v4 =	vmul.f32 v33, v4;
	_ =	sdelay $0x1  }
0x22d: {  	[tilespmem:s2+$0x5120] =	vst v4  }
0x22e: {  	v4 =	vld [tilespmem:s30+$0x2930]  }
0x22f: {  	v34 =	vld [tilespmem:s31+$0x2730];
	_ =	sdelay $0x4  }
0x230: {  	v4 =	vmul.f32 v34, v4;
	_ =	sdelay $0x1  }
0x231: {  	[tilespmem:s2+$0x5130] =	vst v4  }
0x232: {  	v4 =	vld [tilespmem:s30+$0x2940]  }
0x233: {  	v35 =	vld [tilespmem:s31+$0x2740];
	_ =	sdelay $0x4  }
0x234: {  	v4 =	vmul.f32 v35, v4;
	_ =	sdelay $0x1  }
0x235: {  	[tilespmem:s2+$0x5140] =	vst v4  }
0x236: {  	v4 =	vld [tilespmem:s30+$0x2950]  }
0x237: {  	v36 =	vld [tilespmem:s31+$0x2750];
	_ =	sdelay $0x4  }
0x238: {  	v4 =	vmul.f32 v36, v4;
	_ =	sdelay $0x1  }
0x239: {  	[tilespmem:s2+$0x5150] =	vst v4  }
0x23a: {  	v4 =	vld [tilespmem:s30+$0x2960]  }
0x23b: {  	v37 =	vld [tilespmem:s31+$0x2760];
	_ =	sdelay $0x4  }
0x23c: {  	v4 =	vmul.f32 v37, v4;
	_ =	sdelay $0x1  }
0x23d: {  	[tilespmem:s2+$0x5160] =	vst v4  }
0x23e: {  	v4 =	vld [tilespmem:s30+$0x2970]  }
0x23f: {  	v38 =	vld [tilespmem:s31+$0x2770];
	_ =	sdelay $0x1  }
0x240: {  	(v2sf) =	vpush v3, $0xD;
	_ =	sdelay $0x2  }
0x241: {  	v4 =	vmul.f32 v38, v4;
	_ =	sdelay $0x1  }
0x242: {  	[tilespmem:s2+$0x5170] =	vst v4  }
0x243: {  	v4 =	vld [tilespmem:s30+$0x2980]  }
0x244: {  	v39 =	vld [tilespmem:s31+$0x2780];
	_ =	sdelay $0x4  }
0x245: {  	s30 =	sor.u32 $0xD, s29;
	v4 =	vmul.f32 v39, v4  }
0x246: {  	s31 =	sshll.u32 s30, $0x7  }
0x247: {  	[tilespmem:s2+$0x5180] =	vst v4;
	s2 =	sand.u32 $0x3FFFFE80, s31  }
0x248: {  	s31 =	spop (v2sf);
	v4 =	vld [tilespmem:s2+$0x2910]  }
0x249: {  	v40 =	vld [tilespmem:s31+$0x2710];
	_ =	sdelay $0x3  }
0x24a: {  	s30 =	smul.u32 $0x240, s30  }
0x24b: {  	v4 =	vmul.f32 v40, v4  }
0x24c: {  	s30 =	sshra.s32 s30, $0x2  }
0x24d: {  	[tilespmem:s30+$0x5110] =	vst v4  }
0x24e: {  	v4 =	vld [tilespmem:s2+$0x2920]  }
0x24f: {  	v41 =	vld [tilespmem:s31+$0x2720];
	_ =	sdelay $0x4  }
0x250: {  	v4 =	vmul.f32 v41, v4;
	_ =	sdelay $0x1  }
0x251: {  	[tilespmem:s30+$0x5120] =	vst v4  }
0x252: {  	v4 =	vld [tilespmem:s2+$0x2930]  }
0x253: {  	v42 =	vld [tilespmem:s31+$0x2730];
	_ =	sdelay $0x4  }
0x254: {  	v4 =	vmul.f32 v42, v4;
	_ =	sdelay $0x1  }
0x255: {  	[tilespmem:s30+$0x5130] =	vst v4  }
0x256: {  	v4 =	vld [tilespmem:s2+$0x2940]  }
0x257: {  	v43 =	vld [tilespmem:s31+$0x2740];
	_ =	sdelay $0x4  }
0x258: {  	v4 =	vmul.f32 v43, v4;
	_ =	sdelay $0x1  }
0x259: {  	[tilespmem:s30+$0x5140] =	vst v4  }
0x25a: {  	v4 =	vld [tilespmem:s2+$0x2950]  }
0x25b: {  	v44 =	vld [tilespmem:s31+$0x2750];
	_ =	sdelay $0x4  }
0x25c: {  	v4 =	vmul.f32 v44, v4;
	_ =	sdelay $0x1  }
0x25d: {  	[tilespmem:s30+$0x5150] =	vst v4  }
0x25e: {  	v4 =	vld [tilespmem:s2+$0x2960]  }
0x25f: {  	v45 =	vld [tilespmem:s31+$0x2760];
	_ =	sdelay $0x4  }
0x260: {  	v4 =	vmul.f32 v45, v4;
	_ =	sdelay $0x1  }
0x261: {  	[tilespmem:s30+$0x5160] =	vst v4  }
0x262: {  	v4 =	vld [tilespmem:s2+$0x2970]  }
0x263: {  	v46 =	vld [tilespmem:s31+$0x2770];
	_ =	sdelay $0x1  }
0x264: {  	(v2sf) =	vpush v3, $0xE;
	_ =	sdelay $0x2  }
0x265: {  	v4 =	vmul.f32 v46, v4;
	_ =	sdelay $0x1  }
0x266: {  	[tilespmem:s30+$0x5170] =	vst v4  }
0x267: {  	v4 =	vld [tilespmem:s2+$0x2980]  }
0x268: {  	v47 =	vld [tilespmem:s31+$0x2780];
	_ =	sdelay $0x4  }
0x269: {  	s2 =	sor.u32 $0xE, s29;
	v4 =	vmul.f32 v47, v4  }
0x26a: {  	s29 =	sshll.u32 s2, $0x7  }
0x26b: {  	s29 =	sand.u32 $0x3FFFFF00, s29;
	[tilespmem:s30+$0x5180] =	vst v4  }
0x26c: {  	s31 =	spop (v2sf);
	v4 =	vld [tilespmem:s29+$0x2910]  }
0x26d: {  	v48 =	vld [tilespmem:s31+$0x2710];
	_ =	sdelay $0x3  }
0x26e: {  	s2 =	smul.u32 $0x240, s2  }
0x26f: {  	v4 =	vmul.f32 v48, v4  }
0x270: {  	s2 =	sshra.s32 s2, $0x2  }
0x271: {  	[tilespmem:s2+$0x5110] =	vst v4  }
0x272: {  	v4 =	vld [tilespmem:s29+$0x2920]  }
0x273: {  	v49 =	vld [tilespmem:s31+$0x2720];
	_ =	sdelay $0x4  }
0x274: {  	v4 =	vmul.f32 v49, v4;
	_ =	sdelay $0x1  }
0x275: {  	[tilespmem:s2+$0x5120] =	vst v4  }
0x276: {  	v4 =	vld [tilespmem:s29+$0x2930]  }
0x277: {  	v50 =	vld [tilespmem:s31+$0x2730];
	_ =	sdelay $0x4  }
0x278: {  	v4 =	vmul.f32 v50, v4;
	_ =	sdelay $0x1  }
0x279: {  	[tilespmem:s2+$0x5130] =	vst v4  }
0x27a: {  	v4 =	vld [tilespmem:s29+$0x2940]  }
0x27b: {  	v51 =	vld [tilespmem:s31+$0x2740];
	_ =	sdelay $0x4  }
0x27c: {  	v4 =	vmul.f32 v51, v4;
	_ =	sdelay $0x1  }
0x27d: {  	[tilespmem:s2+$0x5140] =	vst v4  }
0x27e: {  	v4 =	vld [tilespmem:s29+$0x2950]  }
0x27f: {  	v52 =	vld [tilespmem:s31+$0x2750];
	_ =	sdelay $0x4  }
0x280: {  	v4 =	vmul.f32 v52, v4;
	_ =	sdelay $0x1  }
0x281: {  	[tilespmem:s2+$0x5150] =	vst v4  }
0x282: {  	v4 =	vld [tilespmem:s29+$0x2960]  }
0x283: {  	v53 =	vld [tilespmem:s31+$0x2760];
	_ =	sdelay $0x4  }
0x284: {  	v4 =	vmul.f32 v53, v4;
	_ =	sdelay $0x1  }
0x285: {  	[tilespmem:s2+$0x5160] =	vst v4  }
0x286: {  	v4 =	vld [tilespmem:s29+$0x2970]  }
0x287: {  	v54 =	vld [tilespmem:s31+$0x2770];
	_ =	sdelay $0x1  }
0x288: {  	(v2sf) =	vpush v3, $0xF;
	_ =	sdelay $0x2  }
0x289: {  	v3 =	vmul.f32 v54, v4;
	_ =	sdelay $0x1  }
0x28a: {  	[tilespmem:s2+$0x5170] =	vst v3  }
0x28b: {  	v3 =	vld [tilespmem:s29+$0x2980]  }
0x28c: {  	v55 =	vld [tilespmem:s31+$0x2780];
	_ =	sdelay $0x4  }
0x28d: {  	s29 =	sshllo.u32 s28, $0x4;
	v3 =	vmul.f32 v55, v3  }
0x28e: {  	s31 =	sshll.u32 s29, $0x7  }
0x28f: {  	[tilespmem:s2+$0x5180] =	vst v3;
	s2 =	sand.u32 $0x3FFFFF80, s31  }
0x290: {  	s31 =	spop (v2sf);
	v3 =	vld [tilespmem:s2+$0x2910]  }
0x291: {  	v56 =	vld [tilespmem:s31+$0x2710];
	_ =	sdelay $0x3  }
0x292: {  	s29 =	smul.u32 $0x240, s29  }
0x293: {  	v3 =	vmul.f32 v56, v3  }
0x294: {  	s29 =	sshra.s32 s29, $0x2  }
0x295: {  	[tilespmem:s29+$0x5110] =	vst v3  }
0x296: {  	v3 =	vld [tilespmem:s2+$0x2920]  }
0x297: {  	v57 =	vld [tilespmem:s31+$0x2720];
	_ =	sdelay $0x4  }
0x298: {  	v3 =	vmul.f32 v57, v3;
	_ =	sdelay $0x1  }
0x299: {  	[tilespmem:s29+$0x5120] =	vst v3  }
0x29a: {  	v3 =	vld [tilespmem:s2+$0x2930]  }
0x29b: {  	v58 =	vld [tilespmem:s31+$0x2730];
	_ =	sdelay $0x4  }
0x29c: {  	v3 =	vmul.f32 v58, v3;
	_ =	sdelay $0x1  }
0x29d: {  	[tilespmem:s29+$0x5130] =	vst v3  }
0x29e: {  	v3 =	vld [tilespmem:s2+$0x2940]  }
0x29f: {  	v59 =	vld [tilespmem:s31+$0x2740];
	_ =	sdelay $0x4  }
0x2a0: {  	v3 =	vmul.f32 v59, v3;
	_ =	sdelay $0x1  }
0x2a1: {  	[tilespmem:s29+$0x5140] =	vst v3  }
0x2a2: {  	v3 =	vld [tilespmem:s2+$0x2950]  }
0x2a3: {  	v60 =	vld [tilespmem:s31+$0x2750];
	_ =	sdelay $0x4  }
0x2a4: {  	v3 =	vmul.f32 v60, v3;
	_ =	sdelay $0x1  }
0x2a5: {  	[tilespmem:s29+$0x5150] =	vst v3  }
0x2a6: {  	v3 =	vld [tilespmem:s2+$0x2960]  }
0x2a7: {  	v61 =	vld [tilespmem:s31+$0x2760];
	_ =	sdelay $0x4  }
0x2a8: {  	v3 =	vmul.f32 v61, v3;
	_ =	sdelay $0x1  }
0x2a9: {  	[tilespmem:s29+$0x5160] =	vst v3  }
0x2aa: {  	v3 =	vld [tilespmem:s2+$0x2970]  }
0x2ab: {  	v62 =	vld [tilespmem:s31+$0x2770];
	_ =	sdelay $0x4  }
0x2ac: {  	v3 =	vmul.f32 v62, v3;
	_ =	sdelay $0x1  }
0x2ad: {  	[tilespmem:s29+$0x5170] =	vst v3  }
0x2ae: {  	v3 =	vld [tilespmem:s2+$0x2980]  }
0x2af: {  	v63 =	vld [tilespmem:s31+$0x2780];
	_ =	sdelay $0x1  }
0x2b0: {  	p0 =	sne.s32 s28, $0x4  }
.Ltmp2:
0x2b1: {  	_ = 	snop;
	(pc) =	sbr.rel @p0 .LBB2_7-.Ltmp2, $3  }
0x2b2: {  	_ = 	snop  }
0x2b3: {  	v3 =	vmul.f32 v63, v3;
	_ =	sdelay $0x1  }
0x2b4: {  	s28 =	sadd.s32 $0x1, s28;
	[tilespmem:s29+$0x5180] =	vst v3  }
0x2b5: {  	s26 =	sadd.s32 $0x1, s26  }
0x2b6: {  	p0 =	sne.s32 s26, $0x7D  }
.Ltmp3:
0x2b7: {  	_ = 	snop;
	(pc) =	sbr.rel @p0 .LBB2_6-.Ltmp3, $4  }
0x2b8: {  	[spmem:s4] =	stream.indirect.scatter.add.f32 [tilespmem:s17], [sflag:$0x2], $0x90, s24, s20, $0xb8;
	[tilespmem:$0x1DE40] =	vst v63  }
0x2b9: {  	_ =	swait.ge [sflag:s18], $0x2D00  }
0x2ba: {  	[sflag:s18] =	ssyncset.done $0x0  }
0x2bb: {  	[sflag:s18] =	ssyncadd.s32 $0xFFFFD300  }
0x2bc: {  	s25 =	sadd.s32 $0x1, s25  }
0x2bd: {  	s2 =	sshll.u32 s0, $0x6;
	[bflag:$0x0] =	sbarrier.arrive $0xFFFF;
	p0 =	sne.s32 s25, s16  }
.Ltmp4:
0x2be: {  	s26 =	sshrl.u32 s6, $0x3;
	s2 =	sor.u32 $0x1C02, s2;
	(pc) =	sbr.rel @p0 .LBB2_1-.Ltmp4, $4  }
0x2bf: {  	[hbm:s15], [sflag:s2] =	dma.local [spmem:s26], $0x2BF2  }
0x2c0: {  	_ =	swait.ge [sflag:s18], $0x2BF2  }
0x2c1: {  	[sflag:s18] =	ssyncset.done $0x0  }
0x2c2: {  	[sflag:s18] =	ssyncadd.s32 $0xFFFFD40E  }
0x2c3: {  	_ =	sfence.sel $0x180000  }
0x2c4: {  	[bflag:$0x0] =	sbarrier.arrive $0xFFFF  }
0x2c5: {  	_ =	strace $0x90000047  }
0x2c6: {  	[bflag:$0x2] =	sbarrier.arrive $0xFFFF  }
0x2c7: {  	p0 =	sne.s32 s0, $0x0;
	s0 =	rddreg [dreg:$0x5]  }
0x2c8: {  	s0 =	sadd.s32 @!p0 $0x100000, s0  }
0x2c9: {  	[sflag:s0] =	ssyncadd.tile.s32 @!p0 $0x1;
	_ =	shalt  }
.Lfunc_end2:
_tile_overlayer_lowered:
.L_overlay_start_2:
0x2ca: {  	(tag) =	ssettag $0x2  }
0x2cb: {  	s0 =	rddreg [dreg:$0x0];
	s2 =	stileid.u32  }
0x2cc: {  	s1 =	rddreg [dreg:$0x1];
	p0 =	sne.s32 s2, $0x0  }
0x2cd: {  	s3 =	rddreg [dreg:$0x2];
	[bflag:$0x3] =	sbarrier.arrive $0xFFFF;
	s2 =	simm.s32 @!p0 $0x1C02  }
0x2ce: {  	[timem:s3], [sflag:s2] =	dma.local @!p0 [hbm:s0], s1  }
0x2cf: {  	s0 =	simm.s32 @!p0 $0x2  }
0x2d0: {  	_ =	swait.ge @!p0 [sflag:s0], s1  }
0x2d1: {  	s1 =	ssub.s32 @!p0 $0x0, s1;
	[sflag:s0] =	ssyncset.done @!p0 $0x0  }
0x2d2: {  	[sflag:s0] =	ssyncadd.s32 @!p0 s1  }
0x2d3: {  	[bflag:$0x3] =	sbarrier.arrive $0xFFFF  }
0x2d4: {  	_ =	shalt  }

</sc_bundles>
